<compile_context>
chip_gen: v7x
topology: tpu7x:2x2x1
jax: 0.10.2.dev20260603
libtpu: 0.0.44.dev20260713+nightly
codegen_flags: <defaults>
</compile_context>

<pallas_src>
import jax
import jax.numpy as jnp
from jax import lax
from jax.experimental import pallas as pl
from jax.experimental.pallas import tpu as pltpu
from jax.experimental.pallas import tpu_sc as plsc

N = 10000
D = 128
PD = 144
NC, NS, L = 2, 16, 16
NW = NC * NS
E_RAW = 320000
E_REAL = E_RAW + N
CHUNK = 128
NCHUNK = 81
T_TILE = NCHUNK * CHUNK
T_ALL = T_TILE + CHUNK
E_PAD = T_ALL * NW
NP = 10240
RPT = NP // NS
BR = 1000
BRP = 1280


def _pre_body(x_ref, w_ref, asw_ref, adw_ref, hp_ref, as_ref, ad_ref):
    h = jnp.dot(x_ref[...], w_ref[...], preferred_element_type=jnp.float32)
    a_s = (h * asw_ref[...]).sum(axis=1)
    a_d = (h * adw_ref[...]).sum(axis=1)
    hp_ref[:, :D] = h
    col = lax.broadcasted_iota(jnp.int32, (BRP, PD - D), 1)
    hp_ref[:, D:] = jnp.where(col == 0, 1.0,
                              jnp.where(col == 1, a_s[:, None], 0.0))
    i = pl.program_id(0)
    as_ref[pl.ds(pl.multiple_of(i * BRP, 128), BRP)] = a_s
    ad_ref[pl.ds(pl.multiple_of(i * BRP, 128), BRP)] = a_d


def _post_body(part_ref, bias_ref, o_ref):
    p = part_ref[...]
    srow = p[0] + p[1]
    num = srow[:, :D]
    den = srow[:, D:D + 1]
    o_ref[...] = jnp.tanh(num / (den + 1e-16) + bias_ref[...])


def _sc_body(hp_hbm, edges_hbm, adst_hbm, g_hbm, out_hbm,
             gv, ed0, ed1, ad0, ad1, ea0, ea1, rows0, rows1, acc,
             sg0, sg1, sa0, sa1, ss0, ss1):
    c = lax.axis_index("c")
    s = lax.axis_index("s")
    wid = c * NS + s
    pltpu.sync_copy(g_hbm, gv)

    def _zrow(i, carry):
        for j in range(PD // L):
            rows0[i, pl.ds(j * L, L)] = jnp.zeros((L,), jnp.float32)
        return carry
    lax.fori_loop(0, CHUNK, _zrow, 0)
    for b in range(RPT // CHUNK):
        pltpu.sync_copy(rows0,
                        acc.at[pl.ds(s * RPT + b * CHUNK, CHUNK), :])
    plsc.subcore_barrier()

    gvec = gv[...]
    lane = lax.iota(jnp.int32, L)

    def _edge_dma(k, ed):
        pltpu.sync_copy(edges_hbm.at[wid, :, pl.ds(k * CHUNK, CHUNK)], ed)

    def _compute(k, ad_v, ea_v, rows_v):
        base = wid * T_TILE + k * CHUNK
        for g8 in range(CHUNK // L):
            ridx = g8 * L + lane
            a_s = plsc.load_gather(rows_v, [ridx,
                                            jnp.full((L,), D + 1, jnp.int32)])
            al = a_s + ad_v[pl.ds(g8 * L, L)]
            al = jnp.where(al > 0, al, 0.2 * al)
            ea = jnp.exp(al - gvec)
            eid = base + ridx
            ea = jnp.where(eid < E_REAL, ea, 0.0)
            ea_v[pl.ds(g8 * L, L)] = ea

        @plsc.parallel_loop(0, CHUNK, 1, unroll=8)
        def _scale(e):
            eb = plsc.load_gather(ea_v, [jnp.zeros((L,), jnp.int32) + e])
            for j in range(PD // L):
                rows_v[e, pl.ds(j * L, L)] = rows_v[e, pl.ds(j * L, L)] * eb

    def _half(k, ed_b, ad_b, ea_b, rows_b, sg_b, sa_b, ss_b,
              ed_n, ad_n, rows_n, sg_n, sa_n, ss_n, first):
        if not first:
            pltpu.make_async_copy(rows_n, acc.at[ed_n.at[1]], ss_n).wait()
        _edge_dma(k + 1, ed_n)
        pltpu.async_copy(hp_hbm.at[ed_n.at[0]], rows_n, sg_n)
        pltpu.async_copy(adst_hbm.at[ed_n.at[1]], ad_n, sa_n)
        pltpu.make_async_copy(hp_hbm.at[ed_b.at[0]], rows_b, sg_b).wait()
        pltpu.make_async_copy(adst_hbm.at[ed_b.at[1]], ad_b, sa_b).wait()
        _compute(k, ad_b, ea_b, rows_b)
        pltpu.async_copy(rows_b, acc.at[ed_b.at[1]], ss_b, add=True)

    _edge_dma(0, ed0)
    pltpu.async_copy(hp_hbm.at[ed0.at[0]], rows0, sg0)
    pltpu.async_copy(adst_hbm.at[ed0.at[1]], ad0, sa0)
    _half(0, ed0, ad0, ea0, rows0, sg0, sa0, ss0,
          ed1, ad1, rows1, sg1, sa1, ss1, True)

    NPAIR = (NCHUNK - 1) // 2

    def _pair(kk, carry):
        @pl.when(kk < NPAIR)
        def _():
            _half(2 * kk + 1, ed1, ad1, ea1, rows1, sg1, sa1, ss1,
                  ed0, ad0, rows0, sg0, sa0, ss0, False)
            _half(2 * kk + 2, ed0, ad0, ea0, rows0, sg0, sa0, ss0,
                  ed1, ad1, rows1, sg1, sa1, ss1, False)
        return carry
    lax.fori_loop(0, NPAIR, _pair, 0)
    pltpu.make_async_copy(rows0, acc.at[ed0.at[1]], ss0).wait()
    pltpu.make_async_copy(hp_hbm.at[ed1.at[0]], rows1, sg1).wait()
    pltpu.make_async_copy(adst_hbm.at[ed1.at[1]], ad1, sa1).wait()

    plsc.subcore_barrier()
    for b in range(RPT // CHUNK):
        r0 = s * RPT + b * CHUNK
        pltpu.sync_copy(acc.at[pl.ds(r0, CHUNK), :],
                        out_hbm.at[c, pl.ds(r0, CHUNK), :])


def kernel(x, edge_index, W, att_src, att_dst, bias):
    xp = jnp.concatenate([x, jnp.zeros((NP - N, D), jnp.float32)], axis=0)
    hp, a_src, a_dst = pl.pallas_call(
        _pre_body,
        grid=(NP // BRP,),
        in_specs=[
            pl.BlockSpec((BRP, D), lambda i: (i, 0)),
            pl.BlockSpec((D, D), lambda i: (0, 0)),
            pl.BlockSpec((1, D), lambda i: (0, 0)),
            pl.BlockSpec((1, D), lambda i: (0, 0)),
        ],
        out_specs=[
            pl.BlockSpec((BRP, PD), lambda i: (i, 0)),
            pl.BlockSpec((NP,), lambda i: (0,)),
            pl.BlockSpec((NP,), lambda i: (0,)),
        ],
        out_shape=[
            jax.ShapeDtypeStruct((NP, PD), jnp.float32),
            jax.ShapeDtypeStruct((NP,), jnp.float32),
            jax.ShapeDtypeStruct((NP,), jnp.float32),
        ],
    )(xp, W, att_src, att_dst)

    bound = jnp.max(a_src[:N]) + jnp.max(a_dst[:N])
    g = jnp.where(bound > 0, bound, 0.2 * bound)
    g16 = jnp.full((L,), g, jnp.float32)

    loop = jnp.arange(N, dtype=jnp.int32)
    padz = jnp.zeros((NW * T_TILE - E_REAL,), jnp.int32)
    sparez = jnp.zeros((NW, CHUNK), jnp.int32)
    srcp = jnp.concatenate(
        [jnp.concatenate([edge_index[0], loop, padz]).reshape(NW, T_TILE),
         sparez], axis=1)
    dstp = jnp.concatenate(
        [jnp.concatenate([edge_index[1], loop, padz]).reshape(NW, T_TILE),
         sparez], axis=1)
    edges = jnp.stack([srcp, dstp], axis=1)

    mesh = plsc.VectorSubcoreMesh(core_axis_name="c", subcore_axis_name="s")
    part = pl.kernel(
        _sc_body,
        mesh=mesh,
        compiler_params=pltpu.CompilerParams(
            needs_layout_passes=False, use_tc_tiling_on_sc=False),
        out_type=jax.ShapeDtypeStruct((NC, NP, PD), jnp.float32),
        scratch_types=[
            pltpu.VMEM((L,), jnp.float32),
            pltpu.VMEM((2, CHUNK), jnp.int32),
            pltpu.VMEM((2, CHUNK), jnp.int32),
            pltpu.VMEM((CHUNK,), jnp.float32),
            pltpu.VMEM((CHUNK,), jnp.float32),
            pltpu.VMEM((CHUNK,), jnp.float32),
            pltpu.VMEM((CHUNK,), jnp.float32),
            pltpu.VMEM((CHUNK, PD), jnp.float32),
            pltpu.VMEM((CHUNK, PD), jnp.float32),
            pltpu.VMEM_SHARED((NP, PD), jnp.float32),
            pltpu.SemaphoreType.DMA,
            pltpu.SemaphoreType.DMA,
            pltpu.SemaphoreType.DMA,
            pltpu.SemaphoreType.DMA,
            pltpu.SemaphoreType.DMA,
            pltpu.SemaphoreType.DMA,
        ],
    )(hp, edges, a_dst, g16)

    out = pl.pallas_call(
        _post_body,
        grid=(N // BR,),
        in_specs=[
            pl.BlockSpec((NC, BR, PD), lambda i: (0, i, 0)),
            pl.BlockSpec((D,), lambda i: (0,)),
        ],
        out_specs=pl.BlockSpec((BR, D), lambda i: (i, 0)),
        out_shape=jax.ShapeDtypeStruct((N, D), jnp.float32),
    )(part, bias)
    return out

# --- scband reference (transcript-rebuilt; emitter-appended) ---
"""Pipeline reference for scband-breadth-15917148799860 (READ-ONLY COPY).

The authoritative reference and input builder live on the scoring server;
editing this copy changes nothing except your own understanding.
"""

import jax, jax.numpy as jnp
import numpy as np

N = 10000
E = 320000
IN_DIM = 128
OUT_DIM = 128
HEADS = 1


def setup_inputs(seed: int = 0) -> dict:
    key = jax.random.key(seed)
    k1, k2, k3, k4, k5 = jax.random.split(key, 5)
    x = jax.random.normal(k1, (N, IN_DIM), dtype=jnp.float32)
    edge_index = jax.random.randint(k2, (2, E), 0, N, dtype=jnp.int32)
    # GATConv parameters (glorot-style init)
    W = jax.random.normal(k3, (IN_DIM, HEADS * OUT_DIM), dtype=jnp.float32) * (1.0 / np.sqrt(IN_DIM))
    att_src = jax.random.normal(k4, (HEADS, OUT_DIM), dtype=jnp.float32) * (1.0 / np.sqrt(OUT_DIM))
    att_dst = jax.random.normal(k5, (HEADS, OUT_DIM), dtype=jnp.float32) * (1.0 / np.sqrt(OUT_DIM))
    bias = jnp.zeros((HEADS * OUT_DIM,), dtype=jnp.float32)
    return {"x": x, "edge_index": edge_index, "W": W, "att_src": att_src, "att_dst": att_dst, "bias": bias}


def reference(x, edge_index, W, att_src, att_dst, bias):
    n = x.shape[0]
    src = edge_index[0]
    dst = edge_index[1]
    # add self loops (GATConv default add_self_loops=True)
    loop = jnp.arange(n, dtype=src.dtype)
    src = jnp.concatenate([src, loop], axis=0)
    dst = jnp.concatenate([dst, loop], axis=0)
    # linear projection -> [N, H, C]
    h = (x @ W).reshape(n, HEADS, OUT_DIM)
    # per-node attention logits
    a_src = (h * att_src[None, :, :]).sum(-1)  # [N, H]
    a_dst = (h * att_dst[None, :, :]).sum(-1)  # [N, H]
    # per-edge attention (gather)
    alpha = a_src[src] + a_dst[dst]  # [E', H]
    alpha = jax.nn.leaky_relu(alpha, negative_slope=0.2)
    # segment softmax over destination nodes
    m = jax.ops.segment_max(alpha, dst, num_segments=n)  # [N, H]
    m = jnp.where(jnp.isfinite(m), m, 0.0)
    m = jax.lax.stop_gradient(m)
    ea = jnp.exp(alpha - m[dst])
    s = jax.ops.segment_sum(ea, dst, num_segments=n)  # [N, H]
    alpha = ea / (s[dst] + 1e-16)
    # message passing: weighted gather of source features, scatter-add to dst
    msg = h[src] * alpha[:, :, None]  # [E', H, C]
    out = jax.ops.segment_sum(msg, dst, num_segments=n)  # [N, H, C]
    out = out.reshape(n, HEADS * OUT_DIM) + bias
    return jnp.tanh(out)

if __name__ == "__main__":
    import jax
    _d = setup_inputs()
    print(jax.jit(kernel)(*tuple(_d.values())))

</pallas_src>

<mosaic_0001>
#map = affine_map<(d0, d1) -> (0, 0)>
#map1 = affine_map<(d0, d1) -> (0, 0, 0)>
#map2 = affine_map<(d0, d1) -> (0)>
module attributes {stable_mosaic.version = 14 : i64} {
  func.func @_sc_body(%arg0: i32, %arg1: i32, %arg2: memref<10240x144xf32, #tpu.memory_space<hbm>>, %arg3: memref<32x2x10496xi32, #tpu.memory_space<hbm>>, %arg4: memref<10240xf32, #tpu.memory_space<hbm>>, %arg5: memref<16xf32, #tpu.memory_space<hbm>>, %arg6: memref<2x10240x144xf32, #tpu.memory_space<hbm>>, %arg7: memref<16xf32, #tpu.memory_space<vmem>>, %arg8: memref<2x128xi32, #tpu.memory_space<vmem>>, %arg9: memref<2x128xi32, #tpu.memory_space<vmem>>, %arg10: memref<128xf32, #tpu.memory_space<vmem>>, %arg11: memref<128xf32, #tpu.memory_space<vmem>>, %arg12: memref<128xf32, #tpu.memory_space<vmem>>, %arg13: memref<128xf32, #tpu.memory_space<vmem>>, %arg14: memref<128x144xf32, #tpu.memory_space<vmem>>, %arg15: memref<128x144xf32, #tpu.memory_space<vmem>>, %arg16: memref<10240x144xf32, #tpu.memory_space<vmem_shared>>, %arg17: memref<!tpu.dma_semaphore, #tpu.memory_space<semaphore_mem>>, %arg18: memref<!tpu.dma_semaphore, #tpu.memory_space<semaphore_mem>>, %arg19: memref<!tpu.dma_semaphore, #tpu.memory_space<semaphore_mem>>, %arg20: memref<!tpu.dma_semaphore, #tpu.memory_space<semaphore_mem>>, %arg21: memref<!tpu.dma_semaphore, #tpu.memory_space<semaphore_mem>>, %arg22: memref<!tpu.dma_semaphore, #tpu.memory_space<semaphore_mem>>) attributes {dimension_semantics = [#tpu.dimension_semantics<core_parallel>, #tpu.dimension_semantics<subcore_parallel>], iteration_bounds = array<i64: 2, 16>, scalar_prefetch = 0 : i64, scratch_operands = 16 : i64, tpu.core_type = #tpu.core_type<sc_vector_subcore>, window_params = [{transform_indices = #map}, {transform_indices = #map1}, {transform_indices = #map2}, {transform_indices = #map2}, {transform_indices = #map1}]} {
    %mul3A = arith.constant 16 : i32
    %mul3A_0 = arith.muli %arg0, %mul3A : i32
    %add3A = arith.addi %mul3A_0, %arg1 : i32
    "tpu.region"() ({
      %run_scoped3A = tpu.sem_alloc : memref<!tpu.dma_semaphore, #tpu.memory_space<semaphore_mem>>
      tpu.enqueue_dma source(%arg5 : memref<16xf32, #tpu.memory_space<hbm>>) target(%arg7 : memref<16xf32, #tpu.memory_space<vmem>>) target_semaphore(%run_scoped3A : memref<!tpu.dma_semaphore, #tpu.memory_space<semaphore_mem>>)
      tpu.wait_dma2 semaphore(%run_scoped3A : memref<!tpu.dma_semaphore, #tpu.memory_space<semaphore_mem>>) src(%arg5 : memref<16xf32, #tpu.memory_space<hbm>>) dst(%arg7 : memref<16xf32, #tpu.memory_space<vmem>>)
      tpu.yield
    }) : () -> ()
    %scan3A = arith.constant 0 : i32
    %scan3A_1 = arith.constant 0 : i32
    %scan3A_2 = arith.constant 128 : i32
    %scan3A_3 = arith.addi %scan3A_1, %scan3A_2 : i32
    %scan3A_4 = arith.constant 1 : i32
    scf.for %scan3A_339 = %scan3A_1 to %scan3A_3 step %scan3A_4  : i32 {
      %broadcast_in_dim3A_340 = arith.constant 0.000000e+00 : f32
      %broadcast_in_dim3A_341 = vector.broadcast %broadcast_in_dim3A_340 : f32 to vector<16xf32>
      %swap3A_342 = arith.index_cast %scan3A_339 : i32 to index
      %swap3A_343 = arith.constant 0 : index
      %swap3A_344 = tpu.vector_load %arg14[%swap3A_342, %swap3A_343] {strides = array<i32>} : memref<128x144xf32, #tpu.memory_space<vmem>>, vector<16xf32>,
      tpu.vector_store %arg14[%swap3A_342, %swap3A_343], %broadcast_in_dim3A_341 {strides = array<i32>} : memref<128x144xf32, #tpu.memory_space<vmem>>, vector<16xf32>,
      %broadcast_in_dim3A_345 = arith.constant 0.000000e+00 : f32
      %broadcast_in_dim3A_346 = vector.broadcast %broadcast_in_dim3A_345 : f32 to vector<16xf32>
      %swap3A_347 = arith.index_cast %scan3A_339 : i32 to index
      %swap3A_348 = arith.constant 16 : index
      %swap3A_349 = tpu.vector_load %arg14[%swap3A_347, %swap3A_348] {strides = array<i32>} : memref<128x144xf32, #tpu.memory_space<vmem>>, vector<16xf32>,
      tpu.vector_store %arg14[%swap3A_347, %swap3A_348], %broadcast_in_dim3A_346 {strides = array<i32>} : memref<128x144xf32, #tpu.memory_space<vmem>>, vector<16xf32>,
      %broadcast_in_dim3A_350 = arith.constant 0.000000e+00 : f32
      %broadcast_in_dim3A_351 = vector.broadcast %broadcast_in_dim3A_350 : f32 to vector<16xf32>
      %swap3A_352 = arith.index_cast %scan3A_339 : i32 to index
      %swap3A_353 = arith.constant 32 : index
      %swap3A_354 = tpu.vector_load %arg14[%swap3A_352, %swap3A_353] {strides = array<i32>} : memref<128x144xf32, #tpu.memory_space<vmem>>, vector<16xf32>,
      tpu.vector_store %arg14[%swap3A_352, %swap3A_353], %broadcast_in_dim3A_351 {strides = array<i32>} : memref<128x144xf32, #tpu.memory_space<vmem>>, vector<16xf32>,
      %broadcast_in_dim3A_355 = arith.constant 0.000000e+00 : f32
      %broadcast_in_dim3A_356 = vector.broadcast %broadcast_in_dim3A_355 : f32 to vector<16xf32>
      %swap3A_357 = arith.index_cast %scan3A_339 : i32 to index
      %swap3A_358 = arith.constant 48 : index
      %swap3A_359 = tpu.vector_load %arg14[%swap3A_357, %swap3A_358] {strides = array<i32>} : memref<128x144xf32, #tpu.memory_space<vmem>>, vector<16xf32>,
      tpu.vector_store %arg14[%swap3A_357, %swap3A_358], %broadcast_in_dim3A_356 {strides = array<i32>} : memref<128x144xf32, #tpu.memory_space<vmem>>, vector<16xf32>,
      %broadcast_in_dim3A_360 = arith.constant 0.000000e+00 : f32
      %broadcast_in_dim3A_361 = vector.broadcast %broadcast_in_dim3A_360 : f32 to vector<16xf32>
      %swap3A_362 = arith.index_cast %scan3A_339 : i32 to index
      %swap3A_363 = arith.constant 64 : index
      %swap3A_364 = tpu.vector_load %arg14[%swap3A_362, %swap3A_363] {strides = array<i32>} : memref<128x144xf32, #tpu.memory_space<vmem>>, vector<16xf32>,
      tpu.vector_store %arg14[%swap3A_362, %swap3A_363], %broadcast_in_dim3A_361 {strides = array<i32>} : memref<128x144xf32, #tpu.memory_space<vmem>>, vector<16xf32>,
      %broadcast_in_dim3A_365 = arith.constant 0.000000e+00 : f32
      %broadcast_in_dim3A_366 = vector.broadcast %broadcast_in_dim3A_365 : f32 to vector<16xf32>
      %swap3A_367 = arith.index_cast %scan3A_339 : i32 to index
      %swap3A_368 = arith.constant 80 : index
      %swap3A_369 = tpu.vector_load %arg14[%swap3A_367, %swap3A_368] {strides = array<i32>} : memref<128x144xf32, #tpu.memory_space<vmem>>, vector<16xf32>,
      tpu.vector_store %arg14[%swap3A_367, %swap3A_368], %broadcast_in_dim3A_366 {strides = array<i32>} : memref<128x144xf32, #tpu.memory_space<vmem>>, vector<16xf32>,
      %broadcast_in_dim3A_370 = arith.constant 0.000000e+00 : f32
      %broadcast_in_dim3A_371 = vector.broadcast %broadcast_in_dim3A_370 : f32 to vector<16xf32>
      %swap3A_372 = arith.index_cast %scan3A_339 : i32 to index
      %swap3A_373 = arith.constant 96 : index
      %swap3A_374 = tpu.vector_load %arg14[%swap3A_372, %swap3A_373] {strides = array<i32>} : memref<128x144xf32, #tpu.memory_space<vmem>>, vector<16xf32>,
      tpu.vector_store %arg14[%swap3A_372, %swap3A_373], %broadcast_in_dim3A_371 {strides = array<i32>} : memref<128x144xf32, #tpu.memory_space<vmem>>, vector<16xf32>,
      %broadcast_in_dim3A_375 = arith.constant 0.000000e+00 : f32
      %broadcast_in_dim3A_376 = vector.broadcast %broadcast_in_dim3A_375 : f32 to vector<16xf32>
      %swap3A_377 = arith.index_cast %scan3A_339 : i32 to index
      %swap3A_378 = arith.constant 112 : index
      %swap3A_379 = tpu.vector_load %arg14[%swap3A_377, %swap3A_378] {strides = array<i32>} : memref<128x144xf32, #tpu.memory_space<vmem>>, vector<16xf32>,
      tpu.vector_store %arg14[%swap3A_377, %swap3A_378], %broadcast_in_dim3A_376 {strides = array<i32>} : memref<128x144xf32, #tpu.memory_space<vmem>>, vector<16xf32>,
      %broadcast_in_dim3A_380 = arith.constant 0.000000e+00 : f32
      %broadcast_in_dim3A_381 = vector.broadcast %broadcast_in_dim3A_380 : f32 to vector<16xf32>
      %swap3A_382 = arith.index_cast %scan3A_339 : i32 to index
      %swap3A_383 = arith.constant 128 : index
      %swap3A_384 = tpu.vector_load %arg14[%swap3A_382, %swap3A_383] {strides = array<i32>} : memref<128x144xf32, #tpu.memory_space<vmem>>, vector<16xf32>,
      tpu.vector_store %arg14[%swap3A_382, %swap3A_383], %broadcast_in_dim3A_381 {strides = array<i32>} : memref<128x144xf32, #tpu.memory_space<vmem>>, vector<16xf32>,
    }
    %scan3A_5 = arith.constant 128 : i32
    %mul3A_6 = arith.constant 640 : i32
    %mul3A_7 = arith.muli %arg1, %mul3A_6 : i32
    %add3A_8 = arith.constant 0 : i32
    %add3A_9 = arith.addi %mul3A_7, %add3A_8 : i32
    "tpu.region"() ({
      %run_scoped3A = tpu.sem_alloc : memref<!tpu.dma_semaphore, #tpu.memory_space<semaphore_mem>>
      %dma_start3A_339 = arith.constant 0 : i32
      %dma_start3A_340 = tpu.memref_slice %arg16[%add3A_9, %dma_start3A_339] : memref<10240x144xf32, #tpu.memory_space<vmem_shared>> -> memref<128x144xf32, #tpu.memory_space<vmem_shared>>
      %dma_start3A_341 = arith.constant 0 : i32
      %dma_start3A_342 = tpu.memref_slice %arg16[%add3A_9, %dma_start3A_341] : memref<10240x144xf32, #tpu.memory_space<vmem_shared>> -> memref<128x144xf32, #tpu.memory_space<vmem_shared>>
      tpu.enqueue_dma source(%arg14 : memref<128x144xf32, #tpu.memory_space<vmem>>) target(%dma_start3A_342 : memref<128x144xf32, #tpu.memory_space<vmem_shared>>) target_semaphore(%run_scoped3A : memref<!tpu.dma_semaphore, #tpu.memory_space<semaphore_mem>>)
      %dma_wait3A_343 = arith.constant 0 : i32
      %dma_wait3A_344 = tpu.memref_slice %arg16[%add3A_9, %dma_wait3A_343] : memref<10240x144xf32, #tpu.memory_space<vmem_shared>> -> memref<128x144xf32, #tpu.memory_space<vmem_shared>>
      %dma_wait3A_345 = arith.constant 0 : i32
      %dma_wait3A_346 = tpu.memref_slice %arg16[%add3A_9, %dma_wait3A_345] : memref<10240x144xf32, #tpu.memory_space<vmem_shared>> -> memref<128x144xf32, #tpu.memory_space<vmem_shared>>
      tpu.wait_dma2 semaphore(%run_scoped3A : memref<!tpu.dma_semaphore, #tpu.memory_space<semaphore_mem>>) src(%arg14 : memref<128x144xf32, #tpu.memory_space<vmem>>) dst(%dma_wait3A_346 : memref<128x144xf32, #tpu.memory_space<vmem_shared>>)
      tpu.yield
    }) : () -> ()
    %mul3A_10 = arith.constant 640 : i32
    %mul3A_11 = arith.muli %arg1, %mul3A_10 : i32
    %add3A_12 = arith.constant 128 : i32
    %add3A_13 = arith.addi %mul3A_11, %add3A_12 : i32
    "tpu.region"() ({
      %run_scoped3A = tpu.sem_alloc : memref<!tpu.dma_semaphore, #tpu.memory_space<semaphore_mem>>
      %dma_start3A_339 = arith.constant 0 : i32
      %dma_start3A_340 = tpu.memref_slice %arg16[%add3A_13, %dma_start3A_339] : memref<10240x144xf32, #tpu.memory_space<vmem_shared>> -> memref<128x144xf32, #tpu.memory_space<vmem_shared>>
      %dma_start3A_341 = arith.constant 0 : i32
      %dma_start3A_342 = tpu.memref_slice %arg16[%add3A_13, %dma_start3A_341] : memref<10240x144xf32, #tpu.memory_space<vmem_shared>> -> memref<128x144xf32, #tpu.memory_space<vmem_shared>>
      tpu.enqueue_dma source(%arg14 : memref<128x144xf32, #tpu.memory_space<vmem>>) target(%dma_start3A_342 : memref<128x144xf32, #tpu.memory_space<vmem_shared>>) target_semaphore(%run_scoped3A : memref<!tpu.dma_semaphore, #tpu.memory_space<semaphore_mem>>)
      %dma_wait3A_343 = arith.constant 0 : i32
      %dma_wait3A_344 = tpu.memref_slice %arg16[%add3A_13, %dma_wait3A_343] : memref<10240x144xf32, #tpu.memory_space<vmem_shared>> -> memref<128x144xf32, #tpu.memory_space<vmem_shared>>
      %dma_wait3A_345 = arith.constant 0 : i32
      %dma_wait3A_346 = tpu.memref_slice %arg16[%add3A_13, %dma_wait3A_345] : memref<10240x144xf32, #tpu.memory_space<vmem_shared>> -> memref<128x144xf32, #tpu.memory_space<vmem_shared>>
      tpu.wait_dma2 semaphore(%run_scoped3A : memref<!tpu.dma_semaphore, #tpu.memory_space<semaphore_mem>>) src(%arg14 : memref<128x144xf32, #tpu.memory_space<vmem>>) dst(%dma_wait3A_346 : memref<128x144xf32, #tpu.memory_space<vmem_shared>>)
      tpu.yield
    }) : () -> ()
    %mul3A_14 = arith.constant 640 : i32
    %mul3A_15 = arith.muli %arg1, %mul3A_14 : i32
    %add3A_16 = arith.constant 256 : i32
    %add3A_17 = arith.addi %mul3A_15, %add3A_16 : i32
    "tpu.region"() ({
      %run_scoped3A = tpu.sem_alloc : memref<!tpu.dma_semaphore, #tpu.memory_space<semaphore_mem>>
      %dma_start3A_339 = arith.constant 0 : i32
      %dma_start3A_340 = tpu.memref_slice %arg16[%add3A_17, %dma_start3A_339] : memref<10240x144xf32, #tpu.memory_space<vmem_shared>> -> memref<128x144xf32, #tpu.memory_space<vmem_shared>>
      %dma_start3A_341 = arith.constant 0 : i32
      %dma_start3A_342 = tpu.memref_slice %arg16[%add3A_17, %dma_start3A_341] : memref<10240x144xf32, #tpu.memory_space<vmem_shared>> -> memref<128x144xf32, #tpu.memory_space<vmem_shared>>
      tpu.enqueue_dma source(%arg14 : memref<128x144xf32, #tpu.memory_space<vmem>>) target(%dma_start3A_342 : memref<128x144xf32, #tpu.memory_space<vmem_shared>>) target_semaphore(%run_scoped3A : memref<!tpu.dma_semaphore, #tpu.memory_space<semaphore_mem>>)
      %dma_wait3A_343 = arith.constant 0 : i32
      %dma_wait3A_344 = tpu.memref_slice %arg16[%add3A_17, %dma_wait3A_343] : memref<10240x144xf32, #tpu.memory_space<vmem_shared>> -> memref<128x144xf32, #tpu.memory_space<vmem_shared>>
      %dma_wait3A_345 = arith.constant 0 : i32
      %dma_wait3A_346 = tpu.memref_slice %arg16[%add3A_17, %dma_wait3A_345] : memref<10240x144xf32, #tpu.memory_space<vmem_shared>> -> memref<128x144xf32, #tpu.memory_space<vmem_shared>>
      tpu.wait_dma2 semaphore(%run_scoped3A : memref<!tpu.dma_semaphore, #tpu.memory_space<semaphore_mem>>) src(%arg14 : memref<128x144xf32, #tpu.memory_space<vmem>>) dst(%dma_wait3A_346 : memref<128x144xf32, #tpu.memory_space<vmem_shared>>)
      tpu.yield
    }) : () -> ()
    %mul3A_18 = arith.constant 640 : i32
    %mul3A_19 = arith.muli %arg1, %mul3A_18 : i32
    %add3A_20 = arith.constant 384 : i32
    %add3A_21 = arith.addi %mul3A_19, %add3A_20 : i32
    "tpu.region"() ({
      %run_scoped3A = tpu.sem_alloc : memref<!tpu.dma_semaphore, #tpu.memory_space<semaphore_mem>>
      %dma_start3A_339 = arith.constant 0 : i32
      %dma_start3A_340 = tpu.memref_slice %arg16[%add3A_21, %dma_start3A_339] : memref<10240x144xf32, #tpu.memory_space<vmem_shared>> -> memref<128x144xf32, #tpu.memory_space<vmem_shared>>
      %dma_start3A_341 = arith.constant 0 : i32
      %dma_start3A_342 = tpu.memref_slice %arg16[%add3A_21, %dma_start3A_341] : memref<10240x144xf32, #tpu.memory_space<vmem_shared>> -> memref<128x144xf32, #tpu.memory_space<vmem_shared>>
      tpu.enqueue_dma source(%arg14 : memref<128x144xf32, #tpu.memory_space<vmem>>) target(%dma_start3A_342 : memref<128x144xf32, #tpu.memory_space<vmem_shared>>) target_semaphore(%run_scoped3A : memref<!tpu.dma_semaphore, #tpu.memory_space<semaphore_mem>>)
      %dma_wait3A_343 = arith.constant 0 : i32
      %dma_wait3A_344 = tpu.memref_slice %arg16[%add3A_21, %dma_wait3A_343] : memref<10240x144xf32, #tpu.memory_space<vmem_shared>> -> memref<128x144xf32, #tpu.memory_space<vmem_shared>>
      %dma_wait3A_345 = arith.constant 0 : i32
      %dma_wait3A_346 = tpu.memref_slice %arg16[%add3A_21, %dma_wait3A_345] : memref<10240x144xf32, #tpu.memory_space<vmem_shared>> -> memref<128x144xf32, #tpu.memory_space<vmem_shared>>
      tpu.wait_dma2 semaphore(%run_scoped3A : memref<!tpu.dma_semaphore, #tpu.memory_space<semaphore_mem>>) src(%arg14 : memref<128x144xf32, #tpu.memory_space<vmem>>) dst(%dma_wait3A_346 : memref<128x144xf32, #tpu.memory_space<vmem_shared>>)
      tpu.yield
    }) : () -> ()
    %mul3A_22 = arith.constant 640 : i32
    %mul3A_23 = arith.muli %arg1, %mul3A_22 : i32
    %add3A_24 = arith.constant 512 : i32
    %add3A_25 = arith.addi %mul3A_23, %add3A_24 : i32
    "tpu.region"() ({
      %run_scoped3A = tpu.sem_alloc : memref<!tpu.dma_semaphore, #tpu.memory_space<semaphore_mem>>
      %dma_start3A_339 = arith.constant 0 : i32
      %dma_start3A_340 = tpu.memref_slice %arg16[%add3A_25, %dma_start3A_339] : memref<10240x144xf32, #tpu.memory_space<vmem_shared>> -> memref<128x144xf32, #tpu.memory_space<vmem_shared>>
      %dma_start3A_341 = arith.constant 0 : i32
      %dma_start3A_342 = tpu.memref_slice %arg16[%add3A_25, %dma_start3A_341] : memref<10240x144xf32, #tpu.memory_space<vmem_shared>> -> memref<128x144xf32, #tpu.memory_space<vmem_shared>>
      tpu.enqueue_dma source(%arg14 : memref<128x144xf32, #tpu.memory_space<vmem>>) target(%dma_start3A_342 : memref<128x144xf32, #tpu.memory_space<vmem_shared>>) target_semaphore(%run_scoped3A : memref<!tpu.dma_semaphore, #tpu.memory_space<semaphore_mem>>)
      %dma_wait3A_343 = arith.constant 0 : i32
      %dma_wait3A_344 = tpu.memref_slice %arg16[%add3A_25, %dma_wait3A_343] : memref<10240x144xf32, #tpu.memory_space<vmem_shared>> -> memref<128x144xf32, #tpu.memory_space<vmem_shared>>
      %dma_wait3A_345 = arith.constant 0 : i32
      %dma_wait3A_346 = tpu.memref_slice %arg16[%add3A_25, %dma_wait3A_345] : memref<10240x144xf32, #tpu.memory_space<vmem_shared>> -> memref<128x144xf32, #tpu.memory_space<vmem_shared>>
      tpu.wait_dma2 semaphore(%run_scoped3A : memref<!tpu.dma_semaphore, #tpu.memory_space<semaphore_mem>>) src(%arg14 : memref<128x144xf32, #tpu.memory_space<vmem>>) dst(%dma_wait3A_346 : memref<128x144xf32, #tpu.memory_space<vmem_shared>>)
      tpu.yield
    }) : () -> ()
    %barrier3A = arith.constant 0 : index
    tpu.barrier barrier_id(%barrier3A)
    %get3A = arith.constant 0 : index
    %get3A_26 = tpu.vector_load %arg7[%get3A] {strides = array<i32>} : memref<16xf32, #tpu.memory_space<vmem>>, vector<16xf32>,
    %iota3A = tpu.iota {dimensions = array<i32: 0>} : vector<16xi32>
    "tpu.region"() ({
      %run_scoped3A = tpu.sem_alloc : memref<!tpu.dma_semaphore, #tpu.memory_space<semaphore_mem>>
      %dma_start3A_339 = arith.constant 0 : i32
      %dma_start3A_340 = arith.constant 0 : i32
      %dma_start3A_341 = tpu.memref_slice %arg3[%add3A, %dma_start3A_339, %dma_start3A_340] : memref<32x2x10496xi32, #tpu.memory_space<hbm>> -> memref<1x2x128xi32, #tpu.memory_space<hbm>>
      %dma_start3A_342 = tpu.memref_squeeze %dma_start3A_341 : memref<1x2x128xi32, #tpu.memory_space<hbm>> -> memref<2x128xi32, #tpu.memory_space<hbm>>
      %dma_start3A_343 = arith.constant 0 : i32
      %dma_start3A_344 = arith.constant 0 : i32
      %dma_start3A_345 = tpu.memref_slice %arg3[%add3A, %dma_start3A_343, %dma_start3A_344] : memref<32x2x10496xi32, #tpu.memory_space<hbm>> -> memref<1x2x128xi32, #tpu.memory_space<hbm>>
      %dma_start3A_346 = tpu.memref_squeeze %dma_start3A_345 : memref<1x2x128xi32, #tpu.memory_space<hbm>> -> memref<2x128xi32, #tpu.memory_space<hbm>>
      tpu.enqueue_dma source(%dma_start3A_346 : memref<2x128xi32, #tpu.memory_space<hbm>>) target(%arg8 : memref<2x128xi32, #tpu.memory_space<vmem>>) target_semaphore(%run_scoped3A : memref<!tpu.dma_semaphore, #tpu.memory_space<semaphore_mem>>)
      %dma_wait3A_347 = arith.constant 0 : i32
      %dma_wait3A_348 = arith.constant 0 : i32
      %dma_wait3A_349 = tpu.memref_slice %arg3[%add3A, %dma_wait3A_347, %dma_wait3A_348] : memref<32x2x10496xi32, #tpu.memory_space<hbm>> -> memref<1x2x128xi32, #tpu.memory_space<hbm>>
      %dma_wait3A_350 = tpu.memref_squeeze %dma_wait3A_349 : memref<1x2x128xi32, #tpu.memory_space<hbm>> -> memref<2x128xi32, #tpu.memory_space<hbm>>
      %dma_wait3A_351 = arith.constant 0 : i32
      %dma_wait3A_352 = arith.constant 0 : i32
      %dma_wait3A_353 = tpu.memref_slice %arg3[%add3A, %dma_wait3A_351, %dma_wait3A_352] : memref<32x2x10496xi32, #tpu.memory_space<hbm>> -> memref<1x2x128xi32, #tpu.memory_space<hbm>>
      %dma_wait3A_354 = tpu.memref_squeeze %dma_wait3A_353 : memref<1x2x128xi32, #tpu.memory_space<hbm>> -> memref<2x128xi32, #tpu.memory_space<hbm>>
      tpu.wait_dma2 semaphore(%run_scoped3A : memref<!tpu.dma_semaphore, #tpu.memory_space<semaphore_mem>>) src(%dma_wait3A_354 : memref<2x128xi32, #tpu.memory_space<hbm>>) dst(%arg8 : memref<2x128xi32, #tpu.memory_space<vmem>>)
      tpu.yield
    }) : () -> ()
    %dma_start3A = arith.constant 0 : i32
    %dma_start3A_27 = arith.constant 0 : i32
    %dma_start3A_28 = tpu.memref_slice %arg8[%dma_start3A, %dma_start3A_27] : memref<2x128xi32, #tpu.memory_space<vmem>> -> memref<1x128xi32, #tpu.memory_space<vmem>>
    %dma_start3A_29 = tpu.memref_squeeze %dma_start3A_28 : memref<1x128xi32, #tpu.memory_space<vmem>> -> memref<128xi32, #tpu.memory_space<vmem>>
    %dma_start3A_30 = arith.constant 0 : i32
    %dma_start3A_31 = arith.constant 0 : i32
    %dma_start3A_32 = tpu.memref_slice %arg2[%dma_start3A_30, %dma_start3A_31] : memref<10240x144xf32, #tpu.memory_space<hbm>> -> memref<10240x144xf32, #tpu.memory_space<hbm>>
    tpu.enqueue_indirect_dma source(%dma_start3A_32 : memref<10240x144xf32, #tpu.memory_space<hbm>>) target(%arg14 : memref<128x144xf32, #tpu.memory_space<vmem>>) offsets(%dma_start3A_29 : memref<128xi32, #tpu.memory_space<vmem>>) semaphore(%arg17 : memref<!tpu.dma_semaphore, #tpu.memory_space<semaphore_mem>>)
    %dma_start3A_33 = arith.constant 1 : i32
    %dma_start3A_34 = arith.constant 0 : i32
    %dma_start3A_35 = tpu.memref_slice %arg8[%dma_start3A_33, %dma_start3A_34] : memref<2x128xi32, #tpu.memory_space<vmem>> -> memref<1x128xi32, #tpu.memory_space<vmem>>
    %dma_start3A_36 = tpu.memref_squeeze %dma_start3A_35 : memref<1x128xi32, #tpu.memory_space<vmem>> -> memref<128xi32, #tpu.memory_space<vmem>>
    %dma_start3A_37 = arith.constant 0 : i32
    %dma_start3A_38 = tpu.memref_slice %arg4[%dma_start3A_37] : memref<10240xf32, #tpu.memory_space<hbm>> -> memref<10240xf32, #tpu.memory_space<hbm>>
    tpu.enqueue_indirect_dma source(%dma_start3A_38 : memref<10240xf32, #tpu.memory_space<hbm>>) target(%arg10 : memref<128xf32, #tpu.memory_space<vmem>>) offsets(%dma_start3A_36 : memref<128xi32, #tpu.memory_space<vmem>>) semaphore(%arg19 : memref<!tpu.dma_semaphore, #tpu.memory_space<semaphore_mem>>)
    "tpu.region"() ({
      %run_scoped3A = tpu.sem_alloc : memref<!tpu.dma_semaphore, #tpu.memory_space<semaphore_mem>>
      %dma_start3A_339 = arith.constant 0 : i32
      %dma_start3A_340 = arith.constant 128 : i32
      %dma_start3A_341 = tpu.memref_slice %arg3[%add3A, %dma_start3A_339, %dma_start3A_340] : memref<32x2x10496xi32, #tpu.memory_space<hbm>> -> memref<1x2x128xi32, #tpu.memory_space<hbm>>
      %dma_start3A_342 = tpu.memref_squeeze %dma_start3A_341 : memref<1x2x128xi32, #tpu.memory_space<hbm>> -> memref<2x128xi32, #tpu.memory_space<hbm>>
      %dma_start3A_343 = arith.constant 0 : i32
      %dma_start3A_344 = arith.constant 128 : i32
      %dma_start3A_345 = tpu.memref_slice %arg3[%add3A, %dma_start3A_343, %dma_start3A_344] : memref<32x2x10496xi32, #tpu.memory_space<hbm>> -> memref<1x2x128xi32, #tpu.memory_space<hbm>>
      %dma_start3A_346 = tpu.memref_squeeze %dma_start3A_345 : memref<1x2x128xi32, #tpu.memory_space<hbm>> -> memref<2x128xi32, #tpu.memory_space<hbm>>
      tpu.enqueue_dma source(%dma_start3A_346 : memref<2x128xi32, #tpu.memory_space<hbm>>) target(%arg9 : memref<2x128xi32, #tpu.memory_space<vmem>>) target_semaphore(%run_scoped3A : memref<!tpu.dma_semaphore, #tpu.memory_space<semaphore_mem>>)
      %dma_wait3A_347 = arith.constant 0 : i32
      %dma_wait3A_348 = arith.constant 128 : i32
      %dma_wait3A_349 = tpu.memref_slice %arg3[%add3A, %dma_wait3A_347, %dma_wait3A_348] : memref<32x2x10496xi32, #tpu.memory_space<hbm>> -> memref<1x2x128xi32, #tpu.memory_space<hbm>>
      %dma_wait3A_350 = tpu.memref_squeeze %dma_wait3A_349 : memref<1x2x128xi32, #tpu.memory_space<hbm>> -> memref<2x128xi32, #tpu.memory_space<hbm>>
      %dma_wait3A_351 = arith.constant 0 : i32
      %dma_wait3A_352 = arith.constant 128 : i32
      %dma_wait3A_353 = tpu.memref_slice %arg3[%add3A, %dma_wait3A_351, %dma_wait3A_352] : memref<32x2x10496xi32, #tpu.memory_space<hbm>> -> memref<1x2x128xi32, #tpu.memory_space<hbm>>
      %dma_wait3A_354 = tpu.memref_squeeze %dma_wait3A_353 : memref<1x2x128xi32, #tpu.memory_space<hbm>> -> memref<2x128xi32, #tpu.memory_space<hbm>>
      tpu.wait_dma2 semaphore(%run_scoped3A : memref<!tpu.dma_semaphore, #tpu.memory_space<semaphore_mem>>) src(%dma_wait3A_354 : memref<2x128xi32, #tpu.memory_space<hbm>>) dst(%arg9 : memref<2x128xi32, #tpu.memory_space<vmem>>)
      tpu.yield
    }) : () -> ()
    %dma_start3A_39 = arith.constant 0 : i32
    %dma_start3A_40 = arith.constant 0 : i32
    %dma_start3A_41 = tpu.memref_slice %arg9[%dma_start3A_39, %dma_start3A_40] : memref<2x128xi32, #tpu.memory_space<vmem>> -> memref<1x128xi32, #tpu.memory_space<vmem>>
    %dma_start3A_42 = tpu.memref_squeeze %dma_start3A_41 : memref<1x128xi32, #tpu.memory_space<vmem>> -> memref<128xi32, #tpu.memory_space<vmem>>
    %dma_start3A_43 = arith.constant 0 : i32
    %dma_start3A_44 = arith.constant 0 : i32
    %dma_start3A_45 = tpu.memref_slice %arg2[%dma_start3A_43, %dma_start3A_44] : memref<10240x144xf32, #tpu.memory_space<hbm>> -> memref<10240x144xf32, #tpu.memory_space<hbm>>
    tpu.enqueue_indirect_dma source(%dma_start3A_45 : memref<10240x144xf32, #tpu.memory_space<hbm>>) target(%arg15 : memref<128x144xf32, #tpu.memory_space<vmem>>) offsets(%dma_start3A_42 : memref<128xi32, #tpu.memory_space<vmem>>) semaphore(%arg18 : memref<!tpu.dma_semaphore, #tpu.memory_space<semaphore_mem>>)
    %dma_start3A_46 = arith.constant 1 : i32
    %dma_start3A_47 = arith.constant 0 : i32
    %dma_start3A_48 = tpu.memref_slice %arg9[%dma_start3A_46, %dma_start3A_47] : memref<2x128xi32, #tpu.memory_space<vmem>> -> memref<1x128xi32, #tpu.memory_space<vmem>>
    %dma_start3A_49 = tpu.memref_squeeze %dma_start3A_48 : memref<1x128xi32, #tpu.memory_space<vmem>> -> memref<128xi32, #tpu.memory_space<vmem>>
    %dma_start3A_50 = arith.constant 0 : i32
    %dma_start3A_51 = tpu.memref_slice %arg4[%dma_start3A_50] : memref<10240xf32, #tpu.memory_space<hbm>> -> memref<10240xf32, #tpu.memory_space<hbm>>
    tpu.enqueue_indirect_dma source(%dma_start3A_51 : memref<10240xf32, #tpu.memory_space<hbm>>) target(%arg11 : memref<128xf32, #tpu.memory_space<vmem>>) offsets(%dma_start3A_49 : memref<128xi32, #tpu.memory_space<vmem>>) semaphore(%arg20 : memref<!tpu.dma_semaphore, #tpu.memory_space<semaphore_mem>>)
    %dma_wait3A = arith.constant 0 : i32
    %dma_wait3A_52 = arith.constant 0 : i32
    %dma_wait3A_53 = tpu.memref_slice %arg8[%dma_wait3A, %dma_wait3A_52] : memref<2x128xi32, #tpu.memory_space<vmem>> -> memref<1x128xi32, #tpu.memory_space<vmem>>
    %dma_wait3A_54 = tpu.memref_squeeze %dma_wait3A_53 : memref<1x128xi32, #tpu.memory_space<vmem>> -> memref<128xi32, #tpu.memory_space<vmem>>
    %dma_wait3A_55 = arith.constant 0 : i32
    %dma_wait3A_56 = arith.constant 0 : i32
    %dma_wait3A_57 = tpu.memref_slice %arg2[%dma_wait3A_55, %dma_wait3A_56] : memref<10240x144xf32, #tpu.memory_space<hbm>> -> memref<10240x144xf32, #tpu.memory_space<hbm>>
    tpu.wait_indirect_dma semaphore(%arg17 : memref<!tpu.dma_semaphore, #tpu.memory_space<semaphore_mem>>) src(%dma_wait3A_57 : memref<10240x144xf32, #tpu.memory_space<hbm>>) dst(%arg14 : memref<128x144xf32, #tpu.memory_space<vmem>>)
    %dma_wait3A_58 = arith.constant 1 : i32
    %dma_wait3A_59 = arith.constant 0 : i32
    %dma_wait3A_60 = tpu.memref_slice %arg8[%dma_wait3A_58, %dma_wait3A_59] : memref<2x128xi32, #tpu.memory_space<vmem>> -> memref<1x128xi32, #tpu.memory_space<vmem>>
    %dma_wait3A_61 = tpu.memref_squeeze %dma_wait3A_60 : memref<1x128xi32, #tpu.memory_space<vmem>> -> memref<128xi32, #tpu.memory_space<vmem>>
    %dma_wait3A_62 = arith.constant 0 : i32
    %dma_wait3A_63 = tpu.memref_slice %arg4[%dma_wait3A_62] : memref<10240xf32, #tpu.memory_space<hbm>> -> memref<10240xf32, #tpu.memory_space<hbm>>
    tpu.wait_indirect_dma semaphore(%arg19 : memref<!tpu.dma_semaphore, #tpu.memory_space<semaphore_mem>>) src(%dma_wait3A_63 : memref<10240xf32, #tpu.memory_space<hbm>>) dst(%arg10 : memref<128xf32, #tpu.memory_space<vmem>>)
    %mul3A_64 = arith.constant 10368 : i32
    %mul3A_65 = arith.muli %add3A, %mul3A_64 : i32
    %add3A_66 = arith.constant 0 : i32
    %add3A_67 = arith.addi %mul3A_65, %add3A_66 : i32
    %add3A_68 = arith.constant 0 : i32
    %add3A_69 = vector.broadcast %add3A_68 : i32 to vector<16xi32>
    %add3A_70 = arith.addi %add3A_69, %iota3A : vector<16xi32>
    %broadcast_in_dim3A = arith.constant 129 : i32
    %broadcast_in_dim3A_71 = vector.broadcast %broadcast_in_dim3A : i32 to vector<16xi32>
    %gather3A = tpu.vector_load_idx %arg14[%add3A_70, %broadcast_in_dim3A_71] : memref<128x144xf32, #tpu.memory_space<vmem>>[vector<16xi32>, vector<16xi32>], vector<16xf32>,
    %get3A_72 = arith.constant 0 : index
    %get3A_73 = tpu.vector_load %arg10[%get3A_72] {strides = array<i32>} : memref<128xf32, #tpu.memory_space<vmem>>, vector<16xf32>,
    %add3A_74 = arith.addf %gather3A, %get3A_73 : vector<16xf32>
    %gt3A = arith.constant 0.000000e+00 : f32
    %gt3A_75 = vector.broadcast %gt3A : f32 to vector<16xf32>
    %gt3A_76 = arith.cmpf ogt, %add3A_74, %gt3A_75 : vector<16xf32>
    %mul3A_77 = arith.constant 2.000000e-01 : f32
    %mul3A_78 = vector.broadcast %mul3A_77 : f32 to vector<16xf32>
    %mul3A_79 = arith.mulf %mul3A_78, %add3A_74 : vector<16xf32>
    %select_n3A = arith.select %gt3A_76, %add3A_74, %mul3A_79 : vector<16xi1>, vector<16xf32>
    %sub3A = arith.subf %select_n3A, %get3A_26 : vector<16xf32>
    %exp3A = math.exp %sub3A : vector<16xf32>
    %add3A_80 = vector.broadcast %add3A_67 : i32 to vector<16xi32>
    %add3A_81 = arith.addi %add3A_80, %add3A_70 : vector<16xi32>
    %lt3A = arith.constant 330000 : i32
    %lt3A_82 = vector.broadcast %lt3A : i32 to vector<16xi32>
    %lt3A_83 = arith.cmpi slt, %add3A_81, %lt3A_82 : vector<16xi32>
    %jit3A = arith.constant 0.000000e+00 : f32
    %broadcast_in_dim3A_84 = vector.broadcast %jit3A : f32 to vector<16xf32>
    %select_n3A_85 = arith.select %lt3A_83, %exp3A, %broadcast_in_dim3A_84 : vector<16xi1>, vector<16xf32>
    %swap3A = arith.constant 0 : index
    %swap3A_86 = tpu.vector_load %arg12[%swap3A] {strides = array<i32>} : memref<128xf32, #tpu.memory_space<vmem>>, vector<16xf32>,
    tpu.vector_store %arg12[%swap3A], %select_n3A_85 {strides = array<i32>} : memref<128xf32, #tpu.memory_space<vmem>>, vector<16xf32>,
    %add3A_87 = arith.constant 16 : i32
    %add3A_88 = vector.broadcast %add3A_87 : i32 to vector<16xi32>
    %add3A_89 = arith.addi %add3A_88, %iota3A : vector<16xi32>
    %broadcast_in_dim3A_90 = arith.constant 129 : i32
    %broadcast_in_dim3A_91 = vector.broadcast %broadcast_in_dim3A_90 : i32 to vector<16xi32>
    %gather3A_92 = tpu.vector_load_idx %arg14[%add3A_89, %broadcast_in_dim3A_91] : memref<128x144xf32, #tpu.memory_space<vmem>>[vector<16xi32>, vector<16xi32>], vector<16xf32>,
    %get3A_93 = arith.constant 16 : index
    %get3A_94 = tpu.vector_load %arg10[%get3A_93] {strides = array<i32>} : memref<128xf32, #tpu.memory_space<vmem>>, vector<16xf32>,
    %add3A_95 = arith.addf %gather3A_92, %get3A_94 : vector<16xf32>
    %gt3A_96 = arith.constant 0.000000e+00 : f32
    %gt3A_97 = vector.broadcast %gt3A_96 : f32 to vector<16xf32>
    %gt3A_98 = arith.cmpf ogt, %add3A_95, %gt3A_97 : vector<16xf32>
    %mul3A_99 = arith.constant 2.000000e-01 : f32
    %mul3A_100 = vector.broadcast %mul3A_99 : f32 to vector<16xf32>
    %mul3A_101 = arith.mulf %mul3A_100, %add3A_95 : vector<16xf32>
    %select_n3A_102 = arith.select %gt3A_98, %add3A_95, %mul3A_101 : vector<16xi1>, vector<16xf32>
    %sub3A_103 = arith.subf %select_n3A_102, %get3A_26 : vector<16xf32>
    %exp3A_104 = math.exp %sub3A_103 : vector<16xf32>
    %add3A_105 = vector.broadcast %add3A_67 : i32 to vector<16xi32>
    %add3A_106 = arith.addi %add3A_105, %add3A_89 : vector<16xi32>
    %lt3A_107 = arith.constant 330000 : i32
    %lt3A_108 = vector.broadcast %lt3A_107 : i32 to vector<16xi32>
    %lt3A_109 = arith.cmpi slt, %add3A_106, %lt3A_108 : vector<16xi32>
    %jit3A_110 = arith.constant 0.000000e+00 : f32
    %broadcast_in_dim3A_111 = vector.broadcast %jit3A_110 : f32 to vector<16xf32>
    %select_n3A_112 = arith.select %lt3A_109, %exp3A_104, %broadcast_in_dim3A_111 : vector<16xi1>, vector<16xf32>
    %swap3A_113 = arith.constant 16 : index
    %swap3A_114 = tpu.vector_load %arg12[%swap3A_113] {strides = array<i32>} : memref<128xf32, #tpu.memory_space<vmem>>, vector<16xf32>,
    tpu.vector_store %arg12[%swap3A_113], %select_n3A_112 {strides = array<i32>} : memref<128xf32, #tpu.memory_space<vmem>>, vector<16xf32>,
    %add3A_115 = arith.constant 32 : i32
    %add3A_116 = vector.broadcast %add3A_115 : i32 to vector<16xi32>
    %add3A_117 = arith.addi %add3A_116, %iota3A : vector<16xi32>
    %broadcast_in_dim3A_118 = arith.constant 129 : i32
    %broadcast_in_dim3A_119 = vector.broadcast %broadcast_in_dim3A_118 : i32 to vector<16xi32>
    %gather3A_120 = tpu.vector_load_idx %arg14[%add3A_117, %broadcast_in_dim3A_119] : memref<128x144xf32, #tpu.memory_space<vmem>>[vector<16xi32>, vector<16xi32>], vector<16xf32>,
    %get3A_121 = arith.constant 32 : index
    %get3A_122 = tpu.vector_load %arg10[%get3A_121] {strides = array<i32>} : memref<128xf32, #tpu.memory_space<vmem>>, vector<16xf32>,
    %add3A_123 = arith.addf %gather3A_120, %get3A_122 : vector<16xf32>
    %gt3A_124 = arith.constant 0.000000e+00 : f32
    %gt3A_125 = vector.broadcast %gt3A_124 : f32 to vector<16xf32>
    %gt3A_126 = arith.cmpf ogt, %add3A_123, %gt3A_125 : vector<16xf32>
    %mul3A_127 = arith.constant 2.000000e-01 : f32
    %mul3A_128 = vector.broadcast %mul3A_127 : f32 to vector<16xf32>
    %mul3A_129 = arith.mulf %mul3A_128, %add3A_123 : vector<16xf32>
    %select_n3A_130 = arith.select %gt3A_126, %add3A_123, %mul3A_129 : vector<16xi1>, vector<16xf32>
    %sub3A_131 = arith.subf %select_n3A_130, %get3A_26 : vector<16xf32>
    %exp3A_132 = math.exp %sub3A_131 : vector<16xf32>
    %add3A_133 = vector.broadcast %add3A_67 : i32 to vector<16xi32>
    %add3A_134 = arith.addi %add3A_133, %add3A_117 : vector<16xi32>
    %lt3A_135 = arith.constant 330000 : i32
    %lt3A_136 = vector.broadcast %lt3A_135 : i32 to vector<16xi32>
    %lt3A_137 = arith.cmpi slt, %add3A_134, %lt3A_136 : vector<16xi32>
    %jit3A_138 = arith.constant 0.000000e+00 : f32
    %broadcast_in_dim3A_139 = vector.broadcast %jit3A_138 : f32 to vector<16xf32>
    %select_n3A_140 = arith.select %lt3A_137, %exp3A_132, %broadcast_in_dim3A_139 : vector<16xi1>, vector<16xf32>
    %swap3A_141 = arith.constant 32 : index
    %swap3A_142 = tpu.vector_load %arg12[%swap3A_141] {strides = array<i32>} : memref<128xf32, #tpu.memory_space<vmem>>, vector<16xf32>,
    tpu.vector_store %arg12[%swap3A_141], %select_n3A_140 {strides = array<i32>} : memref<128xf32, #tpu.memory_space<vmem>>, vector<16xf32>,
    %add3A_143 = arith.constant 48 : i32
    %add3A_144 = vector.broadcast %add3A_143 : i32 to vector<16xi32>
    %add3A_145 = arith.addi %add3A_144, %iota3A : vector<16xi32>
    %broadcast_in_dim3A_146 = arith.constant 129 : i32
    %broadcast_in_dim3A_147 = vector.broadcast %broadcast_in_dim3A_146 : i32 to vector<16xi32>
    %gather3A_148 = tpu.vector_load_idx %arg14[%add3A_145, %broadcast_in_dim3A_147] : memref<128x144xf32, #tpu.memory_space<vmem>>[vector<16xi32>, vector<16xi32>], vector<16xf32>,
    %get3A_149 = arith.constant 48 : index
    %get3A_150 = tpu.vector_load %arg10[%get3A_149] {strides = array<i32>} : memref<128xf32, #tpu.memory_space<vmem>>, vector<16xf32>,
    %add3A_151 = arith.addf %gather3A_148, %get3A_150 : vector<16xf32>
    %gt3A_152 = arith.constant 0.000000e+00 : f32
    %gt3A_153 = vector.broadcast %gt3A_152 : f32 to vector<16xf32>
    %gt3A_154 = arith.cmpf ogt, %add3A_151, %gt3A_153 : vector<16xf32>
    %mul3A_155 = arith.constant 2.000000e-01 : f32
    %mul3A_156 = vector.broadcast %mul3A_155 : f32 to vector<16xf32>
    %mul3A_157 = arith.mulf %mul3A_156, %add3A_151 : vector<16xf32>
    %select_n3A_158 = arith.select %gt3A_154, %add3A_151, %mul3A_157 : vector<16xi1>, vector<16xf32>
    %sub3A_159 = arith.subf %select_n3A_158, %get3A_26 : vector<16xf32>
    %exp3A_160 = math.exp %sub3A_159 : vector<16xf32>
    %add3A_161 = vector.broadcast %add3A_67 : i32 to vector<16xi32>
    %add3A_162 = arith.addi %add3A_161, %add3A_145 : vector<16xi32>
    %lt3A_163 = arith.constant 330000 : i32
    %lt3A_164 = vector.broadcast %lt3A_163 : i32 to vector<16xi32>
    %lt3A_165 = arith.cmpi slt, %add3A_162, %lt3A_164 : vector<16xi32>
    %jit3A_166 = arith.constant 0.000000e+00 : f32
    %broadcast_in_dim3A_167 = vector.broadcast %jit3A_166 : f32 to vector<16xf32>
    %select_n3A_168 = arith.select %lt3A_165, %exp3A_160, %broadcast_in_dim3A_167 : vector<16xi1>, vector<16xf32>
    %swap3A_169 = arith.constant 48 : index
    %swap3A_170 = tpu.vector_load %arg12[%swap3A_169] {strides = array<i32>} : memref<128xf32, #tpu.memory_space<vmem>>, vector<16xf32>,
    tpu.vector_store %arg12[%swap3A_169], %select_n3A_168 {strides = array<i32>} : memref<128xf32, #tpu.memory_space<vmem>>, vector<16xf32>,
    %add3A_171 = arith.constant 64 : i32
    %add3A_172 = vector.broadcast %add3A_171 : i32 to vector<16xi32>
    %add3A_173 = arith.addi %add3A_172, %iota3A : vector<16xi32>
    %broadcast_in_dim3A_174 = arith.constant 129 : i32
    %broadcast_in_dim3A_175 = vector.broadcast %broadcast_in_dim3A_174 : i32 to vector<16xi32>
    %gather3A_176 = tpu.vector_load_idx %arg14[%add3A_173, %broadcast_in_dim3A_175] : memref<128x144xf32, #tpu.memory_space<vmem>>[vector<16xi32>, vector<16xi32>], vector<16xf32>,
    %get3A_177 = arith.constant 64 : index
    %get3A_178 = tpu.vector_load %arg10[%get3A_177] {strides = array<i32>} : memref<128xf32, #tpu.memory_space<vmem>>, vector<16xf32>,
    %add3A_179 = arith.addf %gather3A_176, %get3A_178 : vector<16xf32>
    %gt3A_180 = arith.constant 0.000000e+00 : f32
    %gt3A_181 = vector.broadcast %gt3A_180 : f32 to vector<16xf32>
    %gt3A_182 = arith.cmpf ogt, %add3A_179, %gt3A_181 : vector<16xf32>
    %mul3A_183 = arith.constant 2.000000e-01 : f32
    %mul3A_184 = vector.broadcast %mul3A_183 : f32 to vector<16xf32>
    %mul3A_185 = arith.mulf %mul3A_184, %add3A_179 : vector<16xf32>
    %select_n3A_186 = arith.select %gt3A_182, %add3A_179, %mul3A_185 : vector<16xi1>, vector<16xf32>
    %sub3A_187 = arith.subf %select_n3A_186, %get3A_26 : vector<16xf32>
    %exp3A_188 = math.exp %sub3A_187 : vector<16xf32>
    %add3A_189 = vector.broadcast %add3A_67 : i32 to vector<16xi32>
    %add3A_190 = arith.addi %add3A_189, %add3A_173 : vector<16xi32>
    %lt3A_191 = arith.constant 330000 : i32
    %lt3A_192 = vector.broadcast %lt3A_191 : i32 to vector<16xi32>
    %lt3A_193 = arith.cmpi slt, %add3A_190, %lt3A_192 : vector<16xi32>
    %jit3A_194 = arith.constant 0.000000e+00 : f32
    %broadcast_in_dim3A_195 = vector.broadcast %jit3A_194 : f32 to vector<16xf32>
    %select_n3A_196 = arith.select %lt3A_193, %exp3A_188, %broadcast_in_dim3A_195 : vector<16xi1>, vector<16xf32>
    %swap3A_197 = arith.constant 64 : index
    %swap3A_198 = tpu.vector_load %arg12[%swap3A_197] {strides = array<i32>} : memref<128xf32, #tpu.memory_space<vmem>>, vector<16xf32>,
    tpu.vector_store %arg12[%swap3A_197], %select_n3A_196 {strides = array<i32>} : memref<128xf32, #tpu.memory_space<vmem>>, vector<16xf32>,
    %add3A_199 = arith.constant 80 : i32
    %add3A_200 = vector.broadcast %add3A_199 : i32 to vector<16xi32>
    %add3A_201 = arith.addi %add3A_200, %iota3A : vector<16xi32>
    %broadcast_in_dim3A_202 = arith.constant 129 : i32
    %broadcast_in_dim3A_203 = vector.broadcast %broadcast_in_dim3A_202 : i32 to vector<16xi32>
    %gather3A_204 = tpu.vector_load_idx %arg14[%add3A_201, %broadcast_in_dim3A_203] : memref<128x144xf32, #tpu.memory_space<vmem>>[vector<16xi32>, vector<16xi32>], vector<16xf32>,
    %get3A_205 = arith.constant 80 : index
    %get3A_206 = tpu.vector_load %arg10[%get3A_205] {strides = array<i32>} : memref<128xf32, #tpu.memory_space<vmem>>, vector<16xf32>,
    %add3A_207 = arith.addf %gather3A_204, %get3A_206 : vector<16xf32>
    %gt3A_208 = arith.constant 0.000000e+00 : f32
    %gt3A_209 = vector.broadcast %gt3A_208 : f32 to vector<16xf32>
    %gt3A_210 = arith.cmpf ogt, %add3A_207, %gt3A_209 : vector<16xf32>
    %mul3A_211 = arith.constant 2.000000e-01 : f32
    %mul3A_212 = vector.broadcast %mul3A_211 : f32 to vector<16xf32>
    %mul3A_213 = arith.mulf %mul3A_212, %add3A_207 : vector<16xf32>
    %select_n3A_214 = arith.select %gt3A_210, %add3A_207, %mul3A_213 : vector<16xi1>, vector<16xf32>
    %sub3A_215 = arith.subf %select_n3A_214, %get3A_26 : vector<16xf32>
    %exp3A_216 = math.exp %sub3A_215 : vector<16xf32>
    %add3A_217 = vector.broadcast %add3A_67 : i32 to vector<16xi32>
    %add3A_218 = arith.addi %add3A_217, %add3A_201 : vector<16xi32>
    %lt3A_219 = arith.constant 330000 : i32
    %lt3A_220 = vector.broadcast %lt3A_219 : i32 to vector<16xi32>
    %lt3A_221 = arith.cmpi slt, %add3A_218, %lt3A_220 : vector<16xi32>
    %jit3A_222 = arith.constant 0.000000e+00 : f32
    %broadcast_in_dim3A_223 = vector.broadcast %jit3A_222 : f32 to vector<16xf32>
    %select_n3A_224 = arith.select %lt3A_221, %exp3A_216, %broadcast_in_dim3A_223 : vector<16xi1>, vector<16xf32>
    %swap3A_225 = arith.constant 80 : index
    %swap3A_226 = tpu.vector_load %arg12[%swap3A_225] {strides = array<i32>} : memref<128xf32, #tpu.memory_space<vmem>>, vector<16xf32>,
    tpu.vector_store %arg12[%swap3A_225], %select_n3A_224 {strides = array<i32>} : memref<128xf32, #tpu.memory_space<vmem>>, vector<16xf32>,
    %add3A_227 = arith.constant 96 : i32
    %add3A_228 = vector.broadcast %add3A_227 : i32 to vector<16xi32>
    %add3A_229 = arith.addi %add3A_228, %iota3A : vector<16xi32>
    %broadcast_in_dim3A_230 = arith.constant 129 : i32
    %broadcast_in_dim3A_231 = vector.broadcast %broadcast_in_dim3A_230 : i32 to vector<16xi32>
    %gather3A_232 = tpu.vector_load_idx %arg14[%add3A_229, %broadcast_in_dim3A_231] : memref<128x144xf32, #tpu.memory_space<vmem>>[vector<16xi32>, vector<16xi32>], vector<16xf32>,
    %get3A_233 = arith.constant 96 : index
    %get3A_234 = tpu.vector_load %arg10[%get3A_233] {strides = array<i32>} : memref<128xf32, #tpu.memory_space<vmem>>, vector<16xf32>,
    %add3A_235 = arith.addf %gather3A_232, %get3A_234 : vector<16xf32>
    %gt3A_236 = arith.constant 0.000000e+00 : f32
    %gt3A_237 = vector.broadcast %gt3A_236 : f32 to vector<16xf32>
    %gt3A_238 = arith.cmpf ogt, %add3A_235, %gt3A_237 : vector<16xf32>
    %mul3A_239 = arith.constant 2.000000e-01 : f32
    %mul3A_240 = vector.broadcast %mul3A_239 : f32 to vector<16xf32>
    %mul3A_241 = arith.mulf %mul3A_240, %add3A_235 : vector<16xf32>
    %select_n3A_242 = arith.select %gt3A_238, %add3A_235, %mul3A_241 : vector<16xi1>, vector<16xf32>
    %sub3A_243 = arith.subf %select_n3A_242, %get3A_26 : vector<16xf32>
    %exp3A_244 = math.exp %sub3A_243 : vector<16xf32>
    %add3A_245 = vector.broadcast %add3A_67 : i32 to vector<16xi32>
    %add3A_246 = arith.addi %add3A_245, %add3A_229 : vector<16xi32>
    %lt3A_247 = arith.constant 330000 : i32
    %lt3A_248 = vector.broadcast %lt3A_247 : i32 to vector<16xi32>
    %lt3A_249 = arith.cmpi slt, %add3A_246, %lt3A_248 : vector<16xi32>
    %jit3A_250 = arith.constant 0.000000e+00 : f32
    %broadcast_in_dim3A_251 = vector.broadcast %jit3A_250 : f32 to vector<16xf32>
    %select_n3A_252 = arith.select %lt3A_249, %exp3A_244, %broadcast_in_dim3A_251 : vector<16xi1>, vector<16xf32>
    %swap3A_253 = arith.constant 96 : index
    %swap3A_254 = tpu.vector_load %arg12[%swap3A_253] {strides = array<i32>} : memref<128xf32, #tpu.memory_space<vmem>>, vector<16xf32>,
    tpu.vector_store %arg12[%swap3A_253], %select_n3A_252 {strides = array<i32>} : memref<128xf32, #tpu.memory_space<vmem>>, vector<16xf32>,
    %add3A_255 = arith.constant 112 : i32
    %add3A_256 = vector.broadcast %add3A_255 : i32 to vector<16xi32>
    %add3A_257 = arith.addi %add3A_256, %iota3A : vector<16xi32>
    %broadcast_in_dim3A_258 = arith.constant 129 : i32
    %broadcast_in_dim3A_259 = vector.broadcast %broadcast_in_dim3A_258 : i32 to vector<16xi32>
    %gather3A_260 = tpu.vector_load_idx %arg14[%add3A_257, %broadcast_in_dim3A_259] : memref<128x144xf32, #tpu.memory_space<vmem>>[vector<16xi32>, vector<16xi32>], vector<16xf32>,
    %get3A_261 = arith.constant 112 : index
    %get3A_262 = tpu.vector_load %arg10[%get3A_261] {strides = array<i32>} : memref<128xf32, #tpu.memory_space<vmem>>, vector<16xf32>,
    %add3A_263 = arith.addf %gather3A_260, %get3A_262 : vector<16xf32>
    %gt3A_264 = arith.constant 0.000000e+00 : f32
    %gt3A_265 = vector.broadcast %gt3A_264 : f32 to vector<16xf32>
    %gt3A_266 = arith.cmpf ogt, %add3A_263, %gt3A_265 : vector<16xf32>
    %mul3A_267 = arith.constant 2.000000e-01 : f32
    %mul3A_268 = vector.broadcast %mul3A_267 : f32 to vector<16xf32>
    %mul3A_269 = arith.mulf %mul3A_268, %add3A_263 : vector<16xf32>
    %select_n3A_270 = arith.select %gt3A_266, %add3A_263, %mul3A_269 : vector<16xi1>, vector<16xf32>
    %sub3A_271 = arith.subf %select_n3A_270, %get3A_26 : vector<16xf32>
    %exp3A_272 = math.exp %sub3A_271 : vector<16xf32>
    %add3A_273 = vector.broadcast %add3A_67 : i32 to vector<16xi32>
    %add3A_274 = arith.addi %add3A_273, %add3A_257 : vector<16xi32>
    %lt3A_275 = arith.constant 330000 : i32
    %lt3A_276 = vector.broadcast %lt3A_275 : i32 to vector<16xi32>
    %lt3A_277 = arith.cmpi slt, %add3A_274, %lt3A_276 : vector<16xi32>
    %jit3A_278 = arith.constant 0.000000e+00 : f32
    %broadcast_in_dim3A_279 = vector.broadcast %jit3A_278 : f32 to vector<16xf32>
    %select_n3A_280 = arith.select %lt3A_277, %exp3A_272, %broadcast_in_dim3A_279 : vector<16xi1>, vector<16xf32>
    %swap3A_281 = arith.constant 112 : index
    %swap3A_282 = tpu.vector_load %arg12[%swap3A_281] {strides = array<i32>} : memref<128xf32, #tpu.memory_space<vmem>>, vector<16xf32>,
    tpu.vector_store %arg12[%swap3A_281], %select_n3A_280 {strides = array<i32>} : memref<128xf32, #tpu.memory_space<vmem>>, vector<16xf32>,
    %parallel_loop3A = arith.constant 0 : i32
    %parallel_loop3A_283 = arith.constant 128 : i32
    %parallel_loop3A_284 = arith.constant 1 : i32
    scf.for %parallel_loop3A_339 = %parallel_loop3A to %parallel_loop3A_283 step %parallel_loop3A_284  : i32 {
      %parallel_loop3A_340 = arith.constant 0 : i32
      %parallel_loop3A_341 = vector.broadcast %parallel_loop3A_340 : i32 to vector<16xi32>
      %parallel_loop3A_342 = vector.broadcast %parallel_loop3A_339 : i32 to vector<16xi32>
      %parallel_loop3A_343 = arith.addi %parallel_loop3A_341, %parallel_loop3A_342 : vector<16xi32>
      %parallel_loop3A_344 = tpu.vector_load_idx %arg12[%parallel_loop3A_343] : memref<128xf32, #tpu.memory_space<vmem>>[vector<16xi32>], vector<16xf32>,
      %parallel_loop3A_345 = arith.index_cast %parallel_loop3A_339 : i32 to index
      %parallel_loop3A_346 = arith.constant 0 : index
      %parallel_loop3A_347 = tpu.vector_load %arg14[%parallel_loop3A_345, %parallel_loop3A_346] {strides = array<i32>} : memref<128x144xf32, #tpu.memory_space<vmem>>, vector<16xf32>,
      %parallel_loop3A_348 = arith.mulf %parallel_loop3A_347, %parallel_loop3A_344 : vector<16xf32>
      %parallel_loop3A_349 = arith.index_cast %parallel_loop3A_339 : i32 to index
      %parallel_loop3A_350 = arith.constant 0 : index
      %parallel_loop3A_351 = tpu.vector_load %arg14[%parallel_loop3A_349, %parallel_loop3A_350] {strides = array<i32>} : memref<128x144xf32, #tpu.memory_space<vmem>>, vector<16xf32>,
      tpu.vector_store %arg14[%parallel_loop3A_349, %parallel_loop3A_350], %parallel_loop3A_348 {strides = array<i32>} : memref<128x144xf32, #tpu.memory_space<vmem>>, vector<16xf32>,
      %parallel_loop3A_352 = arith.index_cast %parallel_loop3A_339 : i32 to index
      %parallel_loop3A_353 = arith.constant 16 : index
      %parallel_loop3A_354 = tpu.vector_load %arg14[%parallel_loop3A_352, %parallel_loop3A_353] {strides = array<i32>} : memref<128x144xf32, #tpu.memory_space<vmem>>, vector<16xf32>,
      %parallel_loop3A_355 = arith.mulf %parallel_loop3A_354, %parallel_loop3A_344 : vector<16xf32>
      %parallel_loop3A_356 = arith.index_cast %parallel_loop3A_339 : i32 to index
      %parallel_loop3A_357 = arith.constant 16 : index
      %parallel_loop3A_358 = tpu.vector_load %arg14[%parallel_loop3A_356, %parallel_loop3A_357] {strides = array<i32>} : memref<128x144xf32, #tpu.memory_space<vmem>>, vector<16xf32>,
      tpu.vector_store %arg14[%parallel_loop3A_356, %parallel_loop3A_357], %parallel_loop3A_355 {strides = array<i32>} : memref<128x144xf32, #tpu.memory_space<vmem>>, vector<16xf32>,
      %parallel_loop3A_359 = arith.index_cast %parallel_loop3A_339 : i32 to index
      %parallel_loop3A_360 = arith.constant 32 : index
      %parallel_loop3A_361 = tpu.vector_load %arg14[%parallel_loop3A_359, %parallel_loop3A_360] {strides = array<i32>} : memref<128x144xf32, #tpu.memory_space<vmem>>, vector<16xf32>,
      %parallel_loop3A_362 = arith.mulf %parallel_loop3A_361, %parallel_loop3A_344 : vector<16xf32>
      %parallel_loop3A_363 = arith.index_cast %parallel_loop3A_339 : i32 to index
      %parallel_loop3A_364 = arith.constant 32 : index
      %parallel_loop3A_365 = tpu.vector_load %arg14[%parallel_loop3A_363, %parallel_loop3A_364] {strides = array<i32>} : memref<128x144xf32, #tpu.memory_space<vmem>>, vector<16xf32>,
      tpu.vector_store %arg14[%parallel_loop3A_363, %parallel_loop3A_364], %parallel_loop3A_362 {strides = array<i32>} : memref<128x144xf32, #tpu.memory_space<vmem>>, vector<16xf32>,
      %parallel_loop3A_366 = arith.index_cast %parallel_loop3A_339 : i32 to index
      %parallel_loop3A_367 = arith.constant 48 : index
      %parallel_loop3A_368 = tpu.vector_load %arg14[%parallel_loop3A_366, %parallel_loop3A_367] {strides = array<i32>} : memref<128x144xf32, #tpu.memory_space<vmem>>, vector<16xf32>,
      %parallel_loop3A_369 = arith.mulf %parallel_loop3A_368, %parallel_loop3A_344 : vector<16xf32>
      %parallel_loop3A_370 = arith.index_cast %parallel_loop3A_339 : i32 to index
      %parallel_loop3A_371 = arith.constant 48 : index
      %parallel_loop3A_372 = tpu.vector_load %arg14[%parallel_loop3A_370, %parallel_loop3A_371] {strides = array<i32>} : memref<128x144xf32, #tpu.memory_space<vmem>>, vector<16xf32>,
      tpu.vector_store %arg14[%parallel_loop3A_370, %parallel_loop3A_371], %parallel_loop3A_369 {strides = array<i32>} : memref<128x144xf32, #tpu.memory_space<vmem>>, vector<16xf32>,
      %parallel_loop3A_373 = arith.index_cast %parallel_loop3A_339 : i32 to index
      %parallel_loop3A_374 = arith.constant 64 : index
      %parallel_loop3A_375 = tpu.vector_load %arg14[%parallel_loop3A_373, %parallel_loop3A_374] {strides = array<i32>} : memref<128x144xf32, #tpu.memory_space<vmem>>, vector<16xf32>,
      %parallel_loop3A_376 = arith.mulf %parallel_loop3A_375, %parallel_loop3A_344 : vector<16xf32>
      %parallel_loop3A_377 = arith.index_cast %parallel_loop3A_339 : i32 to index
      %parallel_loop3A_378 = arith.constant 64 : index
      %parallel_loop3A_379 = tpu.vector_load %arg14[%parallel_loop3A_377, %parallel_loop3A_378] {strides = array<i32>} : memref<128x144xf32, #tpu.memory_space<vmem>>, vector<16xf32>,
      tpu.vector_store %arg14[%parallel_loop3A_377, %parallel_loop3A_378], %parallel_loop3A_376 {strides = array<i32>} : memref<128x144xf32, #tpu.memory_space<vmem>>, vector<16xf32>,
      %parallel_loop3A_380 = arith.index_cast %parallel_loop3A_339 : i32 to index
      %parallel_loop3A_381 = arith.constant 80 : index
      %parallel_loop3A_382 = tpu.vector_load %arg14[%parallel_loop3A_380, %parallel_loop3A_381] {strides = array<i32>} : memref<128x144xf32, #tpu.memory_space<vmem>>, vector<16xf32>,
      %parallel_loop3A_383 = arith.mulf %parallel_loop3A_382, %parallel_loop3A_344 : vector<16xf32>
      %parallel_loop3A_384 = arith.index_cast %parallel_loop3A_339 : i32 to index
      %parallel_loop3A_385 = arith.constant 80 : index
      %parallel_loop3A_386 = tpu.vector_load %arg14[%parallel_loop3A_384, %parallel_loop3A_385] {strides = array<i32>} : memref<128x144xf32, #tpu.memory_space<vmem>>, vector<16xf32>,
      tpu.vector_store %arg14[%parallel_loop3A_384, %parallel_loop3A_385], %parallel_loop3A_383 {strides = array<i32>} : memref<128x144xf32, #tpu.memory_space<vmem>>, vector<16xf32>,
      %parallel_loop3A_387 = arith.index_cast %parallel_loop3A_339 : i32 to index
      %parallel_loop3A_388 = arith.constant 96 : index
      %parallel_loop3A_389 = tpu.vector_load %arg14[%parallel_loop3A_387, %parallel_loop3A_388] {strides = array<i32>} : memref<128x144xf32, #tpu.memory_space<vmem>>, vector<16xf32>,
      %parallel_loop3A_390 = arith.mulf %parallel_loop3A_389, %parallel_loop3A_344 : vector<16xf32>
      %parallel_loop3A_391 = arith.index_cast %parallel_loop3A_339 : i32 to index
      %parallel_loop3A_392 = arith.constant 96 : index
      %parallel_loop3A_393 = tpu.vector_load %arg14[%parallel_loop3A_391, %parallel_loop3A_392] {strides = array<i32>} : memref<128x144xf32, #tpu.memory_space<vmem>>, vector<16xf32>,
      tpu.vector_store %arg14[%parallel_loop3A_391, %parallel_loop3A_392], %parallel_loop3A_390 {strides = array<i32>} : memref<128x144xf32, #tpu.memory_space<vmem>>, vector<16xf32>,
      %parallel_loop3A_394 = arith.index_cast %parallel_loop3A_339 : i32 to index
      %parallel_loop3A_395 = arith.constant 112 : index
      %parallel_loop3A_396 = tpu.vector_load %arg14[%parallel_loop3A_394, %parallel_loop3A_395] {strides = array<i32>} : memref<128x144xf32, #tpu.memory_space<vmem>>, vector<16xf32>,
      %parallel_loop3A_397 = arith.mulf %parallel_loop3A_396, %parallel_loop3A_344 : vector<16xf32>
      %parallel_loop3A_398 = arith.index_cast %parallel_loop3A_339 : i32 to index
      %parallel_loop3A_399 = arith.constant 112 : index
      %parallel_loop3A_400 = tpu.vector_load %arg14[%parallel_loop3A_398, %parallel_loop3A_399] {strides = array<i32>} : memref<128x144xf32, #tpu.memory_space<vmem>>, vector<16xf32>,
      tpu.vector_store %arg14[%parallel_loop3A_398, %parallel_loop3A_399], %parallel_loop3A_397 {strides = array<i32>} : memref<128x144xf32, #tpu.memory_space<vmem>>, vector<16xf32>,
      %parallel_loop3A_401 = arith.index_cast %parallel_loop3A_339 : i32 to index
      %parallel_loop3A_402 = arith.constant 128 : index
      %parallel_loop3A_403 = tpu.vector_load %arg14[%parallel_loop3A_401, %parallel_loop3A_402] {strides = array<i32>} : memref<128x144xf32, #tpu.memory_space<vmem>>, vector<16xf32>,
      %parallel_loop3A_404 = arith.mulf %parallel_loop3A_403, %parallel_loop3A_344 : vector<16xf32>
      %parallel_loop3A_405 = arith.index_cast %parallel_loop3A_339 : i32 to index
      %parallel_loop3A_406 = arith.constant 128 : index
      %parallel_loop3A_407 = tpu.vector_load %arg14[%parallel_loop3A_405, %parallel_loop3A_406] {strides = array<i32>} : memref<128x144xf32, #tpu.memory_space<vmem>>, vector<16xf32>,
      tpu.vector_store %arg14[%parallel_loop3A_405, %parallel_loop3A_406], %parallel_loop3A_404 {strides = array<i32>} : memref<128x144xf32, #tpu.memory_space<vmem>>, vector<16xf32>,
    } {sc.loop_unroll_factor = 8 : i64, sc.parallel_access}
    %dma_start3A_285 = arith.constant 1 : i32
    %dma_start3A_286 = arith.constant 0 : i32
    %dma_start3A_287 = tpu.memref_slice %arg8[%dma_start3A_285, %dma_start3A_286] : memref<2x128xi32, #tpu.memory_space<vmem>> -> memref<1x128xi32, #tpu.memory_space<vmem>>
    %dma_start3A_288 = tpu.memref_squeeze %dma_start3A_287 : memref<1x128xi32, #tpu.memory_space<vmem>> -> memref<128xi32, #tpu.memory_space<vmem>>
    %dma_start3A_289 = arith.constant 0 : i32
    %dma_start3A_290 = arith.constant 0 : i32
    %dma_start3A_291 = tpu.memref_slice %arg16[%dma_start3A_289, %dma_start3A_290] : memref<10240x144xf32, #tpu.memory_space<vmem_shared>> -> memref<10240x144xf32, #tpu.memory_space<vmem_shared>>
    tpu.enqueue_indirect_dma source(%arg14 : memref<128x144xf32, #tpu.memory_space<vmem>>) target(%dma_start3A_291 : memref<10240x144xf32, #tpu.memory_space<vmem_shared>>) offsets(%dma_start3A_288 : memref<128xi32, #tpu.memory_space<vmem>>) semaphore(%arg21 : memref<!tpu.dma_semaphore, #tpu.memory_space<semaphore_mem>>) {add = true}
    %scan3A_292 = arith.constant 0 : i32
    %scan3A_293 = arith.constant 0 : i32
    %scan3A_294 = arith.constant 40 : i32
    %scan3A_295 = arith.addi %scan3A_293, %scan3A_294 : i32
    %scan3A_296 = arith.constant 1 : i32
    scf.for %scan3A_339 = %scan3A_293 to %scan3A_295 step %scan3A_296  : i32 {
      %lt3A_340 = arith.constant 40 : i32
      %lt3A_341 = arith.cmpi slt, %scan3A_339, %lt3A_340 : i32
      %convert_element_type3A = arith.extui %lt3A_341 : i1 to i32
      %cond3A = arith.constant 0 : i32
      %cond3A_342 = arith.cmpi ne, %convert_element_type3A, %cond3A : i32
      scf.if %cond3A_342 {
        %mul3A_343 = arith.constant 2 : i32
        %mul3A_344 = arith.muli %mul3A_343, %scan3A_339 : i32
        %add3A_345 = arith.constant 1 : i32
        %add3A_346 = arith.addi %mul3A_344, %add3A_345 : i32
        %dma_wait3A_347 = arith.constant 1 : i32
        %dma_wait3A_348 = arith.constant 0 : i32
        %dma_wait3A_349 = tpu.memref_slice %arg8[%dma_wait3A_347, %dma_wait3A_348] : memref<2x128xi32, #tpu.memory_space<vmem>> -> memref<1x128xi32, #tpu.memory_space<vmem>>
        %dma_wait3A_350 = tpu.memref_squeeze %dma_wait3A_349 : memref<1x128xi32, #tpu.memory_space<vmem>> -> memref<128xi32, #tpu.memory_space<vmem>>
        %dma_wait3A_351 = arith.constant 0 : i32
        %dma_wait3A_352 = arith.constant 0 : i32
        %dma_wait3A_353 = tpu.memref_slice %arg16[%dma_wait3A_351, %dma_wait3A_352] : memref<10240x144xf32, #tpu.memory_space<vmem_shared>> -> memref<10240x144xf32, #tpu.memory_space<vmem_shared>>
        tpu.wait_indirect_dma semaphore(%arg21 : memref<!tpu.dma_semaphore, #tpu.memory_space<semaphore_mem>>) src(%arg14 : memref<128x144xf32, #tpu.memory_space<vmem>>) dst(%dma_wait3A_353 : memref<10240x144xf32, #tpu.memory_space<vmem_shared>>)
        %add3A_354 = arith.constant 1 : i32
        %add3A_355 = arith.addi %add3A_346, %add3A_354 : i32
        %mul3A_356 = arith.constant 128 : i32
        %mul3A_357 = arith.muli %add3A_355, %mul3A_356 : i32
        "tpu.region"() ({
          %run_scoped3A = tpu.sem_alloc : memref<!tpu.dma_semaphore, #tpu.memory_space<semaphore_mem>>
          %dma_start3A_903 = arith.constant 0 : i32
          %dma_start3A_904 = tpu.memref_slice %arg3[%add3A, %dma_start3A_903, %mul3A_357] : memref<32x2x10496xi32, #tpu.memory_space<hbm>> -> memref<1x2x128xi32, #tpu.memory_space<hbm>>
          %dma_start3A_905 = tpu.memref_squeeze %dma_start3A_904 : memref<1x2x128xi32, #tpu.memory_space<hbm>> -> memref<2x128xi32, #tpu.memory_space<hbm>>
          %dma_start3A_906 = arith.constant 0 : i32
          %dma_start3A_907 = tpu.memref_slice %arg3[%add3A, %dma_start3A_906, %mul3A_357] : memref<32x2x10496xi32, #tpu.memory_space<hbm>> -> memref<1x2x128xi32, #tpu.memory_space<hbm>>
          %dma_start3A_908 = tpu.memref_squeeze %dma_start3A_907 : memref<1x2x128xi32, #tpu.memory_space<hbm>> -> memref<2x128xi32, #tpu.memory_space<hbm>>
          tpu.enqueue_dma source(%dma_start3A_908 : memref<2x128xi32, #tpu.memory_space<hbm>>) target(%arg8 : memref<2x128xi32, #tpu.memory_space<vmem>>) target_semaphore(%run_scoped3A : memref<!tpu.dma_semaphore, #tpu.memory_space<semaphore_mem>>)
          %dma_wait3A_909 = arith.constant 0 : i32
          %dma_wait3A_910 = tpu.memref_slice %arg3[%add3A, %dma_wait3A_909, %mul3A_357] : memref<32x2x10496xi32, #tpu.memory_space<hbm>> -> memref<1x2x128xi32, #tpu.memory_space<hbm>>
          %dma_wait3A_911 = tpu.memref_squeeze %dma_wait3A_910 : memref<1x2x128xi32, #tpu.memory_space<hbm>> -> memref<2x128xi32, #tpu.memory_space<hbm>>
          %dma_wait3A_912 = arith.constant 0 : i32
          %dma_wait3A_913 = tpu.memref_slice %arg3[%add3A, %dma_wait3A_912, %mul3A_357] : memref<32x2x10496xi32, #tpu.memory_space<hbm>> -> memref<1x2x128xi32, #tpu.memory_space<hbm>>
          %dma_wait3A_914 = tpu.memref_squeeze %dma_wait3A_913 : memref<1x2x128xi32, #tpu.memory_space<hbm>> -> memref<2x128xi32, #tpu.memory_space<hbm>>
          tpu.wait_dma2 semaphore(%run_scoped3A : memref<!tpu.dma_semaphore, #tpu.memory_space<semaphore_mem>>) src(%dma_wait3A_914 : memref<2x128xi32, #tpu.memory_space<hbm>>) dst(%arg8 : memref<2x128xi32, #tpu.memory_space<vmem>>)
          tpu.yield
        }) : () -> ()
        %dma_start3A_358 = arith.constant 0 : i32
        %dma_start3A_359 = arith.constant 0 : i32
        %dma_start3A_360 = tpu.memref_slice %arg8[%dma_start3A_358, %dma_start3A_359] : memref<2x128xi32, #tpu.memory_space<vmem>> -> memref<1x128xi32, #tpu.memory_space<vmem>>
        %dma_start3A_361 = tpu.memref_squeeze %dma_start3A_360 : memref<1x128xi32, #tpu.memory_space<vmem>> -> memref<128xi32, #tpu.memory_space<vmem>>
        %dma_start3A_362 = arith.constant 0 : i32
        %dma_start3A_363 = arith.constant 0 : i32
        %dma_start3A_364 = tpu.memref_slice %arg2[%dma_start3A_362, %dma_start3A_363] : memref<10240x144xf32, #tpu.memory_space<hbm>> -> memref<10240x144xf32, #tpu.memory_space<hbm>>
        tpu.enqueue_indirect_dma source(%dma_start3A_364 : memref<10240x144xf32, #tpu.memory_space<hbm>>) target(%arg14 : memref<128x144xf32, #tpu.memory_space<vmem>>) offsets(%dma_start3A_361 : memref<128xi32, #tpu.memory_space<vmem>>) semaphore(%arg17 : memref<!tpu.dma_semaphore, #tpu.memory_space<semaphore_mem>>)
        %dma_start3A_365 = arith.constant 1 : i32
        %dma_start3A_366 = arith.constant 0 : i32
        %dma_start3A_367 = tpu.memref_slice %arg8[%dma_start3A_365, %dma_start3A_366] : memref<2x128xi32, #tpu.memory_space<vmem>> -> memref<1x128xi32, #tpu.memory_space<vmem>>
        %dma_start3A_368 = tpu.memref_squeeze %dma_start3A_367 : memref<1x128xi32, #tpu.memory_space<vmem>> -> memref<128xi32, #tpu.memory_space<vmem>>
        %dma_start3A_369 = arith.constant 0 : i32
        %dma_start3A_370 = tpu.memref_slice %arg4[%dma_start3A_369] : memref<10240xf32, #tpu.memory_space<hbm>> -> memref<10240xf32, #tpu.memory_space<hbm>>
        tpu.enqueue_indirect_dma source(%dma_start3A_370 : memref<10240xf32, #tpu.memory_space<hbm>>) target(%arg10 : memref<128xf32, #tpu.memory_space<vmem>>) offsets(%dma_start3A_368 : memref<128xi32, #tpu.memory_space<vmem>>) semaphore(%arg19 : memref<!tpu.dma_semaphore, #tpu.memory_space<semaphore_mem>>)
        %dma_wait3A_371 = arith.constant 0 : i32
        %dma_wait3A_372 = arith.constant 0 : i32
        %dma_wait3A_373 = tpu.memref_slice %arg9[%dma_wait3A_371, %dma_wait3A_372] : memref<2x128xi32, #tpu.memory_space<vmem>> -> memref<1x128xi32, #tpu.memory_space<vmem>>
        %dma_wait3A_374 = tpu.memref_squeeze %dma_wait3A_373 : memref<1x128xi32, #tpu.memory_space<vmem>> -> memref<128xi32, #tpu.memory_space<vmem>>
        %dma_wait3A_375 = arith.constant 0 : i32
        %dma_wait3A_376 = arith.constant 0 : i32
        %dma_wait3A_377 = tpu.memref_slice %arg2[%dma_wait3A_375, %dma_wait3A_376] : memref<10240x144xf32, #tpu.memory_space<hbm>> -> memref<10240x144xf32, #tpu.memory_space<hbm>>
        tpu.wait_indirect_dma semaphore(%arg18 : memref<!tpu.dma_semaphore, #tpu.memory_space<semaphore_mem>>) src(%dma_wait3A_377 : memref<10240x144xf32, #tpu.memory_space<hbm>>) dst(%arg15 : memref<128x144xf32, #tpu.memory_space<vmem>>)
        %dma_wait3A_378 = arith.constant 1 : i32
        %dma_wait3A_379 = arith.constant 0 : i32
        %dma_wait3A_380 = tpu.memref_slice %arg9[%dma_wait3A_378, %dma_wait3A_379] : memref<2x128xi32, #tpu.memory_space<vmem>> -> memref<1x128xi32, #tpu.memory_space<vmem>>
        %dma_wait3A_381 = tpu.memref_squeeze %dma_wait3A_380 : memref<1x128xi32, #tpu.memory_space<vmem>> -> memref<128xi32, #tpu.memory_space<vmem>>
        %dma_wait3A_382 = arith.constant 0 : i32
        %dma_wait3A_383 = tpu.memref_slice %arg4[%dma_wait3A_382] : memref<10240xf32, #tpu.memory_space<hbm>> -> memref<10240xf32, #tpu.memory_space<hbm>>
        tpu.wait_indirect_dma semaphore(%arg20 : memref<!tpu.dma_semaphore, #tpu.memory_space<semaphore_mem>>) src(%dma_wait3A_383 : memref<10240xf32, #tpu.memory_space<hbm>>) dst(%arg11 : memref<128xf32, #tpu.memory_space<vmem>>)
        %mul3A_384 = arith.constant 10368 : i32
        %mul3A_385 = arith.muli %add3A, %mul3A_384 : i32
        %mul3A_386 = arith.constant 128 : i32
        %mul3A_387 = arith.muli %add3A_346, %mul3A_386 : i32
        %add3A_388 = arith.addi %mul3A_385, %mul3A_387 : i32
        %add3A_389 = arith.constant 0 : i32
        %add3A_390 = vector.broadcast %add3A_389 : i32 to vector<16xi32>
        %add3A_391 = arith.addi %add3A_390, %iota3A : vector<16xi32>
        %broadcast_in_dim3A_392 = arith.constant 129 : i32
        %broadcast_in_dim3A_393 = vector.broadcast %broadcast_in_dim3A_392 : i32 to vector<16xi32>
        %gather3A_394 = tpu.vector_load_idx %arg15[%add3A_391, %broadcast_in_dim3A_393] : memref<128x144xf32, #tpu.memory_space<vmem>>[vector<16xi32>, vector<16xi32>], vector<16xf32>,
        %get3A_395 = arith.constant 0 : index
        %get3A_396 = tpu.vector_load %arg11[%get3A_395] {strides = array<i32>} : memref<128xf32, #tpu.memory_space<vmem>>, vector<16xf32>,
        %add3A_397 = arith.addf %gather3A_394, %get3A_396 : vector<16xf32>
        %gt3A_398 = arith.constant 0.000000e+00 : f32
        %gt3A_399 = vector.broadcast %gt3A_398 : f32 to vector<16xf32>
        %gt3A_400 = arith.cmpf ogt, %add3A_397, %gt3A_399 : vector<16xf32>
        %mul3A_401 = arith.constant 2.000000e-01 : f32
        %mul3A_402 = vector.broadcast %mul3A_401 : f32 to vector<16xf32>
        %mul3A_403 = arith.mulf %mul3A_402, %add3A_397 : vector<16xf32>
        %select_n3A_404 = arith.select %gt3A_400, %add3A_397, %mul3A_403 : vector<16xi1>, vector<16xf32>
        %sub3A_405 = arith.subf %select_n3A_404, %get3A_26 : vector<16xf32>
        %exp3A_406 = math.exp %sub3A_405 : vector<16xf32>
        %add3A_407 = vector.broadcast %add3A_388 : i32 to vector<16xi32>
        %add3A_408 = arith.addi %add3A_407, %add3A_391 : vector<16xi32>
        %lt3A_409 = arith.constant 330000 : i32
        %lt3A_410 = vector.broadcast %lt3A_409 : i32 to vector<16xi32>
        %lt3A_411 = arith.cmpi slt, %add3A_408, %lt3A_410 : vector<16xi32>
        %jit3A_412 = arith.constant 0.000000e+00 : f32
        %broadcast_in_dim3A_413 = vector.broadcast %jit3A_412 : f32 to vector<16xf32>
        %select_n3A_414 = arith.select %lt3A_411, %exp3A_406, %broadcast_in_dim3A_413 : vector<16xi1>, vector<16xf32>
        %swap3A_415 = arith.constant 0 : index
        %swap3A_416 = tpu.vector_load %arg13[%swap3A_415] {strides = array<i32>} : memref<128xf32, #tpu.memory_space<vmem>>, vector<16xf32>,
        tpu.vector_store %arg13[%swap3A_415], %select_n3A_414 {strides = array<i32>} : memref<128xf32, #tpu.memory_space<vmem>>, vector<16xf32>,
        %add3A_417 = arith.constant 16 : i32
        %add3A_418 = vector.broadcast %add3A_417 : i32 to vector<16xi32>
        %add3A_419 = arith.addi %add3A_418, %iota3A : vector<16xi32>
        %broadcast_in_dim3A_420 = arith.constant 129 : i32
        %broadcast_in_dim3A_421 = vector.broadcast %broadcast_in_dim3A_420 : i32 to vector<16xi32>
        %gather3A_422 = tpu.vector_load_idx %arg15[%add3A_419, %broadcast_in_dim3A_421] : memref<128x144xf32, #tpu.memory_space<vmem>>[vector<16xi32>, vector<16xi32>], vector<16xf32>,
        %get3A_423 = arith.constant 16 : index
        %get3A_424 = tpu.vector_load %arg11[%get3A_423] {strides = array<i32>} : memref<128xf32, #tpu.memory_space<vmem>>, vector<16xf32>,
        %add3A_425 = arith.addf %gather3A_422, %get3A_424 : vector<16xf32>
        %gt3A_426 = arith.constant 0.000000e+00 : f32
        %gt3A_427 = vector.broadcast %gt3A_426 : f32 to vector<16xf32>
        %gt3A_428 = arith.cmpf ogt, %add3A_425, %gt3A_427 : vector<16xf32>
        %mul3A_429 = arith.constant 2.000000e-01 : f32
        %mul3A_430 = vector.broadcast %mul3A_429 : f32 to vector<16xf32>
        %mul3A_431 = arith.mulf %mul3A_430, %add3A_425 : vector<16xf32>
        %select_n3A_432 = arith.select %gt3A_428, %add3A_425, %mul3A_431 : vector<16xi1>, vector<16xf32>
        %sub3A_433 = arith.subf %select_n3A_432, %get3A_26 : vector<16xf32>
        %exp3A_434 = math.exp %sub3A_433 : vector<16xf32>
        %add3A_435 = vector.broadcast %add3A_388 : i32 to vector<16xi32>
        %add3A_436 = arith.addi %add3A_435, %add3A_419 : vector<16xi32>
        %lt3A_437 = arith.constant 330000 : i32
        %lt3A_438 = vector.broadcast %lt3A_437 : i32 to vector<16xi32>
        %lt3A_439 = arith.cmpi slt, %add3A_436, %lt3A_438 : vector<16xi32>
        %jit3A_440 = arith.constant 0.000000e+00 : f32
        %broadcast_in_dim3A_441 = vector.broadcast %jit3A_440 : f32 to vector<16xf32>
        %select_n3A_442 = arith.select %lt3A_439, %exp3A_434, %broadcast_in_dim3A_441 : vector<16xi1>, vector<16xf32>
        %swap3A_443 = arith.constant 16 : index
        %swap3A_444 = tpu.vector_load %arg13[%swap3A_443] {strides = array<i32>} : memref<128xf32, #tpu.memory_space<vmem>>, vector<16xf32>,
        tpu.vector_store %arg13[%swap3A_443], %select_n3A_442 {strides = array<i32>} : memref<128xf32, #tpu.memory_space<vmem>>, vector<16xf32>,
        %add3A_445 = arith.constant 32 : i32
        %add3A_446 = vector.broadcast %add3A_445 : i32 to vector<16xi32>
        %add3A_447 = arith.addi %add3A_446, %iota3A : vector<16xi32>
        %broadcast_in_dim3A_448 = arith.constant 129 : i32
        %broadcast_in_dim3A_449 = vector.broadcast %broadcast_in_dim3A_448 : i32 to vector<16xi32>
        %gather3A_450 = tpu.vector_load_idx %arg15[%add3A_447, %broadcast_in_dim3A_449] : memref<128x144xf32, #tpu.memory_space<vmem>>[vector<16xi32>, vector<16xi32>], vector<16xf32>,
        %get3A_451 = arith.constant 32 : index
        %get3A_452 = tpu.vector_load %arg11[%get3A_451] {strides = array<i32>} : memref<128xf32, #tpu.memory_space<vmem>>, vector<16xf32>,
        %add3A_453 = arith.addf %gather3A_450, %get3A_452 : vector<16xf32>
        %gt3A_454 = arith.constant 0.000000e+00 : f32
        %gt3A_455 = vector.broadcast %gt3A_454 : f32 to vector<16xf32>
        %gt3A_456 = arith.cmpf ogt, %add3A_453, %gt3A_455 : vector<16xf32>
        %mul3A_457 = arith.constant 2.000000e-01 : f32
        %mul3A_458 = vector.broadcast %mul3A_457 : f32 to vector<16xf32>
        %mul3A_459 = arith.mulf %mul3A_458, %add3A_453 : vector<16xf32>
        %select_n3A_460 = arith.select %gt3A_456, %add3A_453, %mul3A_459 : vector<16xi1>, vector<16xf32>
        %sub3A_461 = arith.subf %select_n3A_460, %get3A_26 : vector<16xf32>
        %exp3A_462 = math.exp %sub3A_461 : vector<16xf32>
        %add3A_463 = vector.broadcast %add3A_388 : i32 to vector<16xi32>
        %add3A_464 = arith.addi %add3A_463, %add3A_447 : vector<16xi32>
        %lt3A_465 = arith.constant 330000 : i32
        %lt3A_466 = vector.broadcast %lt3A_465 : i32 to vector<16xi32>
        %lt3A_467 = arith.cmpi slt, %add3A_464, %lt3A_466 : vector<16xi32>
        %jit3A_468 = arith.constant 0.000000e+00 : f32
        %broadcast_in_dim3A_469 = vector.broadcast %jit3A_468 : f32 to vector<16xf32>
        %select_n3A_470 = arith.select %lt3A_467, %exp3A_462, %broadcast_in_dim3A_469 : vector<16xi1>, vector<16xf32>
        %swap3A_471 = arith.constant 32 : index
        %swap3A_472 = tpu.vector_load %arg13[%swap3A_471] {strides = array<i32>} : memref<128xf32, #tpu.memory_space<vmem>>, vector<16xf32>,
        tpu.vector_store %arg13[%swap3A_471], %select_n3A_470 {strides = array<i32>} : memref<128xf32, #tpu.memory_space<vmem>>, vector<16xf32>,
        %add3A_473 = arith.constant 48 : i32
        %add3A_474 = vector.broadcast %add3A_473 : i32 to vector<16xi32>
        %add3A_475 = arith.addi %add3A_474, %iota3A : vector<16xi32>
        %broadcast_in_dim3A_476 = arith.constant 129 : i32
        %broadcast_in_dim3A_477 = vector.broadcast %broadcast_in_dim3A_476 : i32 to vector<16xi32>
        %gather3A_478 = tpu.vector_load_idx %arg15[%add3A_475, %broadcast_in_dim3A_477] : memref<128x144xf32, #tpu.memory_space<vmem>>[vector<16xi32>, vector<16xi32>], vector<16xf32>,
        %get3A_479 = arith.constant 48 : index
        %get3A_480 = tpu.vector_load %arg11[%get3A_479] {strides = array<i32>} : memref<128xf32, #tpu.memory_space<vmem>>, vector<16xf32>,
        %add3A_481 = arith.addf %gather3A_478, %get3A_480 : vector<16xf32>
        %gt3A_482 = arith.constant 0.000000e+00 : f32
        %gt3A_483 = vector.broadcast %gt3A_482 : f32 to vector<16xf32>
        %gt3A_484 = arith.cmpf ogt, %add3A_481, %gt3A_483 : vector<16xf32>
        %mul3A_485 = arith.constant 2.000000e-01 : f32
        %mul3A_486 = vector.broadcast %mul3A_485 : f32 to vector<16xf32>
        %mul3A_487 = arith.mulf %mul3A_486, %add3A_481 : vector<16xf32>
        %select_n3A_488 = arith.select %gt3A_484, %add3A_481, %mul3A_487 : vector<16xi1>, vector<16xf32>
        %sub3A_489 = arith.subf %select_n3A_488, %get3A_26 : vector<16xf32>
        %exp3A_490 = math.exp %sub3A_489 : vector<16xf32>
        %add3A_491 = vector.broadcast %add3A_388 : i32 to vector<16xi32>
        %add3A_492 = arith.addi %add3A_491, %add3A_475 : vector<16xi32>
        %lt3A_493 = arith.constant 330000 : i32
        %lt3A_494 = vector.broadcast %lt3A_493 : i32 to vector<16xi32>
        %lt3A_495 = arith.cmpi slt, %add3A_492, %lt3A_494 : vector<16xi32>
        %jit3A_496 = arith.constant 0.000000e+00 : f32
        %broadcast_in_dim3A_497 = vector.broadcast %jit3A_496 : f32 to vector<16xf32>
        %select_n3A_498 = arith.select %lt3A_495, %exp3A_490, %broadcast_in_dim3A_497 : vector<16xi1>, vector<16xf32>
        %swap3A_499 = arith.constant 48 : index
        %swap3A_500 = tpu.vector_load %arg13[%swap3A_499] {strides = array<i32>} : memref<128xf32, #tpu.memory_space<vmem>>, vector<16xf32>,
        tpu.vector_store %arg13[%swap3A_499], %select_n3A_498 {strides = array<i32>} : memref<128xf32, #tpu.memory_space<vmem>>, vector<16xf32>,
        %add3A_501 = arith.constant 64 : i32
        %add3A_502 = vector.broadcast %add3A_501 : i32 to vector<16xi32>
        %add3A_503 = arith.addi %add3A_502, %iota3A : vector<16xi32>
        %broadcast_in_dim3A_504 = arith.constant 129 : i32
        %broadcast_in_dim3A_505 = vector.broadcast %broadcast_in_dim3A_504 : i32 to vector<16xi32>
        %gather3A_506 = tpu.vector_load_idx %arg15[%add3A_503, %broadcast_in_dim3A_505] : memref<128x144xf32, #tpu.memory_space<vmem>>[vector<16xi32>, vector<16xi32>], vector<16xf32>,
        %get3A_507 = arith.constant 64 : index
        %get3A_508 = tpu.vector_load %arg11[%get3A_507] {strides = array<i32>} : memref<128xf32, #tpu.memory_space<vmem>>, vector<16xf32>,
        %add3A_509 = arith.addf %gather3A_506, %get3A_508 : vector<16xf32>
        %gt3A_510 = arith.constant 0.000000e+00 : f32
        %gt3A_511 = vector.broadcast %gt3A_510 : f32 to vector<16xf32>
        %gt3A_512 = arith.cmpf ogt, %add3A_509, %gt3A_511 : vector<16xf32>
        %mul3A_513 = arith.constant 2.000000e-01 : f32
        %mul3A_514 = vector.broadcast %mul3A_513 : f32 to vector<16xf32>
        %mul3A_515 = arith.mulf %mul3A_514, %add3A_509 : vector<16xf32>
        %select_n3A_516 = arith.select %gt3A_512, %add3A_509, %mul3A_515 : vector<16xi1>, vector<16xf32>
        %sub3A_517 = arith.subf %select_n3A_516, %get3A_26 : vector<16xf32>
        %exp3A_518 = math.exp %sub3A_517 : vector<16xf32>
        %add3A_519 = vector.broadcast %add3A_388 : i32 to vector<16xi32>
        %add3A_520 = arith.addi %add3A_519, %add3A_503 : vector<16xi32>
        %lt3A_521 = arith.constant 330000 : i32
        %lt3A_522 = vector.broadcast %lt3A_521 : i32 to vector<16xi32>
        %lt3A_523 = arith.cmpi slt, %add3A_520, %lt3A_522 : vector<16xi32>
        %jit3A_524 = arith.constant 0.000000e+00 : f32
        %broadcast_in_dim3A_525 = vector.broadcast %jit3A_524 : f32 to vector<16xf32>
        %select_n3A_526 = arith.select %lt3A_523, %exp3A_518, %broadcast_in_dim3A_525 : vector<16xi1>, vector<16xf32>
        %swap3A_527 = arith.constant 64 : index
        %swap3A_528 = tpu.vector_load %arg13[%swap3A_527] {strides = array<i32>} : memref<128xf32, #tpu.memory_space<vmem>>, vector<16xf32>,
        tpu.vector_store %arg13[%swap3A_527], %select_n3A_526 {strides = array<i32>} : memref<128xf32, #tpu.memory_space<vmem>>, vector<16xf32>,
        %add3A_529 = arith.constant 80 : i32
        %add3A_530 = vector.broadcast %add3A_529 : i32 to vector<16xi32>
        %add3A_531 = arith.addi %add3A_530, %iota3A : vector<16xi32>
        %broadcast_in_dim3A_532 = arith.constant 129 : i32
        %broadcast_in_dim3A_533 = vector.broadcast %broadcast_in_dim3A_532 : i32 to vector<16xi32>
        %gather3A_534 = tpu.vector_load_idx %arg15[%add3A_531, %broadcast_in_dim3A_533] : memref<128x144xf32, #tpu.memory_space<vmem>>[vector<16xi32>, vector<16xi32>], vector<16xf32>,
        %get3A_535 = arith.constant 80 : index
        %get3A_536 = tpu.vector_load %arg11[%get3A_535] {strides = array<i32>} : memref<128xf32, #tpu.memory_space<vmem>>, vector<16xf32>,
        %add3A_537 = arith.addf %gather3A_534, %get3A_536 : vector<16xf32>
        %gt3A_538 = arith.constant 0.000000e+00 : f32
        %gt3A_539 = vector.broadcast %gt3A_538 : f32 to vector<16xf32>
        %gt3A_540 = arith.cmpf ogt, %add3A_537, %gt3A_539 : vector<16xf32>
        %mul3A_541 = arith.constant 2.000000e-01 : f32
        %mul3A_542 = vector.broadcast %mul3A_541 : f32 to vector<16xf32>
        %mul3A_543 = arith.mulf %mul3A_542, %add3A_537 : vector<16xf32>
        %select_n3A_544 = arith.select %gt3A_540, %add3A_537, %mul3A_543 : vector<16xi1>, vector<16xf32>
        %sub3A_545 = arith.subf %select_n3A_544, %get3A_26 : vector<16xf32>
        %exp3A_546 = math.exp %sub3A_545 : vector<16xf32>
        %add3A_547 = vector.broadcast %add3A_388 : i32 to vector<16xi32>
        %add3A_548 = arith.addi %add3A_547, %add3A_531 : vector<16xi32>
        %lt3A_549 = arith.constant 330000 : i32
        %lt3A_550 = vector.broadcast %lt3A_549 : i32 to vector<16xi32>
        %lt3A_551 = arith.cmpi slt, %add3A_548, %lt3A_550 : vector<16xi32>
        %jit3A_552 = arith.constant 0.000000e+00 : f32
        %broadcast_in_dim3A_553 = vector.broadcast %jit3A_552 : f32 to vector<16xf32>
        %select_n3A_554 = arith.select %lt3A_551, %exp3A_546, %broadcast_in_dim3A_553 : vector<16xi1>, vector<16xf32>
        %swap3A_555 = arith.constant 80 : index
        %swap3A_556 = tpu.vector_load %arg13[%swap3A_555] {strides = array<i32>} : memref<128xf32, #tpu.memory_space<vmem>>, vector<16xf32>,
        tpu.vector_store %arg13[%swap3A_555], %select_n3A_554 {strides = array<i32>} : memref<128xf32, #tpu.memory_space<vmem>>, vector<16xf32>,
        %add3A_557 = arith.constant 96 : i32
        %add3A_558 = vector.broadcast %add3A_557 : i32 to vector<16xi32>
        %add3A_559 = arith.addi %add3A_558, %iota3A : vector<16xi32>
        %broadcast_in_dim3A_560 = arith.constant 129 : i32
        %broadcast_in_dim3A_561 = vector.broadcast %broadcast_in_dim3A_560 : i32 to vector<16xi32>
        %gather3A_562 = tpu.vector_load_idx %arg15[%add3A_559, %broadcast_in_dim3A_561] : memref<128x144xf32, #tpu.memory_space<vmem>>[vector<16xi32>, vector<16xi32>], vector<16xf32>,
        %get3A_563 = arith.constant 96 : index
        %get3A_564 = tpu.vector_load %arg11[%get3A_563] {strides = array<i32>} : memref<128xf32, #tpu.memory_space<vmem>>, vector<16xf32>,
        %add3A_565 = arith.addf %gather3A_562, %get3A_564 : vector<16xf32>
        %gt3A_566 = arith.constant 0.000000e+00 : f32
        %gt3A_567 = vector.broadcast %gt3A_566 : f32 to vector<16xf32>
        %gt3A_568 = arith.cmpf ogt, %add3A_565, %gt3A_567 : vector<16xf32>
        %mul3A_569 = arith.constant 2.000000e-01 : f32
        %mul3A_570 = vector.broadcast %mul3A_569 : f32 to vector<16xf32>
        %mul3A_571 = arith.mulf %mul3A_570, %add3A_565 : vector<16xf32>
        %select_n3A_572 = arith.select %gt3A_568, %add3A_565, %mul3A_571 : vector<16xi1>, vector<16xf32>
        %sub3A_573 = arith.subf %select_n3A_572, %get3A_26 : vector<16xf32>
        %exp3A_574 = math.exp %sub3A_573 : vector<16xf32>
        %add3A_575 = vector.broadcast %add3A_388 : i32 to vector<16xi32>
        %add3A_576 = arith.addi %add3A_575, %add3A_559 : vector<16xi32>
        %lt3A_577 = arith.constant 330000 : i32
        %lt3A_578 = vector.broadcast %lt3A_577 : i32 to vector<16xi32>
        %lt3A_579 = arith.cmpi slt, %add3A_576, %lt3A_578 : vector<16xi32>
        %jit3A_580 = arith.constant 0.000000e+00 : f32
        %broadcast_in_dim3A_581 = vector.broadcast %jit3A_580 : f32 to vector<16xf32>
        %select_n3A_582 = arith.select %lt3A_579, %exp3A_574, %broadcast_in_dim3A_581 : vector<16xi1>, vector<16xf32>
        %swap3A_583 = arith.constant 96 : index
        %swap3A_584 = tpu.vector_load %arg13[%swap3A_583] {strides = array<i32>} : memref<128xf32, #tpu.memory_space<vmem>>, vector<16xf32>,
        tpu.vector_store %arg13[%swap3A_583], %select_n3A_582 {strides = array<i32>} : memref<128xf32, #tpu.memory_space<vmem>>, vector<16xf32>,
        %add3A_585 = arith.constant 112 : i32
        %add3A_586 = vector.broadcast %add3A_585 : i32 to vector<16xi32>
        %add3A_587 = arith.addi %add3A_586, %iota3A : vector<16xi32>
        %broadcast_in_dim3A_588 = arith.constant 129 : i32
        %broadcast_in_dim3A_589 = vector.broadcast %broadcast_in_dim3A_588 : i32 to vector<16xi32>
        %gather3A_590 = tpu.vector_load_idx %arg15[%add3A_587, %broadcast_in_dim3A_589] : memref<128x144xf32, #tpu.memory_space<vmem>>[vector<16xi32>, vector<16xi32>], vector<16xf32>,
        %get3A_591 = arith.constant 112 : index
        %get3A_592 = tpu.vector_load %arg11[%get3A_591] {strides = array<i32>} : memref<128xf32, #tpu.memory_space<vmem>>, vector<16xf32>,
        %add3A_593 = arith.addf %gather3A_590, %get3A_592 : vector<16xf32>
        %gt3A_594 = arith.constant 0.000000e+00 : f32
        %gt3A_595 = vector.broadcast %gt3A_594 : f32 to vector<16xf32>
        %gt3A_596 = arith.cmpf ogt, %add3A_593, %gt3A_595 : vector<16xf32>
        %mul3A_597 = arith.constant 2.000000e-01 : f32
        %mul3A_598 = vector.broadcast %mul3A_597 : f32 to vector<16xf32>
        %mul3A_599 = arith.mulf %mul3A_598, %add3A_593 : vector<16xf32>
        %select_n3A_600 = arith.select %gt3A_596, %add3A_593, %mul3A_599 : vector<16xi1>, vector<16xf32>
        %sub3A_601 = arith.subf %select_n3A_600, %get3A_26 : vector<16xf32>
        %exp3A_602 = math.exp %sub3A_601 : vector<16xf32>
        %add3A_603 = vector.broadcast %add3A_388 : i32 to vector<16xi32>
        %add3A_604 = arith.addi %add3A_603, %add3A_587 : vector<16xi32>
        %lt3A_605 = arith.constant 330000 : i32
        %lt3A_606 = vector.broadcast %lt3A_605 : i32 to vector<16xi32>
        %lt3A_607 = arith.cmpi slt, %add3A_604, %lt3A_606 : vector<16xi32>
        %jit3A_608 = arith.constant 0.000000e+00 : f32
        %broadcast_in_dim3A_609 = vector.broadcast %jit3A_608 : f32 to vector<16xf32>
        %select_n3A_610 = arith.select %lt3A_607, %exp3A_602, %broadcast_in_dim3A_609 : vector<16xi1>, vector<16xf32>
        %swap3A_611 = arith.constant 112 : index
        %swap3A_612 = tpu.vector_load %arg13[%swap3A_611] {strides = array<i32>} : memref<128xf32, #tpu.memory_space<vmem>>, vector<16xf32>,
        tpu.vector_store %arg13[%swap3A_611], %select_n3A_610 {strides = array<i32>} : memref<128xf32, #tpu.memory_space<vmem>>, vector<16xf32>,
        %parallel_loop3A_613 = arith.constant 0 : i32
        %parallel_loop3A_614 = arith.constant 128 : i32
        %parallel_loop3A_615 = arith.constant 1 : i32
        scf.for %parallel_loop3A_903 = %parallel_loop3A_613 to %parallel_loop3A_614 step %parallel_loop3A_615  : i32 {
          %parallel_loop3A_904 = arith.constant 0 : i32
          %parallel_loop3A_905 = vector.broadcast %parallel_loop3A_904 : i32 to vector<16xi32>
          %parallel_loop3A_906 = vector.broadcast %parallel_loop3A_903 : i32 to vector<16xi32>
          %parallel_loop3A_907 = arith.addi %parallel_loop3A_905, %parallel_loop3A_906 : vector<16xi32>
          %parallel_loop3A_908 = tpu.vector_load_idx %arg13[%parallel_loop3A_907] : memref<128xf32, #tpu.memory_space<vmem>>[vector<16xi32>], vector<16xf32>,
          %parallel_loop3A_909 = arith.index_cast %parallel_loop3A_903 : i32 to index
          %parallel_loop3A_910 = arith.constant 0 : index
          %parallel_loop3A_911 = tpu.vector_load %arg15[%parallel_loop3A_909, %parallel_loop3A_910] {strides = array<i32>} : memref<128x144xf32, #tpu.memory_space<vmem>>, vector<16xf32>,
          %parallel_loop3A_912 = arith.mulf %parallel_loop3A_911, %parallel_loop3A_908 : vector<16xf32>
          %parallel_loop3A_913 = arith.index_cast %parallel_loop3A_903 : i32 to index
          %parallel_loop3A_914 = arith.constant 0 : index
          %parallel_loop3A_915 = tpu.vector_load %arg15[%parallel_loop3A_913, %parallel_loop3A_914] {strides = array<i32>} : memref<128x144xf32, #tpu.memory_space<vmem>>, vector<16xf32>,
          tpu.vector_store %arg15[%parallel_loop3A_913, %parallel_loop3A_914], %parallel_loop3A_912 {strides = array<i32>} : memref<128x144xf32, #tpu.memory_space<vmem>>, vector<16xf32>,
          %parallel_loop3A_916 = arith.index_cast %parallel_loop3A_903 : i32 to index
          %parallel_loop3A_917 = arith.constant 16 : index
          %parallel_loop3A_918 = tpu.vector_load %arg15[%parallel_loop3A_916, %parallel_loop3A_917] {strides = array<i32>} : memref<128x144xf32, #tpu.memory_space<vmem>>, vector<16xf32>,
          %parallel_loop3A_919 = arith.mulf %parallel_loop3A_918, %parallel_loop3A_908 : vector<16xf32>
          %parallel_loop3A_920 = arith.index_cast %parallel_loop3A_903 : i32 to index
          %parallel_loop3A_921 = arith.constant 16 : index
          %parallel_loop3A_922 = tpu.vector_load %arg15[%parallel_loop3A_920, %parallel_loop3A_921] {strides = array<i32>} : memref<128x144xf32, #tpu.memory_space<vmem>>, vector<16xf32>,
          tpu.vector_store %arg15[%parallel_loop3A_920, %parallel_loop3A_921], %parallel_loop3A_919 {strides = array<i32>} : memref<128x144xf32, #tpu.memory_space<vmem>>, vector<16xf32>,
          %parallel_loop3A_923 = arith.index_cast %parallel_loop3A_903 : i32 to index
          %parallel_loop3A_924 = arith.constant 32 : index
          %parallel_loop3A_925 = tpu.vector_load %arg15[%parallel_loop3A_923, %parallel_loop3A_924] {strides = array<i32>} : memref<128x144xf32, #tpu.memory_space<vmem>>, vector<16xf32>,
          %parallel_loop3A_926 = arith.mulf %parallel_loop3A_925, %parallel_loop3A_908 : vector<16xf32>
          %parallel_loop3A_927 = arith.index_cast %parallel_loop3A_903 : i32 to index
          %parallel_loop3A_928 = arith.constant 32 : index
          %parallel_loop3A_929 = tpu.vector_load %arg15[%parallel_loop3A_927, %parallel_loop3A_928] {strides = array<i32>} : memref<128x144xf32, #tpu.memory_space<vmem>>, vector<16xf32>,
          tpu.vector_store %arg15[%parallel_loop3A_927, %parallel_loop3A_928], %parallel_loop3A_926 {strides = array<i32>} : memref<128x144xf32, #tpu.memory_space<vmem>>, vector<16xf32>,
          %parallel_loop3A_930 = arith.index_cast %parallel_loop3A_903 : i32 to index
          %parallel_loop3A_931 = arith.constant 48 : index
          %parallel_loop3A_932 = tpu.vector_load %arg15[%parallel_loop3A_930, %parallel_loop3A_931] {strides = array<i32>} : memref<128x144xf32, #tpu.memory_space<vmem>>, vector<16xf32>,
          %parallel_loop3A_933 = arith.mulf %parallel_loop3A_932, %parallel_loop3A_908 : vector<16xf32>
          %parallel_loop3A_934 = arith.index_cast %parallel_loop3A_903 : i32 to index
          %parallel_loop3A_935 = arith.constant 48 : index
          %parallel_loop3A_936 = tpu.vector_load %arg15[%parallel_loop3A_934, %parallel_loop3A_935] {strides = array<i32>} : memref<128x144xf32, #tpu.memory_space<vmem>>, vector<16xf32>,
          tpu.vector_store %arg15[%parallel_loop3A_934, %parallel_loop3A_935], %parallel_loop3A_933 {strides = array<i32>} : memref<128x144xf32, #tpu.memory_space<vmem>>, vector<16xf32>,
          %parallel_loop3A_937 = arith.index_cast %parallel_loop3A_903 : i32 to index
          %parallel_loop3A_938 = arith.constant 64 : index
          %parallel_loop3A_939 = tpu.vector_load %arg15[%parallel_loop3A_937, %parallel_loop3A_938] {strides = array<i32>} : memref<128x144xf32, #tpu.memory_space<vmem>>, vector<16xf32>,
          %parallel_loop3A_940 = arith.mulf %parallel_loop3A_939, %parallel_loop3A_908 : vector<16xf32>
          %parallel_loop3A_941 = arith.index_cast %parallel_loop3A_903 : i32 to index
          %parallel_loop3A_942 = arith.constant 64 : index
          %parallel_loop3A_943 = tpu.vector_load %arg15[%parallel_loop3A_941, %parallel_loop3A_942] {strides = array<i32>} : memref<128x144xf32, #tpu.memory_space<vmem>>, vector<16xf32>,
          tpu.vector_store %arg15[%parallel_loop3A_941, %parallel_loop3A_942], %parallel_loop3A_940 {strides = array<i32>} : memref<128x144xf32, #tpu.memory_space<vmem>>, vector<16xf32>,
          %parallel_loop3A_944 = arith.index_cast %parallel_loop3A_903 : i32 to index
          %parallel_loop3A_945 = arith.constant 80 : index
          %parallel_loop3A_946 = tpu.vector_load %arg15[%parallel_loop3A_944, %parallel_loop3A_945] {strides = array<i32>} : memref<128x144xf32, #tpu.memory_space<vmem>>, vector<16xf32>,
          %parallel_loop3A_947 = arith.mulf %parallel_loop3A_946, %parallel_loop3A_908 : vector<16xf32>
          %parallel_loop3A_948 = arith.index_cast %parallel_loop3A_903 : i32 to index
          %parallel_loop3A_949 = arith.constant 80 : index
          %parallel_loop3A_950 = tpu.vector_load %arg15[%parallel_loop3A_948, %parallel_loop3A_949] {strides = array<i32>} : memref<128x144xf32, #tpu.memory_space<vmem>>, vector<16xf32>,
          tpu.vector_store %arg15[%parallel_loop3A_948, %parallel_loop3A_949], %parallel_loop3A_947 {strides = array<i32>} : memref<128x144xf32, #tpu.memory_space<vmem>>, vector<16xf32>,
          %parallel_loop3A_951 = arith.index_cast %parallel_loop3A_903 : i32 to index
          %parallel_loop3A_952 = arith.constant 96 : index
          %parallel_loop3A_953 = tpu.vector_load %arg15[%parallel_loop3A_951, %parallel_loop3A_952] {strides = array<i32>} : memref<128x144xf32, #tpu.memory_space<vmem>>, vector<16xf32>,
          %parallel_loop3A_954 = arith.mulf %parallel_loop3A_953, %parallel_loop3A_908 : vector<16xf32>
          %parallel_loop3A_955 = arith.index_cast %parallel_loop3A_903 : i32 to index
          %parallel_loop3A_956 = arith.constant 96 : index
          %parallel_loop3A_957 = tpu.vector_load %arg15[%parallel_loop3A_955, %parallel_loop3A_956] {strides = array<i32>} : memref<128x144xf32, #tpu.memory_space<vmem>>, vector<16xf32>,
          tpu.vector_store %arg15[%parallel_loop3A_955, %parallel_loop3A_956], %parallel_loop3A_954 {strides = array<i32>} : memref<128x144xf32, #tpu.memory_space<vmem>>, vector<16xf32>,
          %parallel_loop3A_958 = arith.index_cast %parallel_loop3A_903 : i32 to index
          %parallel_loop3A_959 = arith.constant 112 : index
          %parallel_loop3A_960 = tpu.vector_load %arg15[%parallel_loop3A_958, %parallel_loop3A_959] {strides = array<i32>} : memref<128x144xf32, #tpu.memory_space<vmem>>, vector<16xf32>,
          %parallel_loop3A_961 = arith.mulf %parallel_loop3A_960, %parallel_loop3A_908 : vector<16xf32>
          %parallel_loop3A_962 = arith.index_cast %parallel_loop3A_903 : i32 to index
          %parallel_loop3A_963 = arith.constant 112 : index
          %parallel_loop3A_964 = tpu.vector_load %arg15[%parallel_loop3A_962, %parallel_loop3A_963] {strides = array<i32>} : memref<128x144xf32, #tpu.memory_space<vmem>>, vector<16xf32>,
          tpu.vector_store %arg15[%parallel_loop3A_962, %parallel_loop3A_963], %parallel_loop3A_961 {strides = array<i32>} : memref<128x144xf32, #tpu.memory_space<vmem>>, vector<16xf32>,
          %parallel_loop3A_965 = arith.index_cast %parallel_loop3A_903 : i32 to index
          %parallel_loop3A_966 = arith.constant 128 : index
          %parallel_loop3A_967 = tpu.vector_load %arg15[%parallel_loop3A_965, %parallel_loop3A_966] {strides = array<i32>} : memref<128x144xf32, #tpu.memory_space<vmem>>, vector<16xf32>,
          %parallel_loop3A_968 = arith.mulf %parallel_loop3A_967, %parallel_loop3A_908 : vector<16xf32>
          %parallel_loop3A_969 = arith.index_cast %parallel_loop3A_903 : i32 to index
          %parallel_loop3A_970 = arith.constant 128 : index
          %parallel_loop3A_971 = tpu.vector_load %arg15[%parallel_loop3A_969, %parallel_loop3A_970] {strides = array<i32>} : memref<128x144xf32, #tpu.memory_space<vmem>>, vector<16xf32>,
          tpu.vector_store %arg15[%parallel_loop3A_969, %parallel_loop3A_970], %parallel_loop3A_968 {strides = array<i32>} : memref<128x144xf32, #tpu.memory_space<vmem>>, vector<16xf32>,
        } {sc.loop_unroll_factor = 8 : i64, sc.parallel_access}
        %dma_start3A_616 = arith.constant 1 : i32
        %dma_start3A_617 = arith.constant 0 : i32
        %dma_start3A_618 = tpu.memref_slice %arg9[%dma_start3A_616, %dma_start3A_617] : memref<2x128xi32, #tpu.memory_space<vmem>> -> memref<1x128xi32, #tpu.memory_space<vmem>>
        %dma_start3A_619 = tpu.memref_squeeze %dma_start3A_618 : memref<1x128xi32, #tpu.memory_space<vmem>> -> memref<128xi32, #tpu.memory_space<vmem>>
        %dma_start3A_620 = arith.constant 0 : i32
        %dma_start3A_621 = arith.constant 0 : i32
        %dma_start3A_622 = tpu.memref_slice %arg16[%dma_start3A_620, %dma_start3A_621] : memref<10240x144xf32, #tpu.memory_space<vmem_shared>> -> memref<10240x144xf32, #tpu.memory_space<vmem_shared>>
        tpu.enqueue_indirect_dma source(%arg15 : memref<128x144xf32, #tpu.memory_space<vmem>>) target(%dma_start3A_622 : memref<10240x144xf32, #tpu.memory_space<vmem_shared>>) offsets(%dma_start3A_619 : memref<128xi32, #tpu.memory_space<vmem>>) semaphore(%arg22 : memref<!tpu.dma_semaphore, #tpu.memory_space<semaphore_mem>>) {add = true}
        %mul3A_623 = arith.constant 2 : i32
        %mul3A_624 = arith.muli %mul3A_623, %scan3A_339 : i32
        %add3A_625 = arith.constant 2 : i32
        %add3A_626 = arith.addi %mul3A_624, %add3A_625 : i32
        %dma_wait3A_627 = arith.constant 1 : i32
        %dma_wait3A_628 = arith.constant 0 : i32
        %dma_wait3A_629 = tpu.memref_slice %arg9[%dma_wait3A_627, %dma_wait3A_628] : memref<2x128xi32, #tpu.memory_space<vmem>> -> memref<1x128xi32, #tpu.memory_space<vmem>>
        %dma_wait3A_630 = tpu.memref_squeeze %dma_wait3A_629 : memref<1x128xi32, #tpu.memory_space<vmem>> -> memref<128xi32, #tpu.memory_space<vmem>>
        %dma_wait3A_631 = arith.constant 0 : i32
        %dma_wait3A_632 = arith.constant 0 : i32
        %dma_wait3A_633 = tpu.memref_slice %arg16[%dma_wait3A_631, %dma_wait3A_632] : memref<10240x144xf32, #tpu.memory_space<vmem_shared>> -> memref<10240x144xf32, #tpu.memory_space<vmem_shared>>
        tpu.wait_indirect_dma semaphore(%arg22 : memref<!tpu.dma_semaphore, #tpu.memory_space<semaphore_mem>>) src(%arg15 : memref<128x144xf32, #tpu.memory_space<vmem>>) dst(%dma_wait3A_633 : memref<10240x144xf32, #tpu.memory_space<vmem_shared>>)
        %add3A_634 = arith.constant 1 : i32
        %add3A_635 = arith.addi %add3A_626, %add3A_634 : i32
        %mul3A_636 = arith.constant 128 : i32
        %mul3A_637 = arith.muli %add3A_635, %mul3A_636 : i32
        "tpu.region"() ({
          %run_scoped3A = tpu.sem_alloc : memref<!tpu.dma_semaphore, #tpu.memory_space<semaphore_mem>>
          %dma_start3A_903 = arith.constant 0 : i32
          %dma_start3A_904 = tpu.memref_slice %arg3[%add3A, %dma_start3A_903, %mul3A_637] : memref<32x2x10496xi32, #tpu.memory_space<hbm>> -> memref<1x2x128xi32, #tpu.memory_space<hbm>>
          %dma_start3A_905 = tpu.memref_squeeze %dma_start3A_904 : memref<1x2x128xi32, #tpu.memory_space<hbm>> -> memref<2x128xi32, #tpu.memory_space<hbm>>
          %dma_start3A_906 = arith.constant 0 : i32
          %dma_start3A_907 = tpu.memref_slice %arg3[%add3A, %dma_start3A_906, %mul3A_637] : memref<32x2x10496xi32, #tpu.memory_space<hbm>> -> memref<1x2x128xi32, #tpu.memory_space<hbm>>
          %dma_start3A_908 = tpu.memref_squeeze %dma_start3A_907 : memref<1x2x128xi32, #tpu.memory_space<hbm>> -> memref<2x128xi32, #tpu.memory_space<hbm>>
          tpu.enqueue_dma source(%dma_start3A_908 : memref<2x128xi32, #tpu.memory_space<hbm>>) target(%arg9 : memref<2x128xi32, #tpu.memory_space<vmem>>) target_semaphore(%run_scoped3A : memref<!tpu.dma_semaphore, #tpu.memory_space<semaphore_mem>>)
          %dma_wait3A_909 = arith.constant 0 : i32
          %dma_wait3A_910 = tpu.memref_slice %arg3[%add3A, %dma_wait3A_909, %mul3A_637] : memref<32x2x10496xi32, #tpu.memory_space<hbm>> -> memref<1x2x128xi32, #tpu.memory_space<hbm>>
          %dma_wait3A_911 = tpu.memref_squeeze %dma_wait3A_910 : memref<1x2x128xi32, #tpu.memory_space<hbm>> -> memref<2x128xi32, #tpu.memory_space<hbm>>
          %dma_wait3A_912 = arith.constant 0 : i32
          %dma_wait3A_913 = tpu.memref_slice %arg3[%add3A, %dma_wait3A_912, %mul3A_637] : memref<32x2x10496xi32, #tpu.memory_space<hbm>> -> memref<1x2x128xi32, #tpu.memory_space<hbm>>
          %dma_wait3A_914 = tpu.memref_squeeze %dma_wait3A_913 : memref<1x2x128xi32, #tpu.memory_space<hbm>> -> memref<2x128xi32, #tpu.memory_space<hbm>>
          tpu.wait_dma2 semaphore(%run_scoped3A : memref<!tpu.dma_semaphore, #tpu.memory_space<semaphore_mem>>) src(%dma_wait3A_914 : memref<2x128xi32, #tpu.memory_space<hbm>>) dst(%arg9 : memref<2x128xi32, #tpu.memory_space<vmem>>)
          tpu.yield
        }) : () -> ()
        %dma_start3A_638 = arith.constant 0 : i32
        %dma_start3A_639 = arith.constant 0 : i32
        %dma_start3A_640 = tpu.memref_slice %arg9[%dma_start3A_638, %dma_start3A_639] : memref<2x128xi32, #tpu.memory_space<vmem>> -> memref<1x128xi32, #tpu.memory_space<vmem>>
        %dma_start3A_641 = tpu.memref_squeeze %dma_start3A_640 : memref<1x128xi32, #tpu.memory_space<vmem>> -> memref<128xi32, #tpu.memory_space<vmem>>
        %dma_start3A_642 = arith.constant 0 : i32
        %dma_start3A_643 = arith.constant 0 : i32
        %dma_start3A_644 = tpu.memref_slice %arg2[%dma_start3A_642, %dma_start3A_643] : memref<10240x144xf32, #tpu.memory_space<hbm>> -> memref<10240x144xf32, #tpu.memory_space<hbm>>
        tpu.enqueue_indirect_dma source(%dma_start3A_644 : memref<10240x144xf32, #tpu.memory_space<hbm>>) target(%arg15 : memref<128x144xf32, #tpu.memory_space<vmem>>) offsets(%dma_start3A_641 : memref<128xi32, #tpu.memory_space<vmem>>) semaphore(%arg18 : memref<!tpu.dma_semaphore, #tpu.memory_space<semaphore_mem>>)
        %dma_start3A_645 = arith.constant 1 : i32
        %dma_start3A_646 = arith.constant 0 : i32
        %dma_start3A_647 = tpu.memref_slice %arg9[%dma_start3A_645, %dma_start3A_646] : memref<2x128xi32, #tpu.memory_space<vmem>> -> memref<1x128xi32, #tpu.memory_space<vmem>>
        %dma_start3A_648 = tpu.memref_squeeze %dma_start3A_647 : memref<1x128xi32, #tpu.memory_space<vmem>> -> memref<128xi32, #tpu.memory_space<vmem>>
        %dma_start3A_649 = arith.constant 0 : i32
        %dma_start3A_650 = tpu.memref_slice %arg4[%dma_start3A_649] : memref<10240xf32, #tpu.memory_space<hbm>> -> memref<10240xf32, #tpu.memory_space<hbm>>
        tpu.enqueue_indirect_dma source(%dma_start3A_650 : memref<10240xf32, #tpu.memory_space<hbm>>) target(%arg11 : memref<128xf32, #tpu.memory_space<vmem>>) offsets(%dma_start3A_648 : memref<128xi32, #tpu.memory_space<vmem>>) semaphore(%arg20 : memref<!tpu.dma_semaphore, #tpu.memory_space<semaphore_mem>>)
        %dma_wait3A_651 = arith.constant 0 : i32
        %dma_wait3A_652 = arith.constant 0 : i32
        %dma_wait3A_653 = tpu.memref_slice %arg8[%dma_wait3A_651, %dma_wait3A_652] : memref<2x128xi32, #tpu.memory_space<vmem>> -> memref<1x128xi32, #tpu.memory_space<vmem>>
        %dma_wait3A_654 = tpu.memref_squeeze %dma_wait3A_653 : memref<1x128xi32, #tpu.memory_space<vmem>> -> memref<128xi32, #tpu.memory_space<vmem>>
        %dma_wait3A_655 = arith.constant 0 : i32
        %dma_wait3A_656 = arith.constant 0 : i32
        %dma_wait3A_657 = tpu.memref_slice %arg2[%dma_wait3A_655, %dma_wait3A_656] : memref<10240x144xf32, #tpu.memory_space<hbm>> -> memref<10240x144xf32, #tpu.memory_space<hbm>>
        tpu.wait_indirect_dma semaphore(%arg17 : memref<!tpu.dma_semaphore, #tpu.memory_space<semaphore_mem>>) src(%dma_wait3A_657 : memref<10240x144xf32, #tpu.memory_space<hbm>>) dst(%arg14 : memref<128x144xf32, #tpu.memory_space<vmem>>)
        %dma_wait3A_658 = arith.constant 1 : i32
        %dma_wait3A_659 = arith.constant 0 : i32
        %dma_wait3A_660 = tpu.memref_slice %arg8[%dma_wait3A_658, %dma_wait3A_659] : memref<2x128xi32, #tpu.memory_space<vmem>> -> memref<1x128xi32, #tpu.memory_space<vmem>>
        %dma_wait3A_661 = tpu.memref_squeeze %dma_wait3A_660 : memref<1x128xi32, #tpu.memory_space<vmem>> -> memref<128xi32, #tpu.memory_space<vmem>>
        %dma_wait3A_662 = arith.constant 0 : i32
        %dma_wait3A_663 = tpu.memref_slice %arg4[%dma_wait3A_662] : memref<10240xf32, #tpu.memory_space<hbm>> -> memref<10240xf32, #tpu.memory_space<hbm>>
        tpu.wait_indirect_dma semaphore(%arg19 : memref<!tpu.dma_semaphore, #tpu.memory_space<semaphore_mem>>) src(%dma_wait3A_663 : memref<10240xf32, #tpu.memory_space<hbm>>) dst(%arg10 : memref<128xf32, #tpu.memory_space<vmem>>)
        %mul3A_664 = arith.constant 10368 : i32
        %mul3A_665 = arith.muli %add3A, %mul3A_664 : i32
        %mul3A_666 = arith.constant 128 : i32
        %mul3A_667 = arith.muli %add3A_626, %mul3A_666 : i32
        %add3A_668 = arith.addi %mul3A_665, %mul3A_667 : i32
        %add3A_669 = arith.constant 0 : i32
        %add3A_670 = vector.broadcast %add3A_669 : i32 to vector<16xi32>
        %add3A_671 = arith.addi %add3A_670, %iota3A : vector<16xi32>
        %broadcast_in_dim3A_672 = arith.constant 129 : i32
        %broadcast_in_dim3A_673 = vector.broadcast %broadcast_in_dim3A_672 : i32 to vector<16xi32>
        %gather3A_674 = tpu.vector_load_idx %arg14[%add3A_671, %broadcast_in_dim3A_673] : memref<128x144xf32, #tpu.memory_space<vmem>>[vector<16xi32>, vector<16xi32>], vector<16xf32>,
        %get3A_675 = arith.constant 0 : index
        %get3A_676 = tpu.vector_load %arg10[%get3A_675] {strides = array<i32>} : memref<128xf32, #tpu.memory_space<vmem>>, vector<16xf32>,
        %add3A_677 = arith.addf %gather3A_674, %get3A_676 : vector<16xf32>
        %gt3A_678 = arith.constant 0.000000e+00 : f32
        %gt3A_679 = vector.broadcast %gt3A_678 : f32 to vector<16xf32>
        %gt3A_680 = arith.cmpf ogt, %add3A_677, %gt3A_679 : vector<16xf32>
        %mul3A_681 = arith.constant 2.000000e-01 : f32
        %mul3A_682 = vector.broadcast %mul3A_681 : f32 to vector<16xf32>
        %mul3A_683 = arith.mulf %mul3A_682, %add3A_677 : vector<16xf32>
        %select_n3A_684 = arith.select %gt3A_680, %add3A_677, %mul3A_683 : vector<16xi1>, vector<16xf32>
        %sub3A_685 = arith.subf %select_n3A_684, %get3A_26 : vector<16xf32>
        %exp3A_686 = math.exp %sub3A_685 : vector<16xf32>
        %add3A_687 = vector.broadcast %add3A_668 : i32 to vector<16xi32>
        %add3A_688 = arith.addi %add3A_687, %add3A_671 : vector<16xi32>
        %lt3A_689 = arith.constant 330000 : i32
        %lt3A_690 = vector.broadcast %lt3A_689 : i32 to vector<16xi32>
        %lt3A_691 = arith.cmpi slt, %add3A_688, %lt3A_690 : vector<16xi32>
        %jit3A_692 = arith.constant 0.000000e+00 : f32
        %broadcast_in_dim3A_693 = vector.broadcast %jit3A_692 : f32 to vector<16xf32>
        %select_n3A_694 = arith.select %lt3A_691, %exp3A_686, %broadcast_in_dim3A_693 : vector<16xi1>, vector<16xf32>
        %swap3A_695 = arith.constant 0 : index
        %swap3A_696 = tpu.vector_load %arg12[%swap3A_695] {strides = array<i32>} : memref<128xf32, #tpu.memory_space<vmem>>, vector<16xf32>,
        tpu.vector_store %arg12[%swap3A_695], %select_n3A_694 {strides = array<i32>} : memref<128xf32, #tpu.memory_space<vmem>>, vector<16xf32>,
        %add3A_697 = arith.constant 16 : i32
        %add3A_698 = vector.broadcast %add3A_697 : i32 to vector<16xi32>
        %add3A_699 = arith.addi %add3A_698, %iota3A : vector<16xi32>
        %broadcast_in_dim3A_700 = arith.constant 129 : i32
        %broadcast_in_dim3A_701 = vector.broadcast %broadcast_in_dim3A_700 : i32 to vector<16xi32>
        %gather3A_702 = tpu.vector_load_idx %arg14[%add3A_699, %broadcast_in_dim3A_701] : memref<128x144xf32, #tpu.memory_space<vmem>>[vector<16xi32>, vector<16xi32>], vector<16xf32>,
        %get3A_703 = arith.constant 16 : index
        %get3A_704 = tpu.vector_load %arg10[%get3A_703] {strides = array<i32>} : memref<128xf32, #tpu.memory_space<vmem>>, vector<16xf32>,
        %add3A_705 = arith.addf %gather3A_702, %get3A_704 : vector<16xf32>
        %gt3A_706 = arith.constant 0.000000e+00 : f32
        %gt3A_707 = vector.broadcast %gt3A_706 : f32 to vector<16xf32>
        %gt3A_708 = arith.cmpf ogt, %add3A_705, %gt3A_707 : vector<16xf32>
        %mul3A_709 = arith.constant 2.000000e-01 : f32
        %mul3A_710 = vector.broadcast %mul3A_709 : f32 to vector<16xf32>
        %mul3A_711 = arith.mulf %mul3A_710, %add3A_705 : vector<16xf32>
        %select_n3A_712 = arith.select %gt3A_708, %add3A_705, %mul3A_711 : vector<16xi1>, vector<16xf32>
        %sub3A_713 = arith.subf %select_n3A_712, %get3A_26 : vector<16xf32>
        %exp3A_714 = math.exp %sub3A_713 : vector<16xf32>
        %add3A_715 = vector.broadcast %add3A_668 : i32 to vector<16xi32>
        %add3A_716 = arith.addi %add3A_715, %add3A_699 : vector<16xi32>
        %lt3A_717 = arith.constant 330000 : i32
        %lt3A_718 = vector.broadcast %lt3A_717 : i32 to vector<16xi32>
        %lt3A_719 = arith.cmpi slt, %add3A_716, %lt3A_718 : vector<16xi32>
        %jit3A_720 = arith.constant 0.000000e+00 : f32
        %broadcast_in_dim3A_721 = vector.broadcast %jit3A_720 : f32 to vector<16xf32>
        %select_n3A_722 = arith.select %lt3A_719, %exp3A_714, %broadcast_in_dim3A_721 : vector<16xi1>, vector<16xf32>
        %swap3A_723 = arith.constant 16 : index
        %swap3A_724 = tpu.vector_load %arg12[%swap3A_723] {strides = array<i32>} : memref<128xf32, #tpu.memory_space<vmem>>, vector<16xf32>,
        tpu.vector_store %arg12[%swap3A_723], %select_n3A_722 {strides = array<i32>} : memref<128xf32, #tpu.memory_space<vmem>>, vector<16xf32>,
        %add3A_725 = arith.constant 32 : i32
        %add3A_726 = vector.broadcast %add3A_725 : i32 to vector<16xi32>
        %add3A_727 = arith.addi %add3A_726, %iota3A : vector<16xi32>
        %broadcast_in_dim3A_728 = arith.constant 129 : i32
        %broadcast_in_dim3A_729 = vector.broadcast %broadcast_in_dim3A_728 : i32 to vector<16xi32>
        %gather3A_730 = tpu.vector_load_idx %arg14[%add3A_727, %broadcast_in_dim3A_729] : memref<128x144xf32, #tpu.memory_space<vmem>>[vector<16xi32>, vector<16xi32>], vector<16xf32>,
        %get3A_731 = arith.constant 32 : index
        %get3A_732 = tpu.vector_load %arg10[%get3A_731] {strides = array<i32>} : memref<128xf32, #tpu.memory_space<vmem>>, vector<16xf32>,
        %add3A_733 = arith.addf %gather3A_730, %get3A_732 : vector<16xf32>
        %gt3A_734 = arith.constant 0.000000e+00 : f32
        %gt3A_735 = vector.broadcast %gt3A_734 : f32 to vector<16xf32>
        %gt3A_736 = arith.cmpf ogt, %add3A_733, %gt3A_735 : vector<16xf32>
        %mul3A_737 = arith.constant 2.000000e-01 : f32
        %mul3A_738 = vector.broadcast %mul3A_737 : f32 to vector<16xf32>
        %mul3A_739 = arith.mulf %mul3A_738, %add3A_733 : vector<16xf32>
        %select_n3A_740 = arith.select %gt3A_736, %add3A_733, %mul3A_739 : vector<16xi1>, vector<16xf32>
        %sub3A_741 = arith.subf %select_n3A_740, %get3A_26 : vector<16xf32>
        %exp3A_742 = math.exp %sub3A_741 : vector<16xf32>
        %add3A_743 = vector.broadcast %add3A_668 : i32 to vector<16xi32>
        %add3A_744 = arith.addi %add3A_743, %add3A_727 : vector<16xi32>
        %lt3A_745 = arith.constant 330000 : i32
        %lt3A_746 = vector.broadcast %lt3A_745 : i32 to vector<16xi32>
        %lt3A_747 = arith.cmpi slt, %add3A_744, %lt3A_746 : vector<16xi32>
        %jit3A_748 = arith.constant 0.000000e+00 : f32
        %broadcast_in_dim3A_749 = vector.broadcast %jit3A_748 : f32 to vector<16xf32>
        %select_n3A_750 = arith.select %lt3A_747, %exp3A_742, %broadcast_in_dim3A_749 : vector<16xi1>, vector<16xf32>
        %swap3A_751 = arith.constant 32 : index
        %swap3A_752 = tpu.vector_load %arg12[%swap3A_751] {strides = array<i32>} : memref<128xf32, #tpu.memory_space<vmem>>, vector<16xf32>,
        tpu.vector_store %arg12[%swap3A_751], %select_n3A_750 {strides = array<i32>} : memref<128xf32, #tpu.memory_space<vmem>>, vector<16xf32>,
        %add3A_753 = arith.constant 48 : i32
        %add3A_754 = vector.broadcast %add3A_753 : i32 to vector<16xi32>
        %add3A_755 = arith.addi %add3A_754, %iota3A : vector<16xi32>
        %broadcast_in_dim3A_756 = arith.constant 129 : i32
        %broadcast_in_dim3A_757 = vector.broadcast %broadcast_in_dim3A_756 : i32 to vector<16xi32>
        %gather3A_758 = tpu.vector_load_idx %arg14[%add3A_755, %broadcast_in_dim3A_757] : memref<128x144xf32, #tpu.memory_space<vmem>>[vector<16xi32>, vector<16xi32>], vector<16xf32>,
        %get3A_759 = arith.constant 48 : index
        %get3A_760 = tpu.vector_load %arg10[%get3A_759] {strides = array<i32>} : memref<128xf32, #tpu.memory_space<vmem>>, vector<16xf32>,
        %add3A_761 = arith.addf %gather3A_758, %get3A_760 : vector<16xf32>
        %gt3A_762 = arith.constant 0.000000e+00 : f32
        %gt3A_763 = vector.broadcast %gt3A_762 : f32 to vector<16xf32>
        %gt3A_764 = arith.cmpf ogt, %add3A_761, %gt3A_763 : vector<16xf32>
        %mul3A_765 = arith.constant 2.000000e-01 : f32
        %mul3A_766 = vector.broadcast %mul3A_765 : f32 to vector<16xf32>
        %mul3A_767 = arith.mulf %mul3A_766, %add3A_761 : vector<16xf32>
        %select_n3A_768 = arith.select %gt3A_764, %add3A_761, %mul3A_767 : vector<16xi1>, vector<16xf32>
        %sub3A_769 = arith.subf %select_n3A_768, %get3A_26 : vector<16xf32>
        %exp3A_770 = math.exp %sub3A_769 : vector<16xf32>
        %add3A_771 = vector.broadcast %add3A_668 : i32 to vector<16xi32>
        %add3A_772 = arith.addi %add3A_771, %add3A_755 : vector<16xi32>
        %lt3A_773 = arith.constant 330000 : i32
        %lt3A_774 = vector.broadcast %lt3A_773 : i32 to vector<16xi32>
        %lt3A_775 = arith.cmpi slt, %add3A_772, %lt3A_774 : vector<16xi32>
        %jit3A_776 = arith.constant 0.000000e+00 : f32
        %broadcast_in_dim3A_777 = vector.broadcast %jit3A_776 : f32 to vector<16xf32>
        %select_n3A_778 = arith.select %lt3A_775, %exp3A_770, %broadcast_in_dim3A_777 : vector<16xi1>, vector<16xf32>
        %swap3A_779 = arith.constant 48 : index
        %swap3A_780 = tpu.vector_load %arg12[%swap3A_779] {strides = array<i32>} : memref<128xf32, #tpu.memory_space<vmem>>, vector<16xf32>,
        tpu.vector_store %arg12[%swap3A_779], %select_n3A_778 {strides = array<i32>} : memref<128xf32, #tpu.memory_space<vmem>>, vector<16xf32>,
        %add3A_781 = arith.constant 64 : i32
        %add3A_782 = vector.broadcast %add3A_781 : i32 to vector<16xi32>
        %add3A_783 = arith.addi %add3A_782, %iota3A : vector<16xi32>
        %broadcast_in_dim3A_784 = arith.constant 129 : i32
        %broadcast_in_dim3A_785 = vector.broadcast %broadcast_in_dim3A_784 : i32 to vector<16xi32>
        %gather3A_786 = tpu.vector_load_idx %arg14[%add3A_783, %broadcast_in_dim3A_785] : memref<128x144xf32, #tpu.memory_space<vmem>>[vector<16xi32>, vector<16xi32>], vector<16xf32>,
        %get3A_787 = arith.constant 64 : index
        %get3A_788 = tpu.vector_load %arg10[%get3A_787] {strides = array<i32>} : memref<128xf32, #tpu.memory_space<vmem>>, vector<16xf32>,
        %add3A_789 = arith.addf %gather3A_786, %get3A_788 : vector<16xf32>
        %gt3A_790 = arith.constant 0.000000e+00 : f32
        %gt3A_791 = vector.broadcast %gt3A_790 : f32 to vector<16xf32>
        %gt3A_792 = arith.cmpf ogt, %add3A_789, %gt3A_791 : vector<16xf32>
        %mul3A_793 = arith.constant 2.000000e-01 : f32
        %mul3A_794 = vector.broadcast %mul3A_793 : f32 to vector<16xf32>
        %mul3A_795 = arith.mulf %mul3A_794, %add3A_789 : vector<16xf32>
        %select_n3A_796 = arith.select %gt3A_792, %add3A_789, %mul3A_795 : vector<16xi1>, vector<16xf32>
        %sub3A_797 = arith.subf %select_n3A_796, %get3A_26 : vector<16xf32>
        %exp3A_798 = math.exp %sub3A_797 : vector<16xf32>
        %add3A_799 = vector.broadcast %add3A_668 : i32 to vector<16xi32>
        %add3A_800 = arith.addi %add3A_799, %add3A_783 : vector<16xi32>
        %lt3A_801 = arith.constant 330000 : i32
        %lt3A_802 = vector.broadcast %lt3A_801 : i32 to vector<16xi32>
        %lt3A_803 = arith.cmpi slt, %add3A_800, %lt3A_802 : vector<16xi32>
        %jit3A_804 = arith.constant 0.000000e+00 : f32
        %broadcast_in_dim3A_805 = vector.broadcast %jit3A_804 : f32 to vector<16xf32>
        %select_n3A_806 = arith.select %lt3A_803, %exp3A_798, %broadcast_in_dim3A_805 : vector<16xi1>, vector<16xf32>
        %swap3A_807 = arith.constant 64 : index
        %swap3A_808 = tpu.vector_load %arg12[%swap3A_807] {strides = array<i32>} : memref<128xf32, #tpu.memory_space<vmem>>, vector<16xf32>,
        tpu.vector_store %arg12[%swap3A_807], %select_n3A_806 {strides = array<i32>} : memref<128xf32, #tpu.memory_space<vmem>>, vector<16xf32>,
        %add3A_809 = arith.constant 80 : i32
        %add3A_810 = vector.broadcast %add3A_809 : i32 to vector<16xi32>
        %add3A_811 = arith.addi %add3A_810, %iota3A : vector<16xi32>
        %broadcast_in_dim3A_812 = arith.constant 129 : i32
        %broadcast_in_dim3A_813 = vector.broadcast %broadcast_in_dim3A_812 : i32 to vector<16xi32>
        %gather3A_814 = tpu.vector_load_idx %arg14[%add3A_811, %broadcast_in_dim3A_813] : memref<128x144xf32, #tpu.memory_space<vmem>>[vector<16xi32>, vector<16xi32>], vector<16xf32>,
        %get3A_815 = arith.constant 80 : index
        %get3A_816 = tpu.vector_load %arg10[%get3A_815] {strides = array<i32>} : memref<128xf32, #tpu.memory_space<vmem>>, vector<16xf32>,
        %add3A_817 = arith.addf %gather3A_814, %get3A_816 : vector<16xf32>
        %gt3A_818 = arith.constant 0.000000e+00 : f32
        %gt3A_819 = vector.broadcast %gt3A_818 : f32 to vector<16xf32>
        %gt3A_820 = arith.cmpf ogt, %add3A_817, %gt3A_819 : vector<16xf32>
        %mul3A_821 = arith.constant 2.000000e-01 : f32
        %mul3A_822 = vector.broadcast %mul3A_821 : f32 to vector<16xf32>
        %mul3A_823 = arith.mulf %mul3A_822, %add3A_817 : vector<16xf32>
        %select_n3A_824 = arith.select %gt3A_820, %add3A_817, %mul3A_823 : vector<16xi1>, vector<16xf32>
        %sub3A_825 = arith.subf %select_n3A_824, %get3A_26 : vector<16xf32>
        %exp3A_826 = math.exp %sub3A_825 : vector<16xf32>
        %add3A_827 = vector.broadcast %add3A_668 : i32 to vector<16xi32>
        %add3A_828 = arith.addi %add3A_827, %add3A_811 : vector<16xi32>
        %lt3A_829 = arith.constant 330000 : i32
        %lt3A_830 = vector.broadcast %lt3A_829 : i32 to vector<16xi32>
        %lt3A_831 = arith.cmpi slt, %add3A_828, %lt3A_830 : vector<16xi32>
        %jit3A_832 = arith.constant 0.000000e+00 : f32
        %broadcast_in_dim3A_833 = vector.broadcast %jit3A_832 : f32 to vector<16xf32>
        %select_n3A_834 = arith.select %lt3A_831, %exp3A_826, %broadcast_in_dim3A_833 : vector<16xi1>, vector<16xf32>
        %swap3A_835 = arith.constant 80 : index
        %swap3A_836 = tpu.vector_load %arg12[%swap3A_835] {strides = array<i32>} : memref<128xf32, #tpu.memory_space<vmem>>, vector<16xf32>,
        tpu.vector_store %arg12[%swap3A_835], %select_n3A_834 {strides = array<i32>} : memref<128xf32, #tpu.memory_space<vmem>>, vector<16xf32>,
        %add3A_837 = arith.constant 96 : i32
        %add3A_838 = vector.broadcast %add3A_837 : i32 to vector<16xi32>
        %add3A_839 = arith.addi %add3A_838, %iota3A : vector<16xi32>
        %broadcast_in_dim3A_840 = arith.constant 129 : i32
        %broadcast_in_dim3A_841 = vector.broadcast %broadcast_in_dim3A_840 : i32 to vector<16xi32>
        %gather3A_842 = tpu.vector_load_idx %arg14[%add3A_839, %broadcast_in_dim3A_841] : memref<128x144xf32, #tpu.memory_space<vmem>>[vector<16xi32>, vector<16xi32>], vector<16xf32>,
        %get3A_843 = arith.constant 96 : index
        %get3A_844 = tpu.vector_load %arg10[%get3A_843] {strides = array<i32>} : memref<128xf32, #tpu.memory_space<vmem>>, vector<16xf32>,
        %add3A_845 = arith.addf %gather3A_842, %get3A_844 : vector<16xf32>
        %gt3A_846 = arith.constant 0.000000e+00 : f32
        %gt3A_847 = vector.broadcast %gt3A_846 : f32 to vector<16xf32>
        %gt3A_848 = arith.cmpf ogt, %add3A_845, %gt3A_847 : vector<16xf32>
        %mul3A_849 = arith.constant 2.000000e-01 : f32
        %mul3A_850 = vector.broadcast %mul3A_849 : f32 to vector<16xf32>
        %mul3A_851 = arith.mulf %mul3A_850, %add3A_845 : vector<16xf32>
        %select_n3A_852 = arith.select %gt3A_848, %add3A_845, %mul3A_851 : vector<16xi1>, vector<16xf32>
        %sub3A_853 = arith.subf %select_n3A_852, %get3A_26 : vector<16xf32>
        %exp3A_854 = math.exp %sub3A_853 : vector<16xf32>
        %add3A_855 = vector.broadcast %add3A_668 : i32 to vector<16xi32>
        %add3A_856 = arith.addi %add3A_855, %add3A_839 : vector<16xi32>
        %lt3A_857 = arith.constant 330000 : i32
        %lt3A_858 = vector.broadcast %lt3A_857 : i32 to vector<16xi32>
        %lt3A_859 = arith.cmpi slt, %add3A_856, %lt3A_858 : vector<16xi32>
        %jit3A_860 = arith.constant 0.000000e+00 : f32
        %broadcast_in_dim3A_861 = vector.broadcast %jit3A_860 : f32 to vector<16xf32>
        %select_n3A_862 = arith.select %lt3A_859, %exp3A_854, %broadcast_in_dim3A_861 : vector<16xi1>, vector<16xf32>
        %swap3A_863 = arith.constant 96 : index
        %swap3A_864 = tpu.vector_load %arg12[%swap3A_863] {strides = array<i32>} : memref<128xf32, #tpu.memory_space<vmem>>, vector<16xf32>,
        tpu.vector_store %arg12[%swap3A_863], %select_n3A_862 {strides = array<i32>} : memref<128xf32, #tpu.memory_space<vmem>>, vector<16xf32>,
        %add3A_865 = arith.constant 112 : i32
        %add3A_866 = vector.broadcast %add3A_865 : i32 to vector<16xi32>
        %add3A_867 = arith.addi %add3A_866, %iota3A : vector<16xi32>
        %broadcast_in_dim3A_868 = arith.constant 129 : i32
        %broadcast_in_dim3A_869 = vector.broadcast %broadcast_in_dim3A_868 : i32 to vector<16xi32>
        %gather3A_870 = tpu.vector_load_idx %arg14[%add3A_867, %broadcast_in_dim3A_869] : memref<128x144xf32, #tpu.memory_space<vmem>>[vector<16xi32>, vector<16xi32>], vector<16xf32>,
        %get3A_871 = arith.constant 112 : index
        %get3A_872 = tpu.vector_load %arg10[%get3A_871] {strides = array<i32>} : memref<128xf32, #tpu.memory_space<vmem>>, vector<16xf32>,
        %add3A_873 = arith.addf %gather3A_870, %get3A_872 : vector<16xf32>
        %gt3A_874 = arith.constant 0.000000e+00 : f32
        %gt3A_875 = vector.broadcast %gt3A_874 : f32 to vector<16xf32>
        %gt3A_876 = arith.cmpf ogt, %add3A_873, %gt3A_875 : vector<16xf32>
        %mul3A_877 = arith.constant 2.000000e-01 : f32
        %mul3A_878 = vector.broadcast %mul3A_877 : f32 to vector<16xf32>
        %mul3A_879 = arith.mulf %mul3A_878, %add3A_873 : vector<16xf32>
        %select_n3A_880 = arith.select %gt3A_876, %add3A_873, %mul3A_879 : vector<16xi1>, vector<16xf32>
        %sub3A_881 = arith.subf %select_n3A_880, %get3A_26 : vector<16xf32>
        %exp3A_882 = math.exp %sub3A_881 : vector<16xf32>
        %add3A_883 = vector.broadcast %add3A_668 : i32 to vector<16xi32>
        %add3A_884 = arith.addi %add3A_883, %add3A_867 : vector<16xi32>
        %lt3A_885 = arith.constant 330000 : i32
        %lt3A_886 = vector.broadcast %lt3A_885 : i32 to vector<16xi32>
        %lt3A_887 = arith.cmpi slt, %add3A_884, %lt3A_886 : vector<16xi32>
        %jit3A_888 = arith.constant 0.000000e+00 : f32
        %broadcast_in_dim3A_889 = vector.broadcast %jit3A_888 : f32 to vector<16xf32>
        %select_n3A_890 = arith.select %lt3A_887, %exp3A_882, %broadcast_in_dim3A_889 : vector<16xi1>, vector<16xf32>
        %swap3A_891 = arith.constant 112 : index
        %swap3A_892 = tpu.vector_load %arg12[%swap3A_891] {strides = array<i32>} : memref<128xf32, #tpu.memory_space<vmem>>, vector<16xf32>,
        tpu.vector_store %arg12[%swap3A_891], %select_n3A_890 {strides = array<i32>} : memref<128xf32, #tpu.memory_space<vmem>>, vector<16xf32>,
        %parallel_loop3A_893 = arith.constant 0 : i32
        %parallel_loop3A_894 = arith.constant 128 : i32
        %parallel_loop3A_895 = arith.constant 1 : i32
        scf.for %parallel_loop3A_903 = %parallel_loop3A_893 to %parallel_loop3A_894 step %parallel_loop3A_895  : i32 {
          %parallel_loop3A_904 = arith.constant 0 : i32
          %parallel_loop3A_905 = vector.broadcast %parallel_loop3A_904 : i32 to vector<16xi32>
          %parallel_loop3A_906 = vector.broadcast %parallel_loop3A_903 : i32 to vector<16xi32>
          %parallel_loop3A_907 = arith.addi %parallel_loop3A_905, %parallel_loop3A_906 : vector<16xi32>
          %parallel_loop3A_908 = tpu.vector_load_idx %arg12[%parallel_loop3A_907] : memref<128xf32, #tpu.memory_space<vmem>>[vector<16xi32>], vector<16xf32>,
          %parallel_loop3A_909 = arith.index_cast %parallel_loop3A_903 : i32 to index
          %parallel_loop3A_910 = arith.constant 0 : index
          %parallel_loop3A_911 = tpu.vector_load %arg14[%parallel_loop3A_909, %parallel_loop3A_910] {strides = array<i32>} : memref<128x144xf32, #tpu.memory_space<vmem>>, vector<16xf32>,
          %parallel_loop3A_912 = arith.mulf %parallel_loop3A_911, %parallel_loop3A_908 : vector<16xf32>
          %parallel_loop3A_913 = arith.index_cast %parallel_loop3A_903 : i32 to index
          %parallel_loop3A_914 = arith.constant 0 : index
          %parallel_loop3A_915 = tpu.vector_load %arg14[%parallel_loop3A_913, %parallel_loop3A_914] {strides = array<i32>} : memref<128x144xf32, #tpu.memory_space<vmem>>, vector<16xf32>,
          tpu.vector_store %arg14[%parallel_loop3A_913, %parallel_loop3A_914], %parallel_loop3A_912 {strides = array<i32>} : memref<128x144xf32, #tpu.memory_space<vmem>>, vector<16xf32>,
          %parallel_loop3A_916 = arith.index_cast %parallel_loop3A_903 : i32 to index
          %parallel_loop3A_917 = arith.constant 16 : index
          %parallel_loop3A_918 = tpu.vector_load %arg14[%parallel_loop3A_916, %parallel_loop3A_917] {strides = array<i32>} : memref<128x144xf32, #tpu.memory_space<vmem>>, vector<16xf32>,
          %parallel_loop3A_919 = arith.mulf %parallel_loop3A_918, %parallel_loop3A_908 : vector<16xf32>
          %parallel_loop3A_920 = arith.index_cast %parallel_loop3A_903 : i32 to index
          %parallel_loop3A_921 = arith.constant 16 : index
          %parallel_loop3A_922 = tpu.vector_load %arg14[%parallel_loop3A_920, %parallel_loop3A_921] {strides = array<i32>} : memref<128x144xf32, #tpu.memory_space<vmem>>, vector<16xf32>,
          tpu.vector_store %arg14[%parallel_loop3A_920, %parallel_loop3A_921], %parallel_loop3A_919 {strides = array<i32>} : memref<128x144xf32, #tpu.memory_space<vmem>>, vector<16xf32>,
          %parallel_loop3A_923 = arith.index_cast %parallel_loop3A_903 : i32 to index
          %parallel_loop3A_924 = arith.constant 32 : index
          %parallel_loop3A_925 = tpu.vector_load %arg14[%parallel_loop3A_923, %parallel_loop3A_924] {strides = array<i32>} : memref<128x144xf32, #tpu.memory_space<vmem>>, vector<16xf32>,
          %parallel_loop3A_926 = arith.mulf %parallel_loop3A_925, %parallel_loop3A_908 : vector<16xf32>
          %parallel_loop3A_927 = arith.index_cast %parallel_loop3A_903 : i32 to index
          %parallel_loop3A_928 = arith.constant 32 : index
          %parallel_loop3A_929 = tpu.vector_load %arg14[%parallel_loop3A_927, %parallel_loop3A_928] {strides = array<i32>} : memref<128x144xf32, #tpu.memory_space<vmem>>, vector<16xf32>,
          tpu.vector_store %arg14[%parallel_loop3A_927, %parallel_loop3A_928], %parallel_loop3A_926 {strides = array<i32>} : memref<128x144xf32, #tpu.memory_space<vmem>>, vector<16xf32>,
          %parallel_loop3A_930 = arith.index_cast %parallel_loop3A_903 : i32 to index
          %parallel_loop3A_931 = arith.constant 48 : index
          %parallel_loop3A_932 = tpu.vector_load %arg14[%parallel_loop3A_930, %parallel_loop3A_931] {strides = array<i32>} : memref<128x144xf32, #tpu.memory_space<vmem>>, vector<16xf32>,
          %parallel_loop3A_933 = arith.mulf %parallel_loop3A_932, %parallel_loop3A_908 : vector<16xf32>
          %parallel_loop3A_934 = arith.index_cast %parallel_loop3A_903 : i32 to index
          %parallel_loop3A_935 = arith.constant 48 : index
          %parallel_loop3A_936 = tpu.vector_load %arg14[%parallel_loop3A_934, %parallel_loop3A_935] {strides = array<i32>} : memref<128x144xf32, #tpu.memory_space<vmem>>, vector<16xf32>,
          tpu.vector_store %arg14[%parallel_loop3A_934, %parallel_loop3A_935], %parallel_loop3A_933 {strides = array<i32>} : memref<128x144xf32, #tpu.memory_space<vmem>>, vector<16xf32>,
          %parallel_loop3A_937 = arith.index_cast %parallel_loop3A_903 : i32 to index
          %parallel_loop3A_938 = arith.constant 64 : index
          %parallel_loop3A_939 = tpu.vector_load %arg14[%parallel_loop3A_937, %parallel_loop3A_938] {strides = array<i32>} : memref<128x144xf32, #tpu.memory_space<vmem>>, vector<16xf32>,
          %parallel_loop3A_940 = arith.mulf %parallel_loop3A_939, %parallel_loop3A_908 : vector<16xf32>
          %parallel_loop3A_941 = arith.index_cast %parallel_loop3A_903 : i32 to index
          %parallel_loop3A_942 = arith.constant 64 : index
          %parallel_loop3A_943 = tpu.vector_load %arg14[%parallel_loop3A_941, %parallel_loop3A_942] {strides = array<i32>} : memref<128x144xf32, #tpu.memory_space<vmem>>, vector<16xf32>,
          tpu.vector_store %arg14[%parallel_loop3A_941, %parallel_loop3A_942], %parallel_loop3A_940 {strides = array<i32>} : memref<128x144xf32, #tpu.memory_space<vmem>>, vector<16xf32>,
          %parallel_loop3A_944 = arith.index_cast %parallel_loop3A_903 : i32 to index
          %parallel_loop3A_945 = arith.constant 80 : index
          %parallel_loop3A_946 = tpu.vector_load %arg14[%parallel_loop3A_944, %parallel_loop3A_945] {strides = array<i32>} : memref<128x144xf32, #tpu.memory_space<vmem>>, vector<16xf32>,
          %parallel_loop3A_947 = arith.mulf %parallel_loop3A_946, %parallel_loop3A_908 : vector<16xf32>
          %parallel_loop3A_948 = arith.index_cast %parallel_loop3A_903 : i32 to index
          %parallel_loop3A_949 = arith.constant 80 : index
          %parallel_loop3A_950 = tpu.vector_load %arg14[%parallel_loop3A_948, %parallel_loop3A_949] {strides = array<i32>} : memref<128x144xf32, #tpu.memory_space<vmem>>, vector<16xf32>,
          tpu.vector_store %arg14[%parallel_loop3A_948, %parallel_loop3A_949], %parallel_loop3A_947 {strides = array<i32>} : memref<128x144xf32, #tpu.memory_space<vmem>>, vector<16xf32>,
          %parallel_loop3A_951 = arith.index_cast %parallel_loop3A_903 : i32 to index
          %parallel_loop3A_952 = arith.constant 96 : index
          %parallel_loop3A_953 = tpu.vector_load %arg14[%parallel_loop3A_951, %parallel_loop3A_952] {strides = array<i32>} : memref<128x144xf32, #tpu.memory_space<vmem>>, vector<16xf32>,
          %parallel_loop3A_954 = arith.mulf %parallel_loop3A_953, %parallel_loop3A_908 : vector<16xf32>
          %parallel_loop3A_955 = arith.index_cast %parallel_loop3A_903 : i32 to index
          %parallel_loop3A_956 = arith.constant 96 : index
          %parallel_loop3A_957 = tpu.vector_load %arg14[%parallel_loop3A_955, %parallel_loop3A_956] {strides = array<i32>} : memref<128x144xf32, #tpu.memory_space<vmem>>, vector<16xf32>,
          tpu.vector_store %arg14[%parallel_loop3A_955, %parallel_loop3A_956], %parallel_loop3A_954 {strides = array<i32>} : memref<128x144xf32, #tpu.memory_space<vmem>>, vector<16xf32>,
          %parallel_loop3A_958 = arith.index_cast %parallel_loop3A_903 : i32 to index
          %parallel_loop3A_959 = arith.constant 112 : index
          %parallel_loop3A_960 = tpu.vector_load %arg14[%parallel_loop3A_958, %parallel_loop3A_959] {strides = array<i32>} : memref<128x144xf32, #tpu.memory_space<vmem>>, vector<16xf32>,
          %parallel_loop3A_961 = arith.mulf %parallel_loop3A_960, %parallel_loop3A_908 : vector<16xf32>
          %parallel_loop3A_962 = arith.index_cast %parallel_loop3A_903 : i32 to index
          %parallel_loop3A_963 = arith.constant 112 : index
          %parallel_loop3A_964 = tpu.vector_load %arg14[%parallel_loop3A_962, %parallel_loop3A_963] {strides = array<i32>} : memref<128x144xf32, #tpu.memory_space<vmem>>, vector<16xf32>,
          tpu.vector_store %arg14[%parallel_loop3A_962, %parallel_loop3A_963], %parallel_loop3A_961 {strides = array<i32>} : memref<128x144xf32, #tpu.memory_space<vmem>>, vector<16xf32>,
          %parallel_loop3A_965 = arith.index_cast %parallel_loop3A_903 : i32 to index
          %parallel_loop3A_966 = arith.constant 128 : index
          %parallel_loop3A_967 = tpu.vector_load %arg14[%parallel_loop3A_965, %parallel_loop3A_966] {strides = array<i32>} : memref<128x144xf32, #tpu.memory_space<vmem>>, vector<16xf32>,
          %parallel_loop3A_968 = arith.mulf %parallel_loop3A_967, %parallel_loop3A_908 : vector<16xf32>
          %parallel_loop3A_969 = arith.index_cast %parallel_loop3A_903 : i32 to index
          %parallel_loop3A_970 = arith.constant 128 : index
          %parallel_loop3A_971 = tpu.vector_load %arg14[%parallel_loop3A_969, %parallel_loop3A_970] {strides = array<i32>} : memref<128x144xf32, #tpu.memory_space<vmem>>, vector<16xf32>,
          tpu.vector_store %arg14[%parallel_loop3A_969, %parallel_loop3A_970], %parallel_loop3A_968 {strides = array<i32>} : memref<128x144xf32, #tpu.memory_space<vmem>>, vector<16xf32>,
        } {sc.loop_unroll_factor = 8 : i64, sc.parallel_access}
        %dma_start3A_896 = arith.constant 1 : i32
        %dma_start3A_897 = arith.constant 0 : i32
        %dma_start3A_898 = tpu.memref_slice %arg8[%dma_start3A_896, %dma_start3A_897] : memref<2x128xi32, #tpu.memory_space<vmem>> -> memref<1x128xi32, #tpu.memory_space<vmem>>
        %dma_start3A_899 = tpu.memref_squeeze %dma_start3A_898 : memref<1x128xi32, #tpu.memory_space<vmem>> -> memref<128xi32, #tpu.memory_space<vmem>>
        %dma_start3A_900 = arith.constant 0 : i32
        %dma_start3A_901 = arith.constant 0 : i32
        %dma_start3A_902 = tpu.memref_slice %arg16[%dma_start3A_900, %dma_start3A_901] : memref<10240x144xf32, #tpu.memory_space<vmem_shared>> -> memref<10240x144xf32, #tpu.memory_space<vmem_shared>>
        tpu.enqueue_indirect_dma source(%arg14 : memref<128x144xf32, #tpu.memory_space<vmem>>) target(%dma_start3A_902 : memref<10240x144xf32, #tpu.memory_space<vmem_shared>>) offsets(%dma_start3A_899 : memref<128xi32, #tpu.memory_space<vmem>>) semaphore(%arg21 : memref<!tpu.dma_semaphore, #tpu.memory_space<semaphore_mem>>) {add = true}
      } else {
      }
    }
    %scan3A_297 = arith.constant 40 : i32
    %dma_wait3A_298 = arith.constant 1 : i32
    %dma_wait3A_299 = arith.constant 0 : i32
    %dma_wait3A_300 = tpu.memref_slice %arg8[%dma_wait3A_298, %dma_wait3A_299] : memref<2x128xi32, #tpu.memory_space<vmem>> -> memref<1x128xi32, #tpu.memory_space<vmem>>
    %dma_wait3A_301 = tpu.memref_squeeze %dma_wait3A_300 : memref<1x128xi32, #tpu.memory_space<vmem>> -> memref<128xi32, #tpu.memory_space<vmem>>
    %dma_wait3A_302 = arith.constant 0 : i32
    %dma_wait3A_303 = arith.constant 0 : i32
    %dma_wait3A_304 = tpu.memref_slice %arg16[%dma_wait3A_302, %dma_wait3A_303] : memref<10240x144xf32, #tpu.memory_space<vmem_shared>> -> memref<10240x144xf32, #tpu.memory_space<vmem_shared>>
    tpu.wait_indirect_dma semaphore(%arg21 : memref<!tpu.dma_semaphore, #tpu.memory_space<semaphore_mem>>) src(%arg14 : memref<128x144xf32, #tpu.memory_space<vmem>>) dst(%dma_wait3A_304 : memref<10240x144xf32, #tpu.memory_space<vmem_shared>>)
    %dma_wait3A_305 = arith.constant 0 : i32
    %dma_wait3A_306 = arith.constant 0 : i32
    %dma_wait3A_307 = tpu.memref_slice %arg9[%dma_wait3A_305, %dma_wait3A_306] : memref<2x128xi32, #tpu.memory_space<vmem>> -> memref<1x128xi32, #tpu.memory_space<vmem>>
    %dma_wait3A_308 = tpu.memref_squeeze %dma_wait3A_307 : memref<1x128xi32, #tpu.memory_space<vmem>> -> memref<128xi32, #tpu.memory_space<vmem>>
    %dma_wait3A_309 = arith.constant 0 : i32
    %dma_wait3A_310 = arith.constant 0 : i32
    %dma_wait3A_311 = tpu.memref_slice %arg2[%dma_wait3A_309, %dma_wait3A_310] : memref<10240x144xf32, #tpu.memory_space<hbm>> -> memref<10240x144xf32, #tpu.memory_space<hbm>>
    tpu.wait_indirect_dma semaphore(%arg18 : memref<!tpu.dma_semaphore, #tpu.memory_space<semaphore_mem>>) src(%dma_wait3A_311 : memref<10240x144xf32, #tpu.memory_space<hbm>>) dst(%arg15 : memref<128x144xf32, #tpu.memory_space<vmem>>)
    %dma_wait3A_312 = arith.constant 1 : i32
    %dma_wait3A_313 = arith.constant 0 : i32
    %dma_wait3A_314 = tpu.memref_slice %arg9[%dma_wait3A_312, %dma_wait3A_313] : memref<2x128xi32, #tpu.memory_space<vmem>> -> memref<1x128xi32, #tpu.memory_space<vmem>>
    %dma_wait3A_315 = tpu.memref_squeeze %dma_wait3A_314 : memref<1x128xi32, #tpu.memory_space<vmem>> -> memref<128xi32, #tpu.memory_space<vmem>>
    %dma_wait3A_316 = arith.constant 0 : i32
    %dma_wait3A_317 = tpu.memref_slice %arg4[%dma_wait3A_316] : memref<10240xf32, #tpu.memory_space<hbm>> -> memref<10240xf32, #tpu.memory_space<hbm>>
    tpu.wait_indirect_dma semaphore(%arg20 : memref<!tpu.dma_semaphore, #tpu.memory_space<semaphore_mem>>) src(%dma_wait3A_317 : memref<10240xf32, #tpu.memory_space<hbm>>) dst(%arg11 : memref<128xf32, #tpu.memory_space<vmem>>)
    %barrier3A_318 = arith.constant 0 : index
    tpu.barrier barrier_id(%barrier3A_318)
    %mul3A_319 = arith.constant 640 : i32
    %mul3A_320 = arith.muli %arg1, %mul3A_319 : i32
    %add3A_321 = arith.constant 0 : i32
    %add3A_322 = arith.addi %mul3A_320, %add3A_321 : i32
    "tpu.region"() ({
      %run_scoped3A = tpu.sem_alloc : memref<!tpu.dma_semaphore, #tpu.memory_space<semaphore_mem>>
      %dma_start3A_339 = arith.constant 0 : i32
      %dma_start3A_340 = tpu.memref_slice %arg6[%arg0, %add3A_322, %dma_start3A_339] : memref<2x10240x144xf32, #tpu.memory_space<hbm>> -> memref<1x128x144xf32, #tpu.memory_space<hbm>>
      %dma_start3A_341 = tpu.memref_squeeze %dma_start3A_340 : memref<1x128x144xf32, #tpu.memory_space<hbm>> -> memref<128x144xf32, #tpu.memory_space<hbm>>
      %dma_start3A_342 = arith.constant 0 : i32
      %dma_start3A_343 = tpu.memref_slice %arg16[%add3A_322, %dma_start3A_342] : memref<10240x144xf32, #tpu.memory_space<vmem_shared>> -> memref<128x144xf32, #tpu.memory_space<vmem_shared>>
      tpu.enqueue_dma source(%dma_start3A_343 : memref<128x144xf32, #tpu.memory_space<vmem_shared>>) target(%dma_start3A_341 : memref<128x144xf32, #tpu.memory_space<hbm>>) target_semaphore(%run_scoped3A : memref<!tpu.dma_semaphore, #tpu.memory_space<semaphore_mem>>)
      %dma_wait3A_344 = arith.constant 0 : i32
      %dma_wait3A_345 = tpu.memref_slice %arg6[%arg0, %add3A_322, %dma_wait3A_344] : memref<2x10240x144xf32, #tpu.memory_space<hbm>> -> memref<1x128x144xf32, #tpu.memory_space<hbm>>
      %dma_wait3A_346 = tpu.memref_squeeze %dma_wait3A_345 : memref<1x128x144xf32, #tpu.memory_space<hbm>> -> memref<128x144xf32, #tpu.memory_space<hbm>>
      %dma_wait3A_347 = arith.constant 0 : i32
      %dma_wait3A_348 = tpu.memref_slice %arg16[%add3A_322, %dma_wait3A_347] : memref<10240x144xf32, #tpu.memory_space<vmem_shared>> -> memref<128x144xf32, #tpu.memory_space<vmem_shared>>
      tpu.wait_dma2 semaphore(%run_scoped3A : memref<!tpu.dma_semaphore, #tpu.memory_space<semaphore_mem>>) src(%dma_wait3A_348 : memref<128x144xf32, #tpu.memory_space<vmem_shared>>) dst(%dma_wait3A_346 : memref<128x144xf32, #tpu.memory_space<hbm>>)
      tpu.yield
    }) : () -> ()
    %mul3A_323 = arith.constant 640 : i32
    %mul3A_324 = arith.muli %arg1, %mul3A_323 : i32
    %add3A_325 = arith.constant 128 : i32
    %add3A_326 = arith.addi %mul3A_324, %add3A_325 : i32
    "tpu.region"() ({
      %run_scoped3A = tpu.sem_alloc : memref<!tpu.dma_semaphore, #tpu.memory_space<semaphore_mem>>
      %dma_start3A_339 = arith.constant 0 : i32
      %dma_start3A_340 = tpu.memref_slice %arg6[%arg0, %add3A_326, %dma_start3A_339] : memref<2x10240x144xf32, #tpu.memory_space<hbm>> -> memref<1x128x144xf32, #tpu.memory_space<hbm>>
      %dma_start3A_341 = tpu.memref_squeeze %dma_start3A_340 : memref<1x128x144xf32, #tpu.memory_space<hbm>> -> memref<128x144xf32, #tpu.memory_space<hbm>>
      %dma_start3A_342 = arith.constant 0 : i32
      %dma_start3A_343 = tpu.memref_slice %arg16[%add3A_326, %dma_start3A_342] : memref<10240x144xf32, #tpu.memory_space<vmem_shared>> -> memref<128x144xf32, #tpu.memory_space<vmem_shared>>
      tpu.enqueue_dma source(%dma_start3A_343 : memref<128x144xf32, #tpu.memory_space<vmem_shared>>) target(%dma_start3A_341 : memref<128x144xf32, #tpu.memory_space<hbm>>) target_semaphore(%run_scoped3A : memref<!tpu.dma_semaphore, #tpu.memory_space<semaphore_mem>>)
      %dma_wait3A_344 = arith.constant 0 : i32
      %dma_wait3A_345 = tpu.memref_slice %arg6[%arg0, %add3A_326, %dma_wait3A_344] : memref<2x10240x144xf32, #tpu.memory_space<hbm>> -> memref<1x128x144xf32, #tpu.memory_space<hbm>>
      %dma_wait3A_346 = tpu.memref_squeeze %dma_wait3A_345 : memref<1x128x144xf32, #tpu.memory_space<hbm>> -> memref<128x144xf32, #tpu.memory_space<hbm>>
      %dma_wait3A_347 = arith.constant 0 : i32
      %dma_wait3A_348 = tpu.memref_slice %arg16[%add3A_326, %dma_wait3A_347] : memref<10240x144xf32, #tpu.memory_space<vmem_shared>> -> memref<128x144xf32, #tpu.memory_space<vmem_shared>>
      tpu.wait_dma2 semaphore(%run_scoped3A : memref<!tpu.dma_semaphore, #tpu.memory_space<semaphore_mem>>) src(%dma_wait3A_348 : memref<128x144xf32, #tpu.memory_space<vmem_shared>>) dst(%dma_wait3A_346 : memref<128x144xf32, #tpu.memory_space<hbm>>)
      tpu.yield
    }) : () -> ()
    %mul3A_327 = arith.constant 640 : i32
    %mul3A_328 = arith.muli %arg1, %mul3A_327 : i32
    %add3A_329 = arith.constant 256 : i32
    %add3A_330 = arith.addi %mul3A_328, %add3A_329 : i32
    "tpu.region"() ({
      %run_scoped3A = tpu.sem_alloc : memref<!tpu.dma_semaphore, #tpu.memory_space<semaphore_mem>>
      %dma_start3A_339 = arith.constant 0 : i32
      %dma_start3A_340 = tpu.memref_slice %arg6[%arg0, %add3A_330, %dma_start3A_339] : memref<2x10240x144xf32, #tpu.memory_space<hbm>> -> memref<1x128x144xf32, #tpu.memory_space<hbm>>
      %dma_start3A_341 = tpu.memref_squeeze %dma_start3A_340 : memref<1x128x144xf32, #tpu.memory_space<hbm>> -> memref<128x144xf32, #tpu.memory_space<hbm>>
      %dma_start3A_342 = arith.constant 0 : i32
      %dma_start3A_343 = tpu.memref_slice %arg16[%add3A_330, %dma_start3A_342] : memref<10240x144xf32, #tpu.memory_space<vmem_shared>> -> memref<128x144xf32, #tpu.memory_space<vmem_shared>>
      tpu.enqueue_dma source(%dma_start3A_343 : memref<128x144xf32, #tpu.memory_space<vmem_shared>>) target(%dma_start3A_341 : memref<128x144xf32, #tpu.memory_space<hbm>>) target_semaphore(%run_scoped3A : memref<!tpu.dma_semaphore, #tpu.memory_space<semaphore_mem>>)
      %dma_wait3A_344 = arith.constant 0 : i32
      %dma_wait3A_345 = tpu.memref_slice %arg6[%arg0, %add3A_330, %dma_wait3A_344] : memref<2x10240x144xf32, #tpu.memory_space<hbm>> -> memref<1x128x144xf32, #tpu.memory_space<hbm>>
      %dma_wait3A_346 = tpu.memref_squeeze %dma_wait3A_345 : memref<1x128x144xf32, #tpu.memory_space<hbm>> -> memref<128x144xf32, #tpu.memory_space<hbm>>
      %dma_wait3A_347 = arith.constant 0 : i32
      %dma_wait3A_348 = tpu.memref_slice %arg16[%add3A_330, %dma_wait3A_347] : memref<10240x144xf32, #tpu.memory_space<vmem_shared>> -> memref<128x144xf32, #tpu.memory_space<vmem_shared>>
      tpu.wait_dma2 semaphore(%run_scoped3A : memref<!tpu.dma_semaphore, #tpu.memory_space<semaphore_mem>>) src(%dma_wait3A_348 : memref<128x144xf32, #tpu.memory_space<vmem_shared>>) dst(%dma_wait3A_346 : memref<128x144xf32, #tpu.memory_space<hbm>>)
      tpu.yield
    }) : () -> ()
    %mul3A_331 = arith.constant 640 : i32
    %mul3A_332 = arith.muli %arg1, %mul3A_331 : i32
    %add3A_333 = arith.constant 384 : i32
    %add3A_334 = arith.addi %mul3A_332, %add3A_333 : i32
    "tpu.region"() ({
      %run_scoped3A = tpu.sem_alloc : memref<!tpu.dma_semaphore, #tpu.memory_space<semaphore_mem>>
      %dma_start3A_339 = arith.constant 0 : i32
      %dma_start3A_340 = tpu.memref_slice %arg6[%arg0, %add3A_334, %dma_start3A_339] : memref<2x10240x144xf32, #tpu.memory_space<hbm>> -> memref<1x128x144xf32, #tpu.memory_space<hbm>>
      %dma_start3A_341 = tpu.memref_squeeze %dma_start3A_340 : memref<1x128x144xf32, #tpu.memory_space<hbm>> -> memref<128x144xf32, #tpu.memory_space<hbm>>
      %dma_start3A_342 = arith.constant 0 : i32
      %dma_start3A_343 = tpu.memref_slice %arg16[%add3A_334, %dma_start3A_342] : memref<10240x144xf32, #tpu.memory_space<vmem_shared>> -> memref<128x144xf32, #tpu.memory_space<vmem_shared>>
      tpu.enqueue_dma source(%dma_start3A_343 : memref<128x144xf32, #tpu.memory_space<vmem_shared>>) target(%dma_start3A_341 : memref<128x144xf32, #tpu.memory_space<hbm>>) target_semaphore(%run_scoped3A : memref<!tpu.dma_semaphore, #tpu.memory_space<semaphore_mem>>)
      %dma_wait3A_344 = arith.constant 0 : i32
      %dma_wait3A_345 = tpu.memref_slice %arg6[%arg0, %add3A_334, %dma_wait3A_344] : memref<2x10240x144xf32, #tpu.memory_space<hbm>> -> memref<1x128x144xf32, #tpu.memory_space<hbm>>
      %dma_wait3A_346 = tpu.memref_squeeze %dma_wait3A_345 : memref<1x128x144xf32, #tpu.memory_space<hbm>> -> memref<128x144xf32, #tpu.memory_space<hbm>>
      %dma_wait3A_347 = arith.constant 0 : i32
      %dma_wait3A_348 = tpu.memref_slice %arg16[%add3A_334, %dma_wait3A_347] : memref<10240x144xf32, #tpu.memory_space<vmem_shared>> -> memref<128x144xf32, #tpu.memory_space<vmem_shared>>
      tpu.wait_dma2 semaphore(%run_scoped3A : memref<!tpu.dma_semaphore, #tpu.memory_space<semaphore_mem>>) src(%dma_wait3A_348 : memref<128x144xf32, #tpu.memory_space<vmem_shared>>) dst(%dma_wait3A_346 : memref<128x144xf32, #tpu.memory_space<hbm>>)
      tpu.yield
    }) : () -> ()
    %mul3A_335 = arith.constant 640 : i32
    %mul3A_336 = arith.muli %arg1, %mul3A_335 : i32
    %add3A_337 = arith.constant 512 : i32
    %add3A_338 = arith.addi %mul3A_336, %add3A_337 : i32
    "tpu.region"() ({
      %run_scoped3A = tpu.sem_alloc : memref<!tpu.dma_semaphore, #tpu.memory_space<semaphore_mem>>
      %dma_start3A_339 = arith.constant 0 : i32
      %dma_start3A_340 = tpu.memref_slice %arg6[%arg0, %add3A_338, %dma_start3A_339] : memref<2x10240x144xf32, #tpu.memory_space<hbm>> -> memref<1x128x144xf32, #tpu.memory_space<hbm>>
      %dma_start3A_341 = tpu.memref_squeeze %dma_start3A_340 : memref<1x128x144xf32, #tpu.memory_space<hbm>> -> memref<128x144xf32, #tpu.memory_space<hbm>>
      %dma_start3A_342 = arith.constant 0 : i32
      %dma_start3A_343 = tpu.memref_slice %arg16[%add3A_338, %dma_start3A_342] : memref<10240x144xf32, #tpu.memory_space<vmem_shared>> -> memref<128x144xf32, #tpu.memory_space<vmem_shared>>
      tpu.enqueue_dma source(%dma_start3A_343 : memref<128x144xf32, #tpu.memory_space<vmem_shared>>) target(%dma_start3A_341 : memref<128x144xf32, #tpu.memory_space<hbm>>) target_semaphore(%run_scoped3A : memref<!tpu.dma_semaphore, #tpu.memory_space<semaphore_mem>>)
      %dma_wait3A_344 = arith.constant 0 : i32
      %dma_wait3A_345 = tpu.memref_slice %arg6[%arg0, %add3A_338, %dma_wait3A_344] : memref<2x10240x144xf32, #tpu.memory_space<hbm>> -> memref<1x128x144xf32, #tpu.memory_space<hbm>>
      %dma_wait3A_346 = tpu.memref_squeeze %dma_wait3A_345 : memref<1x128x144xf32, #tpu.memory_space<hbm>> -> memref<128x144xf32, #tpu.memory_space<hbm>>
      %dma_wait3A_347 = arith.constant 0 : i32
      %dma_wait3A_348 = tpu.memref_slice %arg16[%add3A_338, %dma_wait3A_347] : memref<10240x144xf32, #tpu.memory_space<vmem_shared>> -> memref<128x144xf32, #tpu.memory_space<vmem_shared>>
      tpu.wait_dma2 semaphore(%run_scoped3A : memref<!tpu.dma_semaphore, #tpu.memory_space<semaphore_mem>>) src(%dma_wait3A_348 : memref<128x144xf32, #tpu.memory_space<vmem_shared>>) dst(%dma_wait3A_346 : memref<128x144xf32, #tpu.memory_space<hbm>>)
      tpu.yield
    }) : () -> ()
    return
  }
}

module attributes {stable_mosaic.version = 14 : i64} {
  func.func @_pre_body(%arg0: i32, %arg1: memref<1280x128xf32, #tpu.memory_space<vmem>>, %arg2: memref<128x128xf32, #tpu.memory_space<vmem>>, %arg3: memref<1x128xf32, #tpu.memory_space<vmem>>, %arg4: memref<1x128xf32, #tpu.memory_space<vmem>>, %arg5: memref<1280x144xf32, #tpu.memory_space<vmem>>, %arg6: memref<10240xf32, #tpu.memory_space<vmem>>, %arg7: memref<10240xf32, #tpu.memory_space<vmem>>) attributes {dimension_semantics = [#tpu.dimension_semantics<arbitrary>], iteration_bounds = array<i64: 8>, scalar_prefetch = 0 : i64, scratch_operands = 0 : i64, tpu.core_type = #tpu.core_type<tc>, window_params = [{transform_indices = @transform_0, window_bounds = array<i64: 1280, 128>}, {pipeline_mode = #tpu.pipeline_mode<synchronous>, transform_indices = @transform_1, window_bounds = array<i64: 128, 128>}, {pipeline_mode = #tpu.pipeline_mode<synchronous>, transform_indices = @transform_2, window_bounds = array<i64: 1, 128>}, {pipeline_mode = #tpu.pipeline_mode<synchronous>, transform_indices = @transform_3, window_bounds = array<i64: 1, 128>}, {transform_indices = @transform_4, window_bounds = array<i64: 1280, 144>}, {pipeline_mode = #tpu.pipeline_mode<synchronous>, transform_indices = @transform_5, window_bounds = array<i64: 10240>}, {pipeline_mode = #tpu.pipeline_mode<synchronous>, transform_indices = @transform_6, window_bounds = array<i64: 10240>}]} {
    %get3A = arith.constant 0 : index
    %get3A_0 = arith.constant 0 : index
    %get3A_1 = vector.load %arg1[%get3A, %get3A_0] : memref<1280x128xf32, #tpu.memory_space<vmem>>, vector<1280x128xf32>
    %get3A_2 = arith.constant 0 : index
    %get3A_3 = arith.constant 0 : index
    %get3A_4 = vector.load %arg2[%get3A_2, %get3A_3] : memref<128x128xf32, #tpu.memory_space<vmem>>, vector<128x128xf32>
    %dot_general3A = arith.constant dense<0.000000e+00> : vector<1280x128xf32>
    %dot_general3A_5 = tpu.matmul %get3A_1, %get3A_4, %dot_general3A {dimension_numbers = #tpu.dot_dimension_numbers<[1], [0], [0], [1], [0, 0, 1, 1], [], []>, transpose_lhs_hint = false} : vector<1280x128xf32>, vector<128x128xf32>, vector<1280x128xf32> -> vector<1280x128xf32>
    %get3A_6 = arith.constant 0 : index
    %get3A_7 = arith.constant 0 : index
    %get3A_8 = vector.load %arg3[%get3A_6, %get3A_7] : memref<1x128xf32, #tpu.memory_space<vmem>>, vector<1x128xf32>
    %mul3A = vector.broadcast %get3A_8 : vector<1x128xf32> to vector<1280x128xf32>
    %mul3A_9 = arith.mulf %dot_general3A_5, %mul3A : vector<1280x128xf32>
    %reduce_sum3A = arith.constant dense<0.000000e+00> : vector<1280xf32>
    %reduce_sum3A_10 = vector.multi_reduction <add>, %mul3A_9, %reduce_sum3A [1] : vector<1280x128xf32> to vector<1280xf32>
    %get3A_11 = arith.constant 0 : index
    %get3A_12 = arith.constant 0 : index
    %get3A_13 = vector.load %arg4[%get3A_11, %get3A_12] : memref<1x128xf32, #tpu.memory_space<vmem>>, vector<1x128xf32>
    %mul3A_14 = vector.broadcast %get3A_13 : vector<1x128xf32> to vector<1280x128xf32>
    %mul3A_15 = arith.mulf %dot_general3A_5, %mul3A_14 : vector<1280x128xf32>
    %reduce_sum3A_16 = arith.constant dense<0.000000e+00> : vector<1280xf32>
    %reduce_sum3A_17 = vector.multi_reduction <add>, %mul3A_15, %reduce_sum3A_16 [1] : vector<1280x128xf32> to vector<1280xf32>
    %swap3A = arith.constant 0 : index
    %swap3A_18 = arith.constant 0 : index
    %swap3A_19 = vector.load %arg5[%swap3A, %swap3A_18] : memref<1280x144xf32, #tpu.memory_space<vmem>>, vector<1280x128xf32>
    tpu.vector_store %arg5[%swap3A, %swap3A_18], %dot_general3A_5 {strides = array<i32>} : memref<1280x144xf32, #tpu.memory_space<vmem>>, vector<1280x128xf32>,
    %iota3A = tpu.iota {dimensions = array<i32: 1>} : vector<1280x16xi32>
    %eq3A = arith.constant 0 : i32
    %eq3A_20 = vector.broadcast %eq3A : i32 to vector<1280x16xi32>
    %eq3A_21 = arith.cmpi eq, %iota3A, %eq3A_20 : vector<1280x16xi32>
    %eq3A_22 = arith.constant 1 : i32
    %eq3A_23 = vector.broadcast %eq3A_22 : i32 to vector<1280x16xi32>
    %eq3A_24 = arith.cmpi eq, %iota3A, %eq3A_23 : vector<1280x16xi32>
    %broadcast_in_dim3A = vector.shape_cast %reduce_sum3A_10 : vector<1280xf32> to vector<1280x1xf32>
    %jit3A = arith.constant 0.000000e+00 : f32
    %broadcast_in_dim3A_25 = vector.shape_cast %broadcast_in_dim3A : vector<1280x1xf32> to vector<1280x1xf32>
    %broadcast_in_dim3A_26 = vector.broadcast %broadcast_in_dim3A_25 : vector<1280x1xf32> to vector<1280x16xf32>
    %broadcast_in_dim3A_27 = vector.broadcast %jit3A : f32 to vector<1280x16xf32>
    %select_n3A = arith.select %eq3A_24, %broadcast_in_dim3A_26, %broadcast_in_dim3A_27 : vector<1280x16xi1>, vector<1280x16xf32>
    %jit3A_28 = arith.constant 1.000000e+00 : f32
    %broadcast_in_dim3A_29 = vector.broadcast %jit3A_28 : f32 to vector<1280x16xf32>
    %select_n3A_30 = arith.select %eq3A_21, %broadcast_in_dim3A_29, %select_n3A : vector<1280x16xi1>, vector<1280x16xf32>
    %swap3A_31 = arith.constant 0 : index
    %swap3A_32 = arith.constant 128 : index
    %swap3A_33 = vector.load %arg5[%swap3A_31, %swap3A_32] : memref<1280x144xf32, #tpu.memory_space<vmem>>, vector<1280x16xf32>
    tpu.vector_store %arg5[%swap3A_31, %swap3A_32], %select_n3A_30 {strides = array<i32>} : memref<1280x144xf32, #tpu.memory_space<vmem>>, vector<1280x16xf32>,
    %mul3A_34 = arith.constant 1280 : i32
    %mul3A_35 = arith.muli %arg0, %mul3A_34 : i32
    %multiple_of3A = tpu.assume_multiple %mul3A_35, 128 : i32
    %swap3A_36 = arith.index_cast %multiple_of3A : i32 to index
    %swap3A_37 = vector.load %arg6[%swap3A_36] : memref<10240xf32, #tpu.memory_space<vmem>>, vector<1280xf32>
    tpu.vector_store %arg6[%swap3A_36], %reduce_sum3A_10 {strides = array<i32>} : memref<10240xf32, #tpu.memory_space<vmem>>, vector<1280xf32>,
    %mul3A_38 = arith.constant 1280 : i32
    %mul3A_39 = arith.muli %arg0, %mul3A_38 : i32
    %multiple_of3A_40 = tpu.assume_multiple %mul3A_39, 128 : i32
    %swap3A_41 = arith.index_cast %multiple_of3A_40 : i32 to index
    %swap3A_42 = vector.load %arg7[%swap3A_41] : memref<10240xf32, #tpu.memory_space<vmem>>, vector<1280xf32>
    tpu.vector_store %arg7[%swap3A_41], %reduce_sum3A_17 {strides = array<i32>} : memref<10240xf32, #tpu.memory_space<vmem>>, vector<1280xf32>,
    return
  }
  func.func @transform_0(%arg0: i32) -> (i32, i32) {
    %c0_i32 = arith.constant 0 : i32
    %c0_i32_0 = arith.constant 0 : i32
    return %arg0, %c0_i32 : i32, i32
  }
  func.func @transform_1(%arg0: i32) -> (i32, i32) {
    %c0_i32 = arith.constant 0 : i32
    %c0_i32_0 = arith.constant 0 : i32
    %c0_i32_1 = arith.constant 0 : i32
    return %c0_i32, %c0_i32_0 : i32, i32
  }
  func.func @transform_2(%arg0: i32) -> (i32, i32) {
    %c0_i32 = arith.constant 0 : i32
    %c0_i32_0 = arith.constant 0 : i32
    %c0_i32_1 = arith.constant 0 : i32
    return %c0_i32, %c0_i32_0 : i32, i32
  }
  func.func @transform_3(%arg0: i32) -> (i32, i32) {
    %c0_i32 = arith.constant 0 : i32
    %c0_i32_0 = arith.constant 0 : i32
    %c0_i32_1 = arith.constant 0 : i32
    return %c0_i32, %c0_i32_0 : i32, i32
  }
  func.func @transform_4(%arg0: i32) -> (i32, i32) {
    %c0_i32 = arith.constant 0 : i32
    %c0_i32_0 = arith.constant 0 : i32
    return %arg0, %c0_i32 : i32, i32
  }
  func.func @transform_5(%arg0: i32) -> i32 {
    %c0_i32 = arith.constant 0 : i32
    %c0_i32_0 = arith.constant 0 : i32
    return %c0_i32 : i32
  }
  func.func @transform_6(%arg0: i32) -> i32 {
    %c0_i32 = arith.constant 0 : i32
    %c0_i32_0 = arith.constant 0 : i32
    return %c0_i32 : i32
  }
}

module attributes {stable_mosaic.version = 14 : i64} {
  func.func @_post_body(%arg0: i32, %arg1: memref<2x1000x144xf32, #tpu.memory_space<vmem>>, %arg2: memref<128xf32, #tpu.memory_space<vmem>>, %arg3: memref<1000x128xf32, #tpu.memory_space<vmem>>) attributes {dimension_semantics = [#tpu.dimension_semantics<arbitrary>], iteration_bounds = array<i64: 10>, scalar_prefetch = 0 : i64, scratch_operands = 0 : i64, tpu.core_type = #tpu.core_type<tc>, window_params = [{transform_indices = @transform_0, window_bounds = array<i64: 2, 1000, 144>}, {pipeline_mode = #tpu.pipeline_mode<synchronous>, transform_indices = @transform_1, window_bounds = array<i64: 128>}, {transform_indices = @transform_2, window_bounds = array<i64: 1000, 128>}]} {
    %get3A = arith.constant 0 : index
    %get3A_0 = arith.constant 0 : index
    %get3A_1 = arith.constant 0 : index
    %get3A_2 = vector.load %arg1[%get3A, %get3A_0, %get3A_1] : memref<2x1000x144xf32, #tpu.memory_space<vmem>>, vector<2x1000x144xf32>
    %slice3A = vector.extract_strided_slice %get3A_2 {offsets = [0, 0, 0], sizes = [1, 1000, 144], strides = [1, 1, 1]} : vector<2x1000x144xf32> to vector<1x1000x144xf32>
    %squeeze3A = vector.shape_cast %slice3A : vector<1x1000x144xf32> to vector<1000x144xf32>
    %slice3A_3 = vector.extract_strided_slice %get3A_2 {offsets = [1, 0, 0], sizes = [1, 1000, 144], strides = [1, 1, 1]} : vector<2x1000x144xf32> to vector<1x1000x144xf32>
    %squeeze3A_4 = vector.shape_cast %slice3A_3 : vector<1x1000x144xf32> to vector<1000x144xf32>
    %add3A = arith.addf %squeeze3A, %squeeze3A_4 : vector<1000x144xf32>
    %slice3A_5 = vector.extract_strided_slice %add3A {offsets = [0, 0], sizes = [1000, 128], strides = [1, 1]} : vector<1000x144xf32> to vector<1000x128xf32>
    %slice3A_6 = vector.extract_strided_slice %add3A {offsets = [0, 128], sizes = [1000, 1], strides = [1, 1]} : vector<1000x144xf32> to vector<1000x1xf32>
    %add3A_7 = arith.constant 1.000000e-16 : f32
    %add3A_8 = vector.broadcast %add3A_7 : f32 to vector<1000x1xf32>
    %add3A_9 = arith.addf %slice3A_6, %add3A_8 : vector<1000x1xf32>
    %div3A = vector.broadcast %add3A_9 : vector<1000x1xf32> to vector<1000x128xf32>
    %div3A_10 = arith.divf %slice3A_5, %div3A : vector<1000x128xf32>
    %get3A_11 = arith.constant 0 : index
    %get3A_12 = vector.load %arg2[%get3A_11] : memref<128xf32, #tpu.memory_space<vmem>>, vector<128xf32>
    %broadcast_in_dim3A = vector.shape_cast %get3A_12 : vector<128xf32> to vector<1x128xf32>
    %add3A_13 = vector.broadcast %broadcast_in_dim3A : vector<1x128xf32> to vector<1000x128xf32>
    %add3A_14 = arith.addf %div3A_10, %add3A_13 : vector<1000x128xf32>
    %tanh3A = math.tanh %add3A_14 : vector<1000x128xf32>
    %swap3A = arith.constant 0 : index
    %swap3A_15 = arith.constant 0 : index
    %swap3A_16 = vector.load %arg3[%swap3A, %swap3A_15] : memref<1000x128xf32, #tpu.memory_space<vmem>>, vector<1000x128xf32>
    tpu.vector_store %arg3[%swap3A, %swap3A_15], %tanh3A {strides = array<i32>} : memref<1000x128xf32, #tpu.memory_space<vmem>>, vector<1000x128xf32>,
    return
  }
  func.func @transform_0(%arg0: i32) -> (i32, i32, i32) {
    %c0_i32 = arith.constant 0 : i32
    %c0_i32_0 = arith.constant 0 : i32
    %c0_i32_1 = arith.constant 0 : i32
    return %c0_i32, %arg0, %c0_i32_0 : i32, i32, i32
  }
  func.func @transform_1(%arg0: i32) -> i32 {
    %c0_i32 = arith.constant 0 : i32
    %c0_i32_0 = arith.constant 0 : i32
    return %c0_i32 : i32
  }
  func.func @transform_2(%arg0: i32) -> (i32, i32) {
    %c0_i32 = arith.constant 0 : i32
    %c0_i32_0 = arith.constant 0 : i32
    return %arg0, %c0_i32 : i32, i32
  }
}

</mosaic_0001>

<sc_bundles>
// kernel: kernel.5.cloned.1.call-start
scs
__scs_entry_jumppad:
0x0: {  	(pc) =	sbr.rel $0x88, $3  }
0x1: {  	(tag) =	ssettag $0x0;
	lr =	simm.s32 $0x1  }
0x2: {  	[smem:$0x3F9B] =	sst lr;
	_ =	strace $0xD0000000  }
0x3: {  	_ = 	snop  }
0x4: {  	_ = 	snop  }
0x5: {  	_ = 	snop  }
0x6: {  	_ = 	snop  }
0x7: {  	_ = 	snop  }
__scs_overlays_trampoline_lowered:
0x8: {  	[smem:$0x3FAA] =	sst s0  }
0x9: {  	[smem:$0x3FAB] =	sst s1  }
0xa: {  	[smem:$0x3FAC] =	sst s2  }
0xb: {  	[smem:$0x3FAD] =	sst s3  }
0xc: {  	[smem:$0x3FAE] =	sst s4  }
0xd: {  	[smem:$0x3FAF] =	sst s5  }
0xe: {  	[smem:$0x3FB0] =	sst s6  }
0xf: {  	[smem:$0x3FB1] =	sst s7  }
0x10: {  	[smem:$0x3FB2] =	sst s8  }
0x11: {  	[smem:$0x3FB3] =	sst s9;
	s0 =	simm.s32 @!p0 $0x0  }
0x12: {  	s1 =	sld [smem:$0x3F99];
	s0 =	simm.s32 @p0 $0x1  }
0x13: {  	[smem:$0x3FB4] =	sst s0;
	s0 =	simm.s32 @!p1 $0x0  }
0x14: {  	s2 =	sld [smem:$0x3F98];
	s0 =	simm.s32 @p1 $0x1  }
0x15: {  	[smem:$0x3FB5] =	sst s0;
	s0 =	simm.s32 @!p2 $0x0  }
0x16: {  	s3 =	sld [smem:$0x3FDB];
	s0 =	simm.s32 @p2 $0x1  }
0x17: {  	s4 =	simm.s32 $0x1BF5;
	[smem:$0x3FB7] =	sst s0  }
0x18: {  	s0 =	sld [smem:$0x3F9A];
	_ =	swait.ge [sflag:s4], $0x0  }
0x19: {  	s7 =	sld [smem:$0x3F9B]  }
0x1a: {  	s8 =	sadd.s32 $0xFFFFE003, lr  }
0x1b: {  	s9 =	sadd.s32 $0xFFFFFEF7, lr;
	s5 =	simm.s32 $0xFFFFFFFF;
	p2 =	slt.u32 s8, $0xFFFFF086  }
0x1c: {  	p1 =	slt.u32 s9, $0xF7A;
	s5 =	simm.s32 @!p2 $0x0  }
0x1d: {  	s5 =	simm.s32 @p1 $0x1;
	p0 =	seq.s32 s7, s2  }
0x1e: {  	s7 =	smul.u32 @!p0 $0xF7A, s2;
	p2 =	seq.s32 @!p0 s5, $0x0  }
0x1f: {  	s9 =	smul.u32 $0xF7A, s1;
	s8 =	simm.s32 @!p0 $0x1BF5;
	p2 =	por !p2, p0  }
0x20: {  	[sflag:s8] =	ssyncset.s32 @!p0 $0xFFFFF086;
	s6 =	sadd.s32 @!p0 s3, s7;
	s7 =	simm.s32 @!p0 $0x108  }
0x21: {  	s3 =	sadd.s32 s3, s9;
	s6 =	sadd.s32 @!p0 $0x88, s6;
	s7 =	simm.s32 @p2 $0x1082  }
0x22: {  	[simem:s7], [sflag:s8] =	dma.local @!p0 [hbm:s6], $0xF7A  }
0x23: {  	s9 =	sor.u32 $0xD0000000, s2;
	s6 =	simm.s32 $0x108;
	_ =	swait.ge @!p0 [sflag:s8], $0x0  }
0x24: {  	s3 =	sadd.s32 $0x88, s3;
	s6 =	simm.s32 @!p1 $0x1082;
	[sflag:s4] =	ssyncset.s32 $0xFFFFF086  }
0x25: {  	[simem:s6], [sflag:s4] =	dma.local [hbm:s3], $0xF7A  }
0x26: {  	[smem:$0x3F9B] =	sst s1;
	(tag) =	ssettag s2;
	_ =	strace s9  }
0x27: {  	s1 =	sld [smem:$0x3FAB]  }
0x28: {  	s2 =	sld [smem:$0x3FAC]  }
0x29: {  	s4 =	sld [smem:$0x3FAE]  }
0x2a: {  	p0 =	seq.s32 s5, $0x0;
	s5 =	sld [smem:$0x3FAF]  }
0x2b: {  	s6 =	sld [smem:$0x3FB0]  }
0x2c: {  	s7 =	sld [smem:$0x3FB1]  }
0x2d: {  	s3 =	simm.s32 $0x108;
	s8 =	sld [smem:$0x3FB2]  }
0x2e: {  	s3 =	simm.s32 @!p0 $0x1082;
	s9 =	sld [smem:$0x3FB3]  }
0x2f: {  	lr =	sadd.s32 s0, s3;
	s0 =	sld [smem:$0x3FAA]  }
0x30: {  	s3 =	sld [smem:$0x3FAD]  }
0x31: {  	[smem:$0x3FB6] =	sst s10  }
0x32: {  	s10 =	sld [smem:$0x3FB4];
	_ =	sdelay $0x3  }
0x33: {  	p0 =	seq.s32 s10, $0x1;
	s10 =	sld [smem:$0x3FB6];
	_ =	sdelay $0x3  }
0x34: {  	[smem:$0x3FB6] =	sst s10  }
0x35: {  	s10 =	sld [smem:$0x3FB5];
	_ =	sdelay $0x3  }
0x36: {  	p1 =	seq.s32 s10, $0x1;
	s10 =	sld [smem:$0x3FB6];
	_ =	sdelay $0x3  }
0x37: {  	[smem:$0x3FB6] =	sst s10  }
0x38: {  	s10 =	sld [smem:$0x3FB7]  }
0x39: {  	_ = 	snop;
	(pc) =	sbr.ind lr, $3  }
0x3a: {  	_ = 	snop  }
0x3b: {  	_ = 	snop  }
0x3c: {  	p2 =	seq.s32 s10, $0x1;
	s10 =	sld [smem:$0x3FB6]  }
0x3d: {  	_ =	shalt  }
0x3e: {  	_ =	shalt  }
0x3f: {  	_ =	shalt  }
0x40: {  	_ =	shalt  }
0x41: {  	_ =	shalt  }
0x42: {  	_ =	shalt  }
0x43: {  	_ =	shalt  }
0x44: {  	_ =	shalt  }
0x45: {  	_ =	shalt  }
0x46: {  	_ =	shalt  }
0x47: {  	_ =	shalt  }
0x48: {  	_ =	shalt  }
0x49: {  	_ =	shalt  }
0x4a: {  	_ =	shalt  }
0x4b: {  	_ =	shalt  }
0x4c: {  	_ =	shalt  }
0x4d: {  	_ =	shalt  }
0x4e: {  	_ =	shalt  }
0x4f: {  	_ =	shalt  }
0x50: {  	_ =	shalt  }
0x51: {  	_ =	shalt  }
0x52: {  	_ =	shalt  }
0x53: {  	_ =	shalt  }
0x54: {  	_ =	shalt  }
0x55: {  	_ =	shalt  }
0x56: {  	_ =	shalt  }
0x57: {  	_ =	shalt  }
0x58: {  	_ =	shalt  }
0x59: {  	_ =	shalt  }
0x5a: {  	_ =	shalt  }
0x5b: {  	_ =	shalt  }
0x5c: {  	_ =	shalt  }
0x5d: {  	_ =	shalt  }
0x5e: {  	_ =	shalt  }
0x5f: {  	_ =	shalt  }
0x60: {  	_ =	shalt  }
0x61: {  	_ =	shalt  }
0x62: {  	_ =	shalt  }
0x63: {  	_ =	shalt  }
0x64: {  	_ =	shalt  }
0x65: {  	_ =	shalt  }
0x66: {  	_ =	shalt  }
0x67: {  	_ =	shalt  }
0x68: {  	_ =	shalt  }
0x69: {  	_ =	shalt  }
0x6a: {  	_ =	shalt  }
0x6b: {  	_ =	shalt  }
0x6c: {  	_ =	shalt  }
0x6d: {  	_ =	shalt  }
0x6e: {  	_ =	shalt  }
0x6f: {  	_ =	shalt  }
0x70: {  	_ =	shalt  }
0x71: {  	_ =	shalt  }
0x72: {  	_ =	shalt  }
0x73: {  	_ =	shalt  }
0x74: {  	_ =	shalt  }
0x75: {  	_ =	shalt  }
0x76: {  	_ =	shalt  }
0x77: {  	_ =	shalt  }
0x78: {  	_ =	shalt  }
0x79: {  	_ =	shalt  }
0x7a: {  	_ =	shalt  }
0x7b: {  	_ =	shalt  }
0x7c: {  	_ =	shalt  }
0x7d: {  	_ =	shalt  }
0x7e: {  	_ =	shalt  }
0x7f: {  	_ =	shalt  }
0x80: {  	_ =	shalt  }
0x81: {  	_ =	shalt  }
0x82: {  	_ =	shalt  }
0x83: {  	_ =	shalt  }
0x84: {  	_ =	shalt  }
0x85: {  	_ =	shalt  }
0x86: {  	_ =	shalt  }
0x87: {  	_ =	shalt  }
.Lfunc_end0:
.L_simem_size_0:
called_computation_lowered:
.L_overlay_start_0:
0x88: {  	s2 =	sld [smem:$0x3FD9]  }
0x89: {  	s3 =	sld [smem:$0x3FFE];
	_ =	sdelay $0x1  }
0x8a: {  	s1 =	srdreg.scid  }
0x8b: {  	s0 =	sand.u32 $0x1, s1  }
0x8c: {  	s17 =	sshll.u32 s0, $0xA;
	s2 =	sadd.s32 s3, s2  }
0x8d: {  	s2 =	sadd.s32 s2, s17  }
0x8e: {  	[smem:$0x3FC2] =	sst s2  }
0x8f: {  	_ = 	snop  }
0x90: {  	s2 =	sld [smem:$0x3FD0];
	(tm) =	ssettm $0x1  }
0x91: {  	s18 =	sld [smem:$0x3FFB];
	_ =	sdelay $0x3  }
0x92: {  	_ =	strace s18  }
0x93: {  	s3 =	sld [smem:$0x3FFC];
	_ =	sdelay $0x3  }
0x94: {  	_ =	strace s3  }
0x95: {  	s3 =	sld [smem:$0x3FFD];
	_ =	sdelay $0x3  }
0x96: {  	_ =	strace s3  }
0x97: {  	_ =	strace $0x8FFFFFFF  }
0x98: {  	s19 =	sld [smem:$0x3FDB];
	_ =	sdelay $0x1  }
0x99: {  	s4 =	simm.s32 $_scs_section_size  }
0x9a: {  	s5 =	simm.s32 $_size__tile_overlayer_lowered;
	s6 =	simm.s32 $_tile_overlayer_lowered  }
0x9b: {  	s22 =	simm.s32 $0x1BFF;
	s21 =	sshll.u32 s6, $0x1;
	s3 =	sadd.s32 s4, s19  }
0x9c: {  	s7 =	simm.s32 $0x0;
	s20 =	sshll.u32 s5, $0x1;
	s5 =	sadd.s32 s21, s3  }
0x9d: {  	[timem:s7], [sflag:s22] =	dma.local [hbm:s5], s20  }
0x9e: {  	_ =	swait.ge [sflag:s22], s20  }
0x9f: {  	s4 =	ssub.s32 $0x0, s20;
	[sflag:s22] =	ssyncset.done $0x0  }
0xa0: {  	[sflag:s22] =	ssyncadd.s32 s4;
	_ =	sdelay $0x1  }
0xa1: {  	s23 =	simm.s32 $0x1B8B  }
0xa2: {  	_ =	swait.ge [sflag:s23], $0x1  }
0xa3: {  	[sflag:s23] =	ssyncset.done $0x0  }
0xa4: {  	s25 =	simm.s32 $0x1B8E;
	s24 =	sld [smem:$0x3FFE];
	[sflag:s23] =	ssyncadd.s32 $0xFFFFFFFF  }
0xa5: {  	s26 =	simm.s32 $execute0_lowered;
	[smem:$0x3FD2] =	sst s25  }
0xa6: {  	s5 =	sshll.u32 s26, $0x1;
	_ =	strace $0x80000046;
	[dreg:$0x1] =	wrdreg $0xFFFFFFFF  }
0xa7: {  	s28 =	simm.s32 $_size_execute0_lowered;
	s3 =	sadd.s32 s3, s5;
	[dreg:$0x0] =	wrdreg $0x0  }
0xa8: {  	s5 =	sshll.u32 s28, $0x1;
	[dreg:$0x2] =	wrdreg s3  }
0xa9: {  	[dreg:$0x3] =	wrdreg s5  }
0xaa: {  	[dreg:$0x4] =	wrdreg $0xC0  }
0xab: {  	_ =	task [dreg:s7], $0x5FFFF  }
0xac: {  	[dreg:$0x1] =	wrdreg $0xFFFFFFFF  }
0xad: {  	[dreg:$0x0] =	wrdreg $0x60  }
0xae: {  	[dreg:$0x2] =	wrdreg s24  }
0xaf: {  	[dreg:$0x3] =	wrdreg s2  }
0xb0: {  	[dreg:$0x4] =	wrdreg $0x94100  }
0xb1: {  	[dreg:$0x5] =	wrdreg $0x9  }
0xb2: {  	_ =	task.clear_ibuf [dreg:s7], $0x6FFFF;
	_ =	strace $0x90000046  }
0xb3: {  	s29 =	simm.s32 $0x9;
	_ =	strace $0x80000048  }
0xb4: {  	_ =	swait.ge [sflag:s29], $0x1  }
0xb5: {  	[sflag:s29] =	ssyncadd.s32 $0xFFFFFFFF  }
0xb6: {  	_ =	strace $0x90000048  }
0xb7: {  	_ =	sfence  }
0xb8: {  	s30 =	sld [smem:$0x0];
	_ =	sdelay $0x2  }
0xb9: {  	s31 =	sshll.u32 s1, $0xD;
	s1 =	sshrl.u32 s1, $0x2  }
0xba: {  	s3 =	sand.u32 $0x4000, s31;
	s1 =	sadd.s32 s1, s30  }
0xbb: {  	s0 =	sor.u32 s3, s0;
	s1 =	sshll.u32 s1, $0x11  }
0xbc: {  	s0 =	sor.u32 s1, s0  }
0xbd: {  	s0 =	sadd.s32 $0x8F2B, s0  }
0xbe: {  	[sflag:s0] =	ssyncadd.remote.s32 $0x1  }
0xbf: {  	_ =	sfence.sel $0xFFFF  }
0xc0: {  	[dreg:$0x0] =	wrdreg $0xFFFFFFFF;
	(pc) =	sbr.abs _section_cstart, $3  }
0xc1: {  	[dreg:$0x1] =	wrdreg $0xFFFFFFFF  }
0xc2: {  	_ =	task.clear_ibuf [dreg:s7], $0x2FFFF;
	_ =	strace $0x9FFFFFFF  }
0xc3: {  	(tm) =	ssettm $0x7FFFFFFF  }
tec
execute0_lowered:
.L_overlay_start_1:
0x0: {  	(tag) =	ssettag $0x1  }
0x1: {  	s0 =	rddreg [dreg:$0x0]  }
0x2: {  	s16 =	rddreg [dreg:$0x1]  }
0x3: {  	s2 =	rddreg [dreg:$0x2];
	s1 =	simm.s32 $0x0;
	s3 =	srdreg.scid  }
0x4: {  	s17 =	stileid.u32;
	s28 =	simm.s32 $0x80;
	s29 =	simm.s32 $0x2900  }
0x5: {  	s30 =	simm.s32 $0x10;
	s31 =	simm.s32 $0x90;
	[smem:$0x7FF] =	sst s1  }
0x6: {  	s5 =	sadd.s32 $0xC00, s0;
	s3 =	sand.u32 $0x1, s3;
	s6 =	sadd.s32 $0x600, s0  }
0x7: {  	s7 =	sadd.s32 $0x2DC00, s0;
	s8 =	smul.u32 $0x16800, s17;
	s0 =	sadd.s32 $0x2DE00, s0  }
0x8: {  	_ =	strace $0x80000047;
	s4 =	ssub.s32 $0x2, s3;
	[dreg:$0x4] =	wrdreg s7  }
0x9: {  	s19 =	sshll.u32 s3, $0x4;
	s3 =	smul.u32 $0x168000, s3;
	s18 =	sshrl.u32 s4, $0x1  }
0xa: {  	s7 =	sor.u32 s17, s19;
	s9 =	sadd.s32 s8, s2;
	s10 =	sadd.s32 $0x4800, s8  }
0xb: {  	s11 =	sadd.s32 $0x9000, s8;
	s12 =	sadd.s32 $0xD800, s8;
	s22 =	sadd.s32 $0x12000, s8  }
0xc: {  	s4 =	ssub.s32 s4, s18;
	s13 =	sadd.s32 s10, s2;
	[dreg:$0x5] =	wrdreg s9  }
0xd: {  	s1 =	smul.u32 $0x5200, s7;
	s20 =	sadd.s32 s11, s2;
	[dreg:$0x6] =	wrdreg s13  }
0xe: {  	s21 =	sadd.s32 s12, s2;
	s15 =	sadd.s32 s22, s2;
	[dreg:$0x7] =	wrdreg s20  }
0xf: {  	s24 =	sadd.s32 s8, s3;
	s25 =	sadd.s32 s3, s10;
	[dreg:$0x8] =	wrdreg s21  }
0x10: {  	s19 =	sadd.s32 s3, s12;
	[dreg:$0x9] =	wrdreg s15;
	s15 =	smul.u32 $0x2880, s7  }
0x11: {  	s7 =	sshrl.u32 s24, $0x3;
	s8 =	sshrl.u32 s25, $0x3;
	s14 =	sshrl.u32 s1, $0x3  }
0x12: {  	s17 =	smov.u32 s1;
	s18 =	sor.u32 $0x180, s1;
	s20 =	sadd.s32 s0, s7  }
0x13: {  	s21 =	sadd.s32 s0, s8;
	s7 =	simm.s32 $0x190;
	s8 =	simm.s32 $0x6  }
0x14: {  	v8 =	vlaneseq.u32;
	s1 =	simm.s32 $0x0;
	s14 =	sadd.s32 s16, s14;
	[dreg:$0xd] =	wrdreg s20  }
0x15: {  	v16 =	vimm.s32 $0x0;
	vm8 =	vcmask $0x300;
	v7 =	vmul.u32 $0xFFFFFFFF, v8;
	s26 =	sadd.s32 $0x80, s15;
	[dreg:$0xe] =	wrdreg s21;
	s20 =	simm.s32 $0x3  }
0x16: {  	v1 =	vimm.f32 $0.0e+00;
	v15 =	vmul.u32 $0x90, v8;
	v16 =	vsel vm8, $0x3, v16;
	s21 =	simm.s32 $0x310;
	[dreg:$0xa] =	wrdreg s14;
	s23 =	sadd.s32 $0x10, s14  }
0x17: {  	v0 =	vadd.s32 $0x508A0, v7;
	v2 =	vadd.s32 $0x508B0, v7;
	v3 =	vadd.s32 $0x508C0, v7;
	[dreg:$0xc] =	wrdreg s26;
	s14 =	sadd.s32 s3, s11;
	s3 =	sadd.s32 s3, s22  }
0x18: {  	v4 =	vadd.s32 $0x508D0, v7;
	v5 =	vadd.s32 $0x508E0, v7;
	v6 =	vadd.s32 $0x508F0, v7;
	s26 =	smax.u32 s4, $0x1;
	s4 =	simm.s32 $0x4C10;
	[dreg:$0xb] =	wrdreg s23  }
0x19: {  	v7 =	vadd.s32 $0x50900, v7;
	v8 =	vadd.s32 $0x81, v15;
	v10 =	vadd.s32 $0x1281, v15;
	s22 =	sshrl.u32 s14, $0x3;
	s23 =	sshrl.u32 s19, $0x3;
	s3 =	sshrl.u32 s3, $0x3  }
0x1a: {  	v11 =	vadd.s32 $0x1B81, v15;
	v12 =	vadd.s32 $0x2481, v15;
	v9 =	vmov s15;
	[dreg:$0x12] =	wrdreg s26;
	s26 =	simm.s32 $0x410;
	s19 =	simm.s32 $0x1  }
0x1b: {  	v13 =	vadd.s32 $0x2D81, v15;
	v14 =	vadd.s32 $0x3681, v15;
	vm0 =	vlt.u32 v9, v0;
	s14 =	simm.s32 $0x390;
	s24 =	sadd.s32 s0, s22;
	s25 =	sadd.s32 s0, s23  }
0x1c: {  	vm1 =	vlt.u32 v9, v2;
	vm2 =	vlt.u32 v9, v3;
	vm3 =	vlt.u32 v9, v4;
	s0 =	sadd.s32 s0, s3;
	s3 =	simm.s32 $0x110;
	[dreg:$0xf] =	wrdreg s24  }
0x1d: {  	vm4 =	vlt.u32 v9, v5;
	vm5 =	vlt.u32 v9, v6;
	vm6 =	vlt.u32 v9, v7;
	s22 =	simm.s32 $0x5;
	s23 =	simm.s32 $0x2;
	[dreg:$0x10] =	wrdreg s25  }
0x1e: {  	vm7 =	vlt.u32 v9, $0x50910;
	v9 =	vadd.s32 $0x981, v15;
	v15 =	vadd.s32 $0x3F81, v15;
	[dreg:$0x11] =	wrdreg s0;
	s25 =	simm.s32 $0x7;
	s24 =	simm.s32 $0x4  }
.LBB2_1:
0x1f: {  	[dreg:$0x13] =	wrdreg s1  }
0x20: {  	s0 =	simm.s32 $0x0;
	s13 =	rddreg [dreg:$0x4]  }
0x21: {  	[tilespmem:s0], [sflag:$0x7] =	stream.linear.gather [hbm4b:s13+s0], $0x10, $0x38;
	[tilespmem:$0x1FC10] =	vst v63  }
0x22: {  	_ =	swait.ge [sflag:s25], $0x10  }
0x23: {  	[sflag:s25] =	ssyncset.done $0x0  }
0x24: {  	s10 =	simm.s32 $0x240;
	s0 =	simm.s32 $0x0;
	[sflag:s25] =	ssyncadd.s32 $0xFFFFFFF0  }
.LBB2_2:
0x25: {  	p0 =	sne.s32 s10, $0x11DC0;
	[tilespmem:s0+$0x490] =	vst v1  }
0x26: {  	[tilespmem:s0+$0x410] =	vst v1  }
0x27: {  	[tilespmem:s0+$0x420] =	vst v1  }
0x28: {  	[tilespmem:s0+$0x430] =	vst v1  }
.Ltmp0:
0x29: {  	[tilespmem:s0+$0x440] =	vst v1;
	(pc) =	sbr.rel @p0 .LBB2_2-.Ltmp0, $4  }
0x2a: {  	[tilespmem:s0+$0x450] =	vst v1  }
0x2b: {  	[tilespmem:s0+$0x460] =	vst v1  }
0x2c: {  	[tilespmem:s0+$0x470] =	vst v1  }
0x2d: {  	[tilespmem:s0+$0x480] =	vst v1;
	s0 =	sshra.s32 s10, $0x2;
	s10 =	sadd.s32 $0x240, s10  }
0x2e: {  	[tilespmem:s0+$0x490] =	vst v1  }
0x2f: {  	[tilespmem:s0+$0x410] =	vst v1  }
0x30: {  	[tilespmem:s0+$0x420] =	vst v1  }
0x31: {  	[tilespmem:s0+$0x430] =	vst v1  }
0x32: {  	[tilespmem:s0+$0x440] =	vst v1  }
0x33: {  	[tilespmem:s0+$0x450] =	vst v1  }
0x34: {  	[tilespmem:s0+$0x460] =	vst v1  }
0x35: {  	[tilespmem:s0+$0x470] =	vst v1  }
0x36: {  	[tilespmem:s0+$0x480] =	vst v1  }
0x37: {  	[spmem:s9] =	stream.linear.scatter [tilespmem:s26], [sflag:$0x7], $0x4800, $0x38;
	[tilespmem:$0x1FC10] =	vst v63  }
0x38: {  	_ =	swait.ge [sflag:s25], $0x4800  }
0x39: {  	[sflag:s25] =	ssyncset.done $0x0  }
0x3a: {  	s12 =	rddreg [dreg:$0x6];
	[sflag:s25] =	ssyncadd.s32 $0xFFFFB800  }
0x3b: {  	[spmem:s12] =	stream.linear.scatter [tilespmem:s26], [sflag:$0x7], $0x4800, $0x38;
	[tilespmem:$0x1FC10] =	vst v63  }
0x3c: {  	_ =	swait.ge [sflag:s25], $0x4800  }
0x3d: {  	[sflag:s25] =	ssyncset.done $0x0  }
0x3e: {  	s13 =	rddreg [dreg:$0x7];
	[sflag:s25] =	ssyncadd.s32 $0xFFFFB800  }
0x3f: {  	[spmem:s13] =	stream.linear.scatter [tilespmem:s26], [sflag:$0x7], $0x4800, $0x38;
	[tilespmem:$0x1FC10] =	vst v63  }
0x40: {  	_ =	swait.ge [sflag:s25], $0x4800  }
0x41: {  	[sflag:s25] =	ssyncset.done $0x0  }
0x42: {  	s1 =	rddreg [dreg:$0x8];
	[sflag:s25] =	ssyncadd.s32 $0xFFFFB800  }
0x43: {  	[spmem:s1] =	stream.linear.scatter [tilespmem:s26], [sflag:$0x7], $0x4800, $0x38;
	[tilespmem:$0x1FC10] =	vst v63  }
0x44: {  	_ =	swait.ge [sflag:s25], $0x4800  }
0x45: {  	[sflag:s25] =	ssyncset.done $0x0  }
0x46: {  	s9 =	rddreg [dreg:$0x9];
	[sflag:s25] =	ssyncadd.s32 $0xFFFFB800  }
0x47: {  	[spmem:s9] =	stream.linear.scatter [tilespmem:s26], [sflag:$0x7], $0x4800, $0x38;
	[tilespmem:$0x1FC10] =	vst v63  }
0x48: {  	_ =	swait.ge [sflag:s25], $0x4800  }
0x49: {  	[sflag:s25] =	ssyncset.done $0x0  }
0x4a: {  	[sflag:s25] =	ssyncadd.s32 $0xFFFFB800  }
0x4b: {  	[bflag:$0x0] =	sbarrier.arrive $0xFFFF  }
0x4c: {  	s10 =	rddreg [dreg:$0xa]  }
0x4d: {  	v17 =	vld [tilespmem:$0x0];
	[tilespmem:s30], [sflag:$0x7] =	stream.strided.gather [hbm4b:s10+s28], $0x100, s29, s28, $0x38  }
0x4e: {  	_ =	swait.ge [sflag:s25], $0x100  }
0x4f: {  	[sflag:s25] =	ssyncset.done $0x0  }
0x50: {  	[sflag:s25] =	ssyncadd.s32 $0xFFFFFF00  }
0x51: {  	[tilespmem:s26], [sflag:$0x1] =	stream.indirect.gather [hbm4b:s5+s28], $0x90, s30, s28, $0xb8;
	[tilespmem:$0x1FC10] =	vst v63  }
0x52: {  	s11 =	simm.s32 $0x210  }
0x53: {  	[tilespmem:s11], [sflag:$0x3] =	stream.indirect.gather [hbm4b:s6+s28], $0x1, s31, s28, $0xb8;
	[tilespmem:$0x1FC10] =	vst v63  }
0x54: {  	s12 =	rddreg [dreg:$0xb]  }
0x55: {  	[tilespmem:s3], [sflag:$0x7] =	stream.strided.gather [hbm4b:s12+s28], $0x100, s29, s28, $0x38;
	[tilespmem:$0x1FC10] =	vst v63  }
0x56: {  	_ =	swait.ge [sflag:s25], $0x100  }
0x57: {  	[sflag:s25] =	ssyncset.done $0x0  }
0x58: {  	[sflag:s25] =	ssyncadd.s32 $0xFFFFFF00  }
0x59: {  	[tilespmem:s4], [sflag:$0x2] =	stream.indirect.gather [hbm4b:s5+s28], $0x90, s3, s28, $0xb8;
	[tilespmem:$0x1FC10] =	vst v63  }
0x5a: {  	s13 =	simm.s32 $0x290  }
0x5b: {  	[tilespmem:s13], [sflag:$0x4] =	stream.indirect.gather [hbm4b:s6+s28], $0x1, s7, s28, $0xb8;
	[tilespmem:$0x1FC10] =	vst v63  }
0x5c: {  	_ =	swait.ge [sflag:s19], $0x4800  }
0x5d: {  	[sflag:s19] =	ssyncset.done $0x0  }
0x5e: {  	[sflag:s19] =	ssyncadd.s32 $0xFFFFB800  }
0x5f: {  	_ =	swait.ge [sflag:s20], $0x80  }
0x60: {  	[sflag:s20] =	ssyncset.done $0x0  }
0x61: {  	[sflag:s20] =	ssyncadd.s32 $0xFFFFFF80  }
0x62: {  	v18 =	vld.idx.msk [tilespmem:v8+s26+$0x0], $0xffff  }
0x63: {  	v19 =	vld [tilespmem:$0x210];
	_ =	sdelay $0x4  }
0x64: {  	v18 =	vadd.f32 v19, v18;
	_ =	sdelay $0x1  }
0x65: {  	v19 =	vmul.f32 $2.000000030e-01, v18  }
0x66: {  	vm8 =	vgt.f32 v18, $0.0e+00  }
0x67: {  	v18 =	vsel vm8, v18, v19  }
0x68: {  	v18 =	vsub.f32 v18, v17;
	_ =	sdelay $0x1  }
0x69: {  	v18 =	vmul.f32 $1.442695020e+00, v18;
	_ =	sdelay $0x1  }
0x6a: {  	(erf) = vpow2.f32 v18;
	_ =	sdelay $0x8  }
0x6b: {  	v18 =	vpop (erf)  }
0x6c: {  	v18 =	vnsel vm7, $0x0, v18  }
0x6d: {  	v19 =	vld [tilespmem:$0x220];
	[tilespmem:$0x310] =	vst v18  }
0x6e: {  	v18 =	vld.idx.msk [tilespmem:v9+s26+$0x0], $0xffff;
	_ =	sdelay $0x4  }
0x6f: {  	v18 =	vadd.f32 v19, v18;
	_ =	sdelay $0x1  }
0x70: {  	v19 =	vmul.f32 $2.000000030e-01, v18  }
0x71: {  	vm8 =	vgt.f32 v18, $0.0e+00  }
0x72: {  	v18 =	vsel vm8, v18, v19  }
0x73: {  	v18 =	vsub.f32 v18, v17;
	_ =	sdelay $0x1  }
0x74: {  	v18 =	vmul.f32 $1.442695020e+00, v18;
	_ =	sdelay $0x1  }
0x75: {  	(erf) = vpow2.f32 v18;
	_ =	sdelay $0x8  }
0x76: {  	v18 =	vpop (erf)  }
0x77: {  	v18 =	vnsel vm6, $0x0, v18  }
0x78: {  	v19 =	vld [tilespmem:$0x230];
	[tilespmem:$0x320] =	vst v18  }
0x79: {  	v18 =	vld.idx.msk [tilespmem:v10+s26+$0x0], $0xffff;
	_ =	sdelay $0x4  }
0x7a: {  	v18 =	vadd.f32 v19, v18;
	_ =	sdelay $0x1  }
0x7b: {  	v19 =	vmul.f32 $2.000000030e-01, v18  }
0x7c: {  	vm8 =	vgt.f32 v18, $0.0e+00  }
0x7d: {  	v18 =	vsel vm8, v18, v19  }
0x7e: {  	v18 =	vsub.f32 v18, v17;
	_ =	sdelay $0x1  }
0x7f: {  	v18 =	vmul.f32 $1.442695020e+00, v18;
	_ =	sdelay $0x1  }
0x80: {  	(erf) = vpow2.f32 v18;
	_ =	sdelay $0x8  }
0x81: {  	v18 =	vpop (erf)  }
0x82: {  	v18 =	vnsel vm5, $0x0, v18  }
0x83: {  	v19 =	vld [tilespmem:$0x240];
	[tilespmem:$0x330] =	vst v18  }
0x84: {  	v18 =	vld.idx.msk [tilespmem:v11+s26+$0x0], $0xffff;
	_ =	sdelay $0x4  }
0x85: {  	v18 =	vadd.f32 v19, v18;
	_ =	sdelay $0x1  }
0x86: {  	v19 =	vmul.f32 $2.000000030e-01, v18  }
0x87: {  	vm8 =	vgt.f32 v18, $0.0e+00  }
0x88: {  	v18 =	vsel vm8, v18, v19  }
0x89: {  	v18 =	vsub.f32 v18, v17;
	_ =	sdelay $0x1  }
0x8a: {  	v18 =	vmul.f32 $1.442695020e+00, v18;
	_ =	sdelay $0x1  }
0x8b: {  	(erf) = vpow2.f32 v18;
	_ =	sdelay $0x8  }
0x8c: {  	v18 =	vpop (erf)  }
0x8d: {  	v18 =	vnsel vm4, $0x0, v18  }
0x8e: {  	v19 =	vld [tilespmem:$0x250];
	[tilespmem:$0x340] =	vst v18  }
0x8f: {  	v18 =	vld.idx.msk [tilespmem:v12+s26+$0x0], $0xffff;
	_ =	sdelay $0x4  }
0x90: {  	v18 =	vadd.f32 v19, v18;
	_ =	sdelay $0x1  }
0x91: {  	v19 =	vmul.f32 $2.000000030e-01, v18  }
0x92: {  	vm8 =	vgt.f32 v18, $0.0e+00  }
0x93: {  	v18 =	vsel vm8, v18, v19  }
0x94: {  	v18 =	vsub.f32 v18, v17;
	_ =	sdelay $0x1  }
0x95: {  	v18 =	vmul.f32 $1.442695020e+00, v18;
	_ =	sdelay $0x1  }
0x96: {  	(erf) = vpow2.f32 v18;
	_ =	sdelay $0x8  }
0x97: {  	v18 =	vpop (erf)  }
0x98: {  	v18 =	vnsel vm3, $0x0, v18  }
0x99: {  	v19 =	vld [tilespmem:$0x260];
	[tilespmem:$0x350] =	vst v18  }
0x9a: {  	v18 =	vld.idx.msk [tilespmem:v13+s26+$0x0], $0xffff;
	_ =	sdelay $0x4  }
0x9b: {  	v18 =	vadd.f32 v19, v18;
	_ =	sdelay $0x1  }
0x9c: {  	v19 =	vmul.f32 $2.000000030e-01, v18  }
0x9d: {  	vm8 =	vgt.f32 v18, $0.0e+00  }
0x9e: {  	v18 =	vsel vm8, v18, v19  }
0x9f: {  	v18 =	vsub.f32 v18, v17;
	_ =	sdelay $0x1  }
0xa0: {  	v18 =	vmul.f32 $1.442695020e+00, v18;
	_ =	sdelay $0x1  }
0xa1: {  	(erf) = vpow2.f32 v18;
	_ =	sdelay $0x8  }
0xa2: {  	v18 =	vpop (erf)  }
0xa3: {  	v18 =	vnsel vm2, $0x0, v18  }
0xa4: {  	v19 =	vld [tilespmem:$0x270];
	[tilespmem:$0x360] =	vst v18  }
0xa5: {  	v18 =	vld.idx.msk [tilespmem:v14+s26+$0x0], $0xffff;
	_ =	sdelay $0x4  }
0xa6: {  	v18 =	vadd.f32 v19, v18;
	_ =	sdelay $0x1  }
0xa7: {  	v19 =	vmul.f32 $2.000000030e-01, v18  }
0xa8: {  	vm8 =	vgt.f32 v18, $0.0e+00  }
0xa9: {  	v18 =	vsel vm8, v18, v19  }
0xaa: {  	v18 =	vsub.f32 v18, v17;
	_ =	sdelay $0x1  }
0xab: {  	v18 =	vmul.f32 $1.442695020e+00, v18;
	_ =	sdelay $0x1  }
0xac: {  	(erf) = vpow2.f32 v18;
	_ =	sdelay $0x8  }
0xad: {  	v18 =	vpop (erf)  }
0xae: {  	v18 =	vnsel vm1, $0x0, v18  }
0xaf: {  	v19 =	vld [tilespmem:$0x280];
	[tilespmem:$0x370] =	vst v18  }
0xb0: {  	v18 =	vld.idx.msk [tilespmem:v15+s26+$0x0], $0xffff;
	_ =	sdelay $0x4  }
0xb1: {  	v18 =	vadd.f32 v19, v18;
	_ =	sdelay $0x1  }
0xb2: {  	v19 =	vmul.f32 $2.000000030e-01, v18  }
0xb3: {  	vm8 =	vgt.f32 v18, $0.0e+00  }
0xb4: {  	v18 =	vsel vm8, v18, v19  }
0xb5: {  	v18 =	vsub.f32 v18, v17  }
0xb6: {  	s10 =	simm.s32 $0x2  }
0xb7: {  	v20 =	vmov s10;
	v18 =	vmul.f32 $1.442695020e+00, v18  }
0xb8: {  	v20 =	vshrl.u32 v20, $0x3  }
0xb9: {  	v20 =	vshll.u32 v20, v16;
	(erf) = vpow2.f32 v18  }
0xba: {  	v20 =	vadd.s32 $0x2, v20  }
0xbb: {  	s1 =	simm.s32 $0x0;
	s9 =	simm.s32 $0x1;
	v20 =	vbroadcast v20, $0x0;
	s11 =	simm.s32 $0x3  }
0xbc: {  	v21 =	vmov s11;
	v19 =	vmov s9;
	v18 =	vmov s1  }
0xbd: {  	s12 =	simm.s32 $0x4;
	v21 =	vshrl.u32 v21, $0x3;
	v19 =	vshrl.u32 v19, $0x3;
	v18 =	vshrl.u32 v18, $0x3  }
0xbe: {  	v22 =	vmov s12;
	v19 =	vshll.u32 v19, v16;
	v18 =	vshll.u32 v18, v16  }
0xbf: {  	v21 =	vshll.u32 v21, v16;
	s13 =	simm.s32 $0x7;
	v19 =	vadd.s32 $0x1, v19;
	v18 =	vbroadcast v18, $0x0  }
0xc0: {  	v22 =	vshrl.u32 v22, $0x3;
	v23 =	vmov s13;
	v19 =	vbroadcast v19, $0x0  }
0xc1: {  	v21 =	vadd.s32 $0x3, v21;
	v22 =	vshll.u32 v22, v16;
	v23 =	vshrl.u32 v23, $0x3  }
0xc2: {  	v21 =	vbroadcast v21, $0x0;
	v22 =	vadd.s32 $0x4, v22;
	v23 =	vshll.u32 v23, v16;
	v24 =	vpop (erf)  }
0xc3: {  	v22 =	vbroadcast v22, $0x0;
	v23 =	vadd.s32 $0x7, v23;
	v24 =	vnsel vm0, $0x0, v24  }
0xc4: {  	v23 =	vbroadcast v23, $0x0;
	[tilespmem:$0x380] =	vst v24  }
0xc5: {  	v24 =	vld.idx.msk [tilespmem:v18+s21+$0x0], $0xffff  }
0xc6: {  	v25 =	vld.idx.msk [tilespmem:v19+s21+$0x0], $0xffff  }
0xc7: {  	v26 =	vld.idx.msk [tilespmem:v20+s21+$0x0], $0xffff  }
0xc8: {  	v20 =	vld.idx.msk [tilespmem:v21+s21+$0x0], $0xffff  }
0xc9: {  	v19 =	vld.idx.msk [tilespmem:v22+s21+$0x0], $0xffff  }
0xca: {  	s10 =	simm.s32 $0x650;
	v18 =	vld.idx.msk [tilespmem:v23+s21+$0x0], $0xffff  }
0xcb: {  	v21 =	vld [tilespmem:s10+$0x230]  }
0xcc: {  	v22 =	vld [tilespmem:s10+$0xFFFFFDC0]  }
0xcd: {  	v23 =	vld [tilespmem:s10+$0xFFFFFDD0]  }
0xce: {  	v27 =	vld [tilespmem:s10+$0xFFFFFDE0]  }
0xcf: {  	v28 =	vld [tilespmem:s10+$0xFFFFFDF0]  }
0xd0: {  	v33 =	vld [tilespmem:s10+$0xFFFFFE60]  }
0xd1: {  	v29 =	vld [tilespmem:s10+$0xFFFFFE00]  }
0xd2: {  	v32 =	vld [tilespmem:s10+$0xFFFFFE50];
	v21 =	vmul.f32 v21, v18  }
0xd3: {  	v30 =	vld [tilespmem:s10+$0xFFFFFE10];
	v22 =	vmul.f32 v22, v24  }
0xd4: {  	v31 =	vld [tilespmem:s10+$0xFFFFFE20];
	v23 =	vmul.f32 v23, v24;
	[tilespmem:s10+$0x230] =	vst v21  }
0xd5: {  	v50 =	vld [tilespmem:s10+$0x10];
	v33 =	vmul.f32 v33, v25;
	[tilespmem:s10+$0xFFFFFDC0] =	vst v22  }
0xd6: {  	v34 =	vld [tilespmem:s10+$0xFFFFFE70];
	v27 =	vmul.f32 v27, v24;
	[tilespmem:s10+$0xFFFFFDD0] =	vst v23  }
0xd7: {  	v35 =	vld [tilespmem:s10+$0xFFFFFE80];
	v21 =	vmul.f32 v32, v25;
	[tilespmem:s10+$0xFFFFFE60] =	vst v33  }
0xd8: {  	v28 =	vmul.f32 v28, v24;
	v23 =	vld [tilespmem:s10+$0xFFFFFEC0];
	[tilespmem:s10+$0xFFFFFDE0] =	vst v27  }
0xd9: {  	v27 =	vmul.f32 v29, v24;
	[tilespmem:s10+$0xFFFFFE50] =	vst v21;
	v21 =	vld [tilespmem:s10+$0xFFFFFE30]  }
0xda: {  	v42 =	vld [tilespmem:s10+$0xFFFFFE40];
	v52 =	vmul.f32 v50, v19;
	[tilespmem:s10+$0xFFFFFDF0] =	vst v28  }
0xdb: {  	v28 =	vmul.f32 v30, v24;
	[tilespmem:s10+$0xFFFFFE00] =	vst v27;
	v27 =	vmul.f32 v31, v24;
	v31 =	vld [tilespmem:s10+$0xFFFFFEF0]  }
0xdc: {  	v36 =	vld [tilespmem:s10+$0xFFFFFE90];
	[tilespmem:s10+$0x10] =	vst v52  }
0xdd: {  	v41 =	vld [tilespmem:s10+$0xFFFFFEA0];
	[tilespmem:s10+$0xFFFFFE10] =	vst v28;
	v23 =	vmul.f32 v23, v25  }
0xde: {  	[tilespmem:s10+$0xFFFFFE20] =	vst v27;
	v27 =	vld [tilespmem:s10+$0xFFFFFF10];
	v21 =	vmul.f32 v21, v24  }
0xdf: {  	v43 =	vld [tilespmem:s10+$0xFFFFFF20];
	v24 =	vmul.f32 v42, v24;
	[tilespmem:s10+$0xFFFFFEC0] =	vst v23  }
0xe0: {  	v44 =	vld [tilespmem:s10+$0xFFFFFF30];
	v31 =	vmul.f32 v31, v26;
	[tilespmem:s10+$0xFFFFFE30] =	vst v21  }
0xe1: {  	v22 =	vld [tilespmem:s10+$0xFFFFFEB0];
	v21 =	vmul.f32 v34, v25;
	[tilespmem:s10+$0xFFFFFE40] =	vst v24  }
0xe2: {  	v45 =	vld [tilespmem:s10+$0xFFFFFF40];
	v24 =	vmul.f32 v35, v25;
	[tilespmem:s10+$0xFFFFFEF0] =	vst v31  }
0xe3: {  	v29 =	vld [tilespmem:s10+$0xFFFFFED0];
	v27 =	vmul.f32 v27, v26;
	[tilespmem:s10+$0xFFFFFE70] =	vst v21  }
0xe4: {  	v47 =	vld [tilespmem:s10+$0xFFFFFF50];
	v21 =	vmul.f32 v36, v25;
	[tilespmem:s10+$0xFFFFFE80] =	vst v24  }
0xe5: {  	v46 =	vld [tilespmem:s10+$0xFFFFFF70];
	v24 =	vmul.f32 v41, v25;
	[tilespmem:s10+$0xFFFFFF10] =	vst v27  }
0xe6: {  	[tilespmem:s10+$0xFFFFFE90] =	vst v21;
	v21 =	vmul.f32 v22, v25;
	v22 =	vld [tilespmem:s10+$0xFFFFFF80]  }
0xe7: {  	v28 =	vld [tilespmem:s10+$0xFFFFFF00];
	v27 =	vmul.f32 v44, v26;
	[tilespmem:s10+$0xFFFFFEA0] =	vst v24  }
0xe8: {  	v30 =	vld [tilespmem:s10+$0xFFFFFEE0];
	[tilespmem:s10+$0xFFFFFEB0] =	vst v21;
	v21 =	vmul.f32 v29, v25  }
0xe9: {  	v48 =	vld [tilespmem:s10+$0xFFFFFFF0];
	[tilespmem:s10+$0xFFFFFF30] =	vst v27;
	v27 =	vmul.f32 v47, v26  }
0xea: {  	v24 =	vld [tilespmem:s10+$0xFFFFFF90];
	[tilespmem:s10+$0xFFFFFED0] =	vst v21;
	v21 =	vmul.f32 v46, v20  }
0xeb: {  	v49 =	vld [tilespmem:s10+$0x0];
	[tilespmem:s10+$0xFFFFFF50] =	vst v27;
	v22 =	vmul.f32 v22, v20  }
0xec: {  	v25 =	vld [tilespmem:s10+$0xFFFFFFA0];
	[tilespmem:s10+$0xFFFFFF70] =	vst v21;
	v21 =	vmul.f32 v28, v26  }
0xed: {  	s1 =	simm.s32 $0x5;
	v23 =	vmul.f32 v30, v26;
	v31 =	vld [tilespmem:s10+$0xFFFFFF60];
	[tilespmem:s10+$0xFFFFFF80] =	vst v22  }
0xee: {  	v27 =	vld [tilespmem:s10+$0x40];
	v22 =	vmov s1;
	[tilespmem:s10+$0xFFFFFF00] =	vst v21;
	v21 =	vmul.f32 v43, v26  }
0xef: {  	v51 =	vld [tilespmem:s10+$0x20];
	[tilespmem:s10+$0xFFFFFEE0] =	vst v23;
	v24 =	vmul.f32 v24, v20;
	v22 =	vshrl.u32 v22, $0x3  }
0xf0: {  	v28 =	vld [tilespmem:s10+$0xFFFFFFE0];
	v22 =	vshll.u32 v22, v16;
	[tilespmem:s10+$0xFFFFFF20] =	vst v21;
	v21 =	vmul.f32 v45, v26  }
0xf1: {  	v29 =	vld [tilespmem:s10+$0xFFFFFFB0];
	v25 =	vmul.f32 v25, v20;
	[tilespmem:s10+$0xFFFFFF90] =	vst v24;
	v22 =	vadd.s32 $0x5, v22  }
0xf2: {  	v30 =	vld [tilespmem:s10+$0xFFFFFFC0];
	v22 =	vbroadcast v22, $0x0;
	[tilespmem:s10+$0xFFFFFF40] =	vst v21;
	v21 =	vmul.f32 v31, v26  }
0xf3: {  	v23 =	vld [tilespmem:s10+$0xFFFFFFD0];
	v27 =	vmul.f32 v27, v19;
	[tilespmem:s10+$0xFFFFFFA0] =	vst v25  }
0xf4: {  	v53 =	vld [tilespmem:s10+$0xB0];
	[tilespmem:s10+$0xFFFFFF60] =	vst v21;
	v21 =	vmul.f32 v49, v19  }
0xf5: {  	v25 =	vld [tilespmem:s10+$0x70];
	[tilespmem:s10+$0x40] =	vst v27;
	v28 =	vmul.f32 v28, v20  }
0xf6: {  	v26 =	vld [tilespmem:s10+$0x30];
	[tilespmem:s10+$0x0] =	vst v21;
	v21 =	vmul.f32 v29, v20  }
0xf7: {  	v31 =	vld [tilespmem:s10+$0x50];
	[tilespmem:s10+$0xFFFFFFE0] =	vst v28;
	v29 =	vmul.f32 v30, v20  }
0xf8: {  	s9 =	simm.s32 $0x6;
	v22 =	vld.idx.msk [tilespmem:v22+s21+$0x0], $0xffff;
	[tilespmem:s10+$0xFFFFFFB0] =	vst v21;
	v21 =	vmul.f32 v23, v20  }
0xf9: {  	v28 =	vmul.f32 v51, v19;
	v30 =	vmov s9;
	[tilespmem:s10+$0xFFFFFFC0] =	vst v29;
	v29 =	vld [tilespmem:s10+$0x90]  }
0xfa: {  	v30 =	vshrl.u32 v30, $0x3;
	v20 =	vmul.f32 v48, v20;
	[tilespmem:s10+$0xFFFFFFD0] =	vst v21;
	v21 =	vld [tilespmem:s10+$0xA0]  }
0xfb: {  	v24 =	vld [tilespmem:s10+$0x60];
	v25 =	vmul.f32 v25, v19;
	[tilespmem:s10+$0x20] =	vst v28;
	v30 =	vshll.u32 v30, v16  }
0xfc: {  	v23 =	vld [tilespmem:s10+$0x80];
	v30 =	vadd.s32 $0x6, v30;
	[tilespmem:s10+$0xFFFFFFF0] =	vst v20;
	v20 =	vmul.f32 v26, v19  }
0xfd: {  	v27 =	vld [tilespmem:s10+$0xF0];
	[tilespmem:s10+$0x70] =	vst v25;
	v31 =	vmul.f32 v31, v19;
	v30 =	vbroadcast v30, $0x0  }
0xfe: {  	v28 =	vld [tilespmem:s10+$0xD0];
	[tilespmem:s10+$0x30] =	vst v20;
	v20 =	vmul.f32 v29, v22  }
0xff: {  	[tilespmem:s10+$0x50] =	vst v31;
	v26 =	vld [tilespmem:s10+$0xC0];
	v21 =	vmul.f32 v21, v22  }
0x100: {  	v25 =	vld [tilespmem:s10+$0x120];
	[tilespmem:s10+$0x90] =	vst v20;
	v20 =	vmul.f32 v24, v19  }
0x101: {  	v29 =	vld [tilespmem:s10+$0xE0];
	v19 =	vmul.f32 v23, v19;
	v23 =	vmul.f32 v53, v22;
	[tilespmem:s10+$0xA0] =	vst v21  }
0x102: {  	s11 =	simm.s32 $0x8;
	s1 =	simm.s32 $0xB;
	v24 =	vld [tilespmem:s10+$0x100];
	[tilespmem:s10+$0x60] =	vst v20  }
0x103: {  	v55 =	vmov s1;
	s9 =	simm.s32 $0xC;
	v54 =	vld.idx.msk [tilespmem:v30+s21+$0x0], $0xffff;
	v21 =	vmov s11;
	[tilespmem:s10+$0xB0] =	vst v23;
	v23 =	vmul.f32 v28, v22  }
0x104: {  	s13 =	simm.s32 $0xA;
	v56 =	vmov s9;
	v20 =	vld [tilespmem:s10+$0x110];
	[tilespmem:s10+$0x80] =	vst v19;
	v19 =	vshrl.u32 v21, $0x3;
	v21 =	vmul.f32 v26, v22  }
0x105: {  	s12 =	simm.s32 $0x9;
	v59 =	vshrl.u32 v56, $0x3;
	v31 =	vmov s13;
	s13 =	simm.s32 $0xE;
	v26 =	vld [tilespmem:s10+$0x130];
	[tilespmem:s10+$0xD0] =	vst v23;
	v23 =	vmul.f32 v27, v22  }
0x106: {  	v58 =	vmov s13;
	v30 =	vmov s12;
	s12 =	simm.s32 $0xD;
	v28 =	vld [tilespmem:s10+$0x140];
	[tilespmem:s10+$0xC0] =	vst v21;
	v21 =	vmul.f32 v29, v22  }
0x107: {  	v57 =	vmov s12;
	v30 =	vshrl.u32 v30, $0x3;
	v29 =	vld [tilespmem:s10+$0x150];
	[tilespmem:s10+$0xF0] =	vst v23;
	v23 =	vmul.f32 v24, v22  }
0x108: {  	v60 =	vshrl.u32 v57, $0x3;
	v30 =	vshll.u32 v30, v16;
	v27 =	vld [tilespmem:s10+$0x160];
	[tilespmem:s10+$0xE0] =	vst v21;
	v21 =	vmul.f32 v25, v54  }
0x109: {  	v19 =	vshll.u32 v19, v16;
	v30 =	vadd.s32 $0x1, v30;
	v25 =	vld [tilespmem:s10+$0x170];
	v22 =	vmul.f32 v20, v22;
	[tilespmem:s10+$0x100] =	vst v23  }
0x10a: {  	v24 =	vshrl.u32 v31, $0x3;
	v31 =	vld [tilespmem:s10+$0x180];
	v20 =	vbroadcast v19, $0x0;
	v26 =	vmul.f32 v26, v54;
	[tilespmem:s10+$0x120] =	vst v21  }
0x10b: {  	v61 =	vld [tilespmem:s10+$0x190];
	v19 =	vshrl.u32 v58, $0x3;
	v24 =	vshll.u32 v24, v16;
	v23 =	vmul.f32 v28, v54;
	[tilespmem:s10+$0x110] =	vst v22  }
0x10c: {  	v62 =	vld [tilespmem:s10+$0x1A0];
	v19 =	vshll.u32 v19, v16;
	v63 =	vadd.s32 $0x2, v24;
	[tilespmem:s10+$0x130] =	vst v26;
	v26 =	vmul.f32 v29, v54  }
0x10d: {  	v21 =	vshrl.u32 v55, $0x3;
	v22 =	vshll.u32 v59, v16;
	v27 =	vmul.f32 v27, v54;
	[tilespmem:s10+$0x140] =	vst v23;
	v23 =	vld [tilespmem:s10+$0x1B0]  }
0x10e: {  	v24 =	vld [tilespmem:s10+$0x1C0];
	v21 =	vshll.u32 v21, v16;
	v29 =	vshll.u32 v60, v16;
	[tilespmem:s10+$0x150] =	vst v26;
	v26 =	vmul.f32 v25, v54  }
0x10f: {  	v28 =	vadd.s32 $0x4, v22;
	v22 =	vbroadcast v63, $0x0;
	[tilespmem:s10+$0x160] =	vst v27;
	v27 =	vmul.f32 v31, v54;
	v25 =	vld [tilespmem:s10+$0x1D0]  }
0x110: {  	v32 =	vadd.s32 $0x3, v21;
	v21 =	vbroadcast v30, $0x0;
	v31 =	vmul.f32 v61, v54;
	[tilespmem:s10+$0x170] =	vst v26;
	v26 =	vld [tilespmem:s10+$0x1E0]  }
0x111: {  	s0 =	simm.s32 $0x10;
	s11 =	simm.s32 $0xF;
	v29 =	vadd.s32 $0x5, v29;
	v30 =	vadd.s32 $0x6, v19;
	v19 =	vmul.f32 v62, v54;
	[tilespmem:s10+$0x180] =	vst v27;
	v27 =	vld [tilespmem:s10+$0x1F0]  }
.LBB2_4:
0x112: {  	p0 =	slt.u32 s0, $0x78;
	v32 =	vbroadcast v32, $0x0;
	v33 =	vmov s11;
	[tilespmem:s10+$0x190] =	vst v31;
	v23 =	vmul.f32 v23, v18;
	v31 =	vld [tilespmem:s10+$0x200]  }
0x113: {  	v28 =	vbroadcast v28, $0x0;
	v33 =	vshrl.u32 v33, $0x3;
	[tilespmem:s10+$0x1A0] =	vst v19;
	v19 =	vmul.f32 v24, v18;
	v24 =	vld [tilespmem:s10+$0x210]  }
0x114: {  	v29 =	vbroadcast v29, $0x0;
	v33 =	vshll.u32 v33, v16;
	[tilespmem:s10+$0x1B0] =	vst v23;
	v23 =	vmul.f32 v25, v18;
	v25 =	vld [tilespmem:s10+$0x220]  }
0x115: {  	v30 =	vbroadcast v30, $0x0;
	v34 =	vld.idx.msk [tilespmem:v20+s21+$0x0], $0xffff;
	v20 =	vadd.s32 $0x7, v33;
	[tilespmem:s10+$0x1C0] =	vst v19;
	v19 =	vmul.f32 v26, v18  }
0x116: {  	v26 =	vld.idx.msk [tilespmem:v21+s21+$0x0], $0xffff;
	v33 =	vbroadcast v20, $0x0;
	[tilespmem:s10+$0x1D0] =	vst v23;
	v20 =	vmul.f32 v27, v18  }
0x117: {  	v23 =	vld.idx.msk [tilespmem:v22+s21+$0x0], $0xffff;
	[tilespmem:s10+$0x1E0] =	vst v19;
	v19 =	vmul.f32 v31, v18  }
0x118: {  	v22 =	vld.idx.msk [tilespmem:v32+s21+$0x0], $0xffff;
	[tilespmem:s10+$0x1F0] =	vst v20;
	v24 =	vmul.f32 v24, v18  }
0x119: {  	v21 =	vld.idx.msk [tilespmem:v28+s21+$0x0], $0xffff;
	[tilespmem:s10+$0x200] =	vst v19;
	v18 =	vmul.f32 v25, v18  }
0x11a: {  	v20 =	vld.idx.msk [tilespmem:v29+s21+$0x0], $0xffff;
	[tilespmem:s10+$0x210] =	vst v24  }
0x11b: {  	v19 =	vld.idx.msk [tilespmem:v30+s21+$0x0], $0xffff;
	[tilespmem:s10+$0x220] =	vst v18  }
0x11c: {  	s10 =	sadd.s32 $0x480, s10;
	v18 =	vld.idx.msk [tilespmem:v33+s21+$0x0], $0xffff  }
0x11d: {  	v24 =	vld [tilespmem:s10+$0x230]  }
0x11e: {  	v25 =	vld [tilespmem:s10+$0xFFFFFDC0]  }
0x11f: {  	v27 =	vld [tilespmem:s10+$0xFFFFFDD0]  }
0x120: {  	v28 =	vld [tilespmem:s10+$0xFFFFFDE0]  }
0x121: {  	v29 =	vld [tilespmem:s10+$0xFFFFFDF0]  }
0x122: {  	v30 =	vld [tilespmem:s10+$0xFFFFFE00];
	v24 =	vmul.f32 v24, v18  }
0x123: {  	v25 =	vmul.f32 v25, v34;
	v31 =	vld [tilespmem:s10+$0xFFFFFE10]  }
0x124: {  	v27 =	vmul.f32 v27, v34;
	v32 =	vld [tilespmem:s10+$0xFFFFFE20];
	[tilespmem:s10+$0x230] =	vst v24  }
0x125: {  	[tilespmem:s10+$0xFFFFFDC0] =	vst v25;
	v24 =	vmul.f32 v28, v34;
	v25 =	vld [tilespmem:s10+$0xFFFFFE30]  }
0x126: {  	[tilespmem:s10+$0xFFFFFDD0] =	vst v27;
	v27 =	vmul.f32 v29, v34;
	v28 =	vld [tilespmem:s10+$0xFFFFFE40]  }
0x127: {  	[tilespmem:s10+$0xFFFFFDE0] =	vst v24;
	v24 =	vmul.f32 v30, v34;
	v29 =	vld [tilespmem:s10+$0xFFFFFE50]  }
0x128: {  	[tilespmem:s10+$0xFFFFFDF0] =	vst v27;
	v27 =	vmul.f32 v31, v34;
	v30 =	vld [tilespmem:s10+$0xFFFFFE60]  }
0x129: {  	[tilespmem:s10+$0xFFFFFE00] =	vst v24;
	v24 =	vmul.f32 v32, v34;
	v31 =	vld [tilespmem:s10+$0xFFFFFE70]  }
0x12a: {  	[tilespmem:s10+$0xFFFFFE10] =	vst v27;
	v25 =	vmul.f32 v25, v34;
	v27 =	vld [tilespmem:s10+$0xFFFFFE80]  }
0x12b: {  	[tilespmem:s10+$0xFFFFFE20] =	vst v24;
	v24 =	vmul.f32 v28, v34;
	v28 =	vld [tilespmem:s10+$0xFFFFFE90]  }
0x12c: {  	[tilespmem:s10+$0xFFFFFE30] =	vst v25;
	v25 =	vmul.f32 v29, v26;
	v29 =	vld [tilespmem:s10+$0xFFFFFEA0]  }
0x12d: {  	[tilespmem:s10+$0xFFFFFE40] =	vst v24;
	v24 =	vmul.f32 v30, v26;
	v30 =	vld [tilespmem:s10+$0xFFFFFEB0]  }
0x12e: {  	[tilespmem:s10+$0xFFFFFE50] =	vst v25;
	v25 =	vmul.f32 v31, v26;
	v31 =	vld [tilespmem:s10+$0xFFFFFEC0]  }
0x12f: {  	[tilespmem:s10+$0xFFFFFE60] =	vst v24;
	v24 =	vmul.f32 v27, v26;
	v27 =	vld [tilespmem:s10+$0xFFFFFED0]  }
0x130: {  	[tilespmem:s10+$0xFFFFFE70] =	vst v25;
	v25 =	vmul.f32 v28, v26;
	v28 =	vld [tilespmem:s10+$0xFFFFFEE0]  }
0x131: {  	[tilespmem:s10+$0xFFFFFE80] =	vst v24;
	v24 =	vmul.f32 v29, v26;
	v29 =	vld [tilespmem:s10+$0xFFFFFEF0]  }
0x132: {  	[tilespmem:s10+$0xFFFFFE90] =	vst v25;
	v25 =	vmul.f32 v30, v26;
	v30 =	vld [tilespmem:s10+$0xFFFFFF00]  }
0x133: {  	[tilespmem:s10+$0xFFFFFEA0] =	vst v24;
	v24 =	vmul.f32 v31, v26;
	v31 =	vld [tilespmem:s10+$0xFFFFFF10]  }
0x134: {  	[tilespmem:s10+$0xFFFFFEB0] =	vst v25;
	v25 =	vmul.f32 v27, v26;
	v26 =	vld [tilespmem:s10+$0xFFFFFF20]  }
0x135: {  	[tilespmem:s10+$0xFFFFFEC0] =	vst v24;
	v24 =	vmul.f32 v28, v23;
	v27 =	vld [tilespmem:s10+$0xFFFFFF30]  }
0x136: {  	[tilespmem:s10+$0xFFFFFED0] =	vst v25;
	v25 =	vmul.f32 v29, v23;
	v28 =	vld [tilespmem:s10+$0xFFFFFF40]  }
0x137: {  	[tilespmem:s10+$0xFFFFFEE0] =	vst v24;
	v24 =	vmul.f32 v30, v23;
	v29 =	vld [tilespmem:s10+$0xFFFFFF50]  }
0x138: {  	[tilespmem:s10+$0xFFFFFEF0] =	vst v25;
	v25 =	vmul.f32 v31, v23;
	v30 =	vld [tilespmem:s10+$0xFFFFFF60]  }
0x139: {  	[tilespmem:s10+$0xFFFFFF00] =	vst v24;
	v24 =	vmul.f32 v26, v23;
	v26 =	vld [tilespmem:s10+$0xFFFFFF70]  }
0x13a: {  	[tilespmem:s10+$0xFFFFFF10] =	vst v25;
	v25 =	vmul.f32 v27, v23;
	v27 =	vld [tilespmem:s10+$0xFFFFFF80]  }
0x13b: {  	[tilespmem:s10+$0xFFFFFF20] =	vst v24;
	v24 =	vmul.f32 v28, v23;
	v28 =	vld [tilespmem:s10+$0xFFFFFF90]  }
0x13c: {  	[tilespmem:s10+$0xFFFFFF30] =	vst v25;
	v25 =	vmul.f32 v29, v23;
	v29 =	vld [tilespmem:s10+$0xFFFFFFA0]  }
0x13d: {  	[tilespmem:s10+$0xFFFFFF40] =	vst v24;
	v23 =	vmul.f32 v30, v23;
	v24 =	vld [tilespmem:s10+$0xFFFFFFB0]  }
0x13e: {  	[tilespmem:s10+$0xFFFFFF50] =	vst v25;
	v25 =	vmul.f32 v26, v22;
	v26 =	vld [tilespmem:s10+$0xFFFFFFC0]  }
0x13f: {  	[tilespmem:s10+$0xFFFFFF60] =	vst v23;
	v23 =	vmul.f32 v27, v22;
	v27 =	vld [tilespmem:s10+$0xFFFFFFD0]  }
0x140: {  	[tilespmem:s10+$0xFFFFFF70] =	vst v25;
	v25 =	vmul.f32 v28, v22;
	v28 =	vld [tilespmem:s10+$0xFFFFFFE0]  }
0x141: {  	[tilespmem:s10+$0xFFFFFF80] =	vst v23;
	v23 =	vmul.f32 v29, v22;
	v29 =	vld [tilespmem:s10+$0xFFFFFFF0]  }
0x142: {  	[tilespmem:s10+$0xFFFFFF90] =	vst v25;
	v24 =	vmul.f32 v24, v22;
	v25 =	vld [tilespmem:s10+$0x0]  }
0x143: {  	[tilespmem:s10+$0xFFFFFFA0] =	vst v23;
	v23 =	vmul.f32 v26, v22;
	v26 =	vld [tilespmem:s10+$0x10]  }
0x144: {  	[tilespmem:s10+$0xFFFFFFB0] =	vst v24;
	v24 =	vmul.f32 v27, v22;
	v27 =	vld [tilespmem:s10+$0x20]  }
0x145: {  	[tilespmem:s10+$0xFFFFFFC0] =	vst v23;
	v23 =	vmul.f32 v28, v22;
	v28 =	vld [tilespmem:s10+$0x30]  }
0x146: {  	[tilespmem:s10+$0xFFFFFFD0] =	vst v24;
	v22 =	vmul.f32 v29, v22;
	v24 =	vld [tilespmem:s10+$0x40]  }
0x147: {  	[tilespmem:s10+$0xFFFFFFE0] =	vst v23;
	v23 =	vmul.f32 v25, v21;
	v25 =	vld [tilespmem:s10+$0x50]  }
0x148: {  	[tilespmem:s10+$0xFFFFFFF0] =	vst v22;
	v22 =	vmul.f32 v26, v21;
	v26 =	vld [tilespmem:s10+$0x60]  }
0x149: {  	[tilespmem:s10+$0x0] =	vst v23;
	v23 =	vmul.f32 v27, v21;
	v27 =	vld [tilespmem:s10+$0x70]  }
0x14a: {  	[tilespmem:s10+$0x10] =	vst v22;
	v22 =	vmul.f32 v28, v21;
	v28 =	vld [tilespmem:s10+$0x80]  }
0x14b: {  	[tilespmem:s10+$0x20] =	vst v23;
	v23 =	vmul.f32 v24, v21;
	v24 =	vld [tilespmem:s10+$0x90]  }
0x14c: {  	[tilespmem:s10+$0x30] =	vst v22;
	v22 =	vmul.f32 v25, v21;
	v25 =	vld [tilespmem:s10+$0xA0]  }
0x14d: {  	[tilespmem:s10+$0x40] =	vst v23;
	v23 =	vmul.f32 v26, v21;
	v26 =	vld [tilespmem:s10+$0xB0]  }
0x14e: {  	[tilespmem:s10+$0x50] =	vst v22;
	v22 =	vmul.f32 v27, v21;
	v27 =	vld [tilespmem:s10+$0xC0]  }
0x14f: {  	[tilespmem:s10+$0x60] =	vst v23;
	v21 =	vmul.f32 v28, v21;
	v23 =	vld [tilespmem:s10+$0xD0]  }
0x150: {  	[tilespmem:s10+$0x70] =	vst v22;
	v22 =	vmul.f32 v24, v20;
	v24 =	vld [tilespmem:s10+$0xE0]  }
0x151: {  	[tilespmem:s10+$0x80] =	vst v21;
	v21 =	vmul.f32 v25, v20;
	v25 =	vld [tilespmem:s10+$0xF0]  }
0x152: {  	v28 =	vmov s0;
	[tilespmem:s10+$0x90] =	vst v22;
	v22 =	vmul.f32 v26, v20;
	v26 =	vld [tilespmem:s10+$0x100]  }
0x153: {  	s11 =	sadd.s32 $0x1, s0;
	s12 =	sadd.s32 $0x2, s0;
	v28 =	vshrl.u32 v28, $0x3;
	[tilespmem:s10+$0xA0] =	vst v21;
	v21 =	vmul.f32 v27, v20;
	v27 =	vld [tilespmem:s10+$0x110]  }
0x154: {  	v30 =	vmov s12;
	s12 =	sadd.s32 $0x4, s0;
	v29 =	vmov s11;
	s11 =	sadd.s32 $0x3, s0;
	[tilespmem:s10+$0xB0] =	vst v22;
	v22 =	vmul.f32 v23, v20;
	v23 =	vld [tilespmem:s10+$0x120]  }
0x155: {  	v32 =	vmov s12;
	s12 =	sadd.s32 $0x6, s0;
	v31 =	vmov s11;
	s11 =	sadd.s32 $0x5, s0;
	[tilespmem:s10+$0xC0] =	vst v21;
	v21 =	vmul.f32 v24, v20;
	v24 =	vld [tilespmem:s10+$0x130]  }
0x156: {  	v34 =	vmov s12;
	v33 =	vmov s11;
	[tilespmem:s10+$0xD0] =	vst v22;
	v22 =	vmul.f32 v25, v20;
	v25 =	vld [tilespmem:s10+$0x140]  }
0x157: {  	v29 =	vshrl.u32 v29, $0x3;
	v28 =	vshll.u32 v28, v16;
	[tilespmem:s10+$0xE0] =	vst v21;
	v21 =	vmul.f32 v26, v20;
	v26 =	vld [tilespmem:s10+$0x150]  }
0x158: {  	v30 =	vshrl.u32 v30, $0x3;
	v31 =	vshrl.u32 v31, $0x3;
	[tilespmem:s10+$0xF0] =	vst v22;
	v22 =	vmul.f32 v27, v20;
	v27 =	vld [tilespmem:s10+$0x160]  }
0x159: {  	v32 =	vshrl.u32 v32, $0x3;
	v33 =	vshrl.u32 v33, $0x3;
	[tilespmem:s10+$0x100] =	vst v21;
	v21 =	vmul.f32 v23, v19;
	v35 =	vld [tilespmem:s10+$0x170]  }
0x15a: {  	v20 =	vbroadcast v28, $0x0;
	v23 =	vshrl.u32 v34, $0x3;
	[tilespmem:s10+$0x110] =	vst v22;
	v22 =	vmul.f32 v24, v19;
	v34 =	vld [tilespmem:s10+$0x180]  }
0x15b: {  	v28 =	vshll.u32 v30, v16;
	v24 =	vshll.u32 v29, v16;
	[tilespmem:s10+$0x120] =	vst v21;
	v21 =	vmul.f32 v25, v19;
	v30 =	vld [tilespmem:s10+$0x190]  }
0x15c: {  	v29 =	vshll.u32 v32, v16;
	v25 =	vshll.u32 v31, v16;
	[tilespmem:s10+$0x130] =	vst v22;
	v22 =	vmul.f32 v26, v19;
	v36 =	vld [tilespmem:s10+$0x1A0]  }
.Ltmp1:
0x15d: {  	v26 =	vshll.u32 v33, v16;
	v33 =	vshll.u32 v23, v16;
	[tilespmem:s10+$0x140] =	vst v21;
	v21 =	vmul.f32 v27, v19;
	v23 =	vld [tilespmem:s10+$0x1B0];
	(pc) =	sbr.rel @p0 .LBB2_4-.Ltmp1, $4  }
0x15e: {  	v37 =	vadd.s32 $0x2, v28;
	v27 =	vadd.s32 $0x1, v24;
	[tilespmem:s10+$0x150] =	vst v22;
	v22 =	vmul.f32 v35, v19;
	v24 =	vld [tilespmem:s10+$0x1C0]  }
0x15f: {  	v28 =	vadd.s32 $0x4, v29;
	v32 =	vadd.s32 $0x3, v25;
	[tilespmem:s10+$0x160] =	vst v21;
	v34 =	vmul.f32 v34, v19;
	v25 =	vld [tilespmem:s10+$0x1D0]  }
0x160: {  	v29 =	vadd.s32 $0x5, v26;
	v21 =	vbroadcast v27, $0x0;
	[tilespmem:s10+$0x170] =	vst v22;
	v31 =	vmul.f32 v30, v19;
	v26 =	vld [tilespmem:s10+$0x1E0]  }
0x161: {  	s11 =	sadd.s32 $0x7, s0;
	s0 =	sadd.s32 $0x8, s0;
	v22 =	vbroadcast v37, $0x0;
	v30 =	vadd.s32 $0x6, v33;
	[tilespmem:s10+$0x180] =	vst v34;
	v19 =	vmul.f32 v36, v19;
	v27 =	vld [tilespmem:s10+$0x1F0]  }
0x162: {  	_ = 	snop  }
0x163: {  	v33 =	vld [tilespmem:s10+$0x200]  }
0x164: {  	v35 =	vld [tilespmem:s10+$0x210]  }
0x165: {  	v50 =	vld [tilespmem:s10+$0x220]  }
0x166: {  	v36 =	vld.idx.msk [tilespmem:v20+s21+$0x0], $0xffff  }
0x167: {  	v51 =	vbroadcast v30, $0x0;
	v30 =	vld.idx.msk [tilespmem:v21+s21+$0x0], $0xffff  }
0x168: {  	s0 =	sadd.s32 $0x480, s10;
	v38 =	vld.idx.msk [tilespmem:v22+s21+$0x0], $0xffff  }
0x169: {  	v53 =	vld [tilespmem:s0+$0x230]  }
0x16a: {  	v55 =	vld [tilespmem:s0+$0xFFFFFDC0]  }
0x16b: {  	v23 =	vmul.f32 v23, v18;
	[tilespmem:s10+$0x190] =	vst v31;
	v57 =	vld [tilespmem:s0+$0xFFFFFDD0]  }
0x16c: {  	v24 =	vmul.f32 v24, v18;
	[tilespmem:s10+$0x1A0] =	vst v19;
	v59 =	vld [tilespmem:s0+$0xFFFFFDE0]  }
0x16d: {  	v28 =	vbroadcast v28, $0x0;
	v60 =	vld [tilespmem:s0+$0xFFFFFDF0];
	[tilespmem:s10+$0x1B0] =	vst v23;
	v25 =	vmul.f32 v25, v18  }
0x16e: {  	v61 =	vld [tilespmem:s0+$0xFFFFFE00];
	[tilespmem:s10+$0x1C0] =	vst v24;
	v52 =	vmul.f32 v26, v18  }
0x16f: {  	v62 =	vld [tilespmem:s0+$0xFFFFFE10];
	[tilespmem:s10+$0x1D0] =	vst v25;
	v54 =	vmul.f32 v27, v18  }
0x170: {  	v63 =	vld [tilespmem:s0+$0xFFFFFE20];
	[tilespmem:s10+$0x1E0] =	vst v52;
	v56 =	vmul.f32 v33, v18  }
0x171: {  	v39 =	vld [tilespmem:s0+$0xFFFFFE60];
	v58 =	vmul.f32 v35, v18;
	[tilespmem:s10+$0x1F0] =	vst v54  }
0x172: {  	v40 =	vld [tilespmem:s0+$0xFFFFFE70];
	v18 =	vmul.f32 v50, v18;
	[tilespmem:s10+$0x200] =	vst v56  }
0x173: {  	v34 =	vmov s11;
	v22 =	vld.idx.msk [tilespmem:v28+s21+$0x0], $0xffff;
	v28 =	vmul.f32 v57, v36;
	[tilespmem:s10+$0x210] =	vst v58  }
0x174: {  	v34 =	vshrl.u32 v34, $0x3;
	v43 =	vld [tilespmem:s0+$0xFFFFFE90];
	[tilespmem:s10+$0x220] =	vst v18;
	v18 =	vmul.f32 v55, v36  }
0x175: {  	v42 =	vld [tilespmem:s0+$0xFFFFFE80];
	v49 =	vshll.u32 v34, v16;
	v24 =	vmul.f32 v60, v36;
	[tilespmem:s0+$0xFFFFFDD0] =	vst v28  }
0x176: {  	v23 =	vadd.s32 $0x7, v49;
	v49 =	vld [tilespmem:s0+$0xFFFFFED0];
	[tilespmem:s0+$0xFFFFFDC0] =	vst v18;
	v18 =	vmul.f32 v59, v36  }
0x177: {  	v34 =	vld [tilespmem:s0+$0xFFFFFE40];
	v37 =	vbroadcast v23, $0x0;
	v47 =	vmul.f32 v40, v30;
	[tilespmem:s0+$0xFFFFFDF0] =	vst v24  }
0x178: {  	v45 =	vld [tilespmem:s0+$0xFFFFFEA0];
	[tilespmem:s0+$0xFFFFFDE0] =	vst v18;
	v18 =	vmul.f32 v61, v36  }
0x179: {  	v46 =	vld [tilespmem:s0+$0xFFFFFEB0];
	v50 =	vmul.f32 v43, v30;
	[tilespmem:s0+$0xFFFFFE70] =	vst v47  }
0x17a: {  	v33 =	vld [tilespmem:s0+$0xFFFFFE30];
	[tilespmem:s0+$0xFFFFFE00] =	vst v18;
	v18 =	vmul.f32 v63, v36  }
0x17b: {  	v48 =	vld [tilespmem:s0+$0xFFFFFEC0];
	[tilespmem:s0+$0xFFFFFE90] =	vst v50;
	v56 =	vmul.f32 v49, v30  }
0x17c: {  	v35 =	vld [tilespmem:s0+$0xFFFFFE50];
	[tilespmem:s0+$0xFFFFFE20] =	vst v18;
	v18 =	vmul.f32 v34, v36  }
0x17d: {  	v19 =	vld.idx.msk [tilespmem:v37+s21+$0x0], $0xffff;
	v37 =	vmul.f32 v62, v36;
	[tilespmem:s0+$0xFFFFFED0] =	vst v56  }
0x17e: {  	v52 =	vld [tilespmem:s0+$0xFFFFFEF0];
	[tilespmem:s0+$0xFFFFFE40] =	vst v18;
	v18 =	vmul.f32 v39, v30  }
0x17f: {  	v20 =	vld.idx.msk [tilespmem:v51+s21+$0x0], $0xffff;
	v41 =	vmul.f32 v33, v36;
	[tilespmem:s0+$0xFFFFFE10] =	vst v37  }
0x180: {  	v32 =	vbroadcast v32, $0x0;
	v55 =	vld [tilespmem:s0+$0xFFFFFF10];
	[tilespmem:s0+$0xFFFFFE60] =	vst v18;
	v18 =	vmul.f32 v42, v30  }
0x181: {  	v51 =	vld [tilespmem:s0+$0xFFFFFEE0];
	v44 =	vmul.f32 v35, v30;
	[tilespmem:s0+$0xFFFFFE30] =	vst v41  }
0x182: {  	v29 =	vbroadcast v29, $0x0;
	v58 =	vld [tilespmem:s0+$0xFFFFFF30];
	[tilespmem:s0+$0xFFFFFE80] =	vst v18;
	v18 =	vmul.f32 v45, v30  }
0x183: {  	v54 =	vld [tilespmem:s0+$0xFFFFFF00];
	v59 =	vmul.f32 v52, v38;
	[tilespmem:s0+$0xFFFFFE50] =	vst v44  }
0x184: {  	v50 =	vld [tilespmem:s0+$0x30];
	[tilespmem:s0+$0xFFFFFEA0] =	vst v18;
	v18 =	vmul.f32 v48, v30  }
0x185: {  	v57 =	vld [tilespmem:s0+$0xFFFFFF20];
	[tilespmem:s0+$0xFFFFFEF0] =	vst v59;
	v62 =	vmul.f32 v55, v38  }
0x186: {  	v23 =	vld.idx.msk [tilespmem:v32+s21+$0x0], $0xffff;
	[tilespmem:s0+$0xFFFFFEC0] =	vst v18;
	v18 =	vmul.f32 v51, v38  }
0x187: {  	v60 =	vld [tilespmem:s0+$0xFFFFFF40];
	v33 =	vmul.f32 v58, v38;
	[tilespmem:s0+$0xFFFFFF10] =	vst v62  }
0x188: {  	v21 =	vld.idx.msk [tilespmem:v29+s21+$0x0], $0xffff;
	[tilespmem:s0+$0xFFFFFEE0] =	vst v18;
	v18 =	vmul.f32 v54, v38  }
0x189: {  	v63 =	vld [tilespmem:s0+$0xFFFFFF60];
	v56 =	vmul.f32 v50, v22;
	[tilespmem:s0+$0xFFFFFF30] =	vst v33  }
0x18a: {  	v52 =	vld [tilespmem:s0+$0x50];
	[tilespmem:s0+$0xFFFFFF00] =	vst v18;
	v18 =	vmul.f32 v57, v38  }
0x18b: {  	v26 =	vmul.f32 v53, v19;
	v34 =	vld [tilespmem:s0+$0xFFFFFF80];
	[tilespmem:s0+$0x30] =	vst v56  }
0x18c: {  	v61 =	vld [tilespmem:s0+$0xFFFFFF50];
	[tilespmem:s0+$0xFFFFFF20] =	vst v18;
	v18 =	vmul.f32 v60, v38  }
0x18d: {  	v37 =	vld [tilespmem:s0+$0xFFFFFFA0];
	v53 =	vmul.f32 v46, v30;
	[tilespmem:s0+$0x230] =	vst v26  }
0x18e: {  	v32 =	vld [tilespmem:s0+$0xFFFFFF70];
	[tilespmem:s0+$0xFFFFFF40] =	vst v18;
	v18 =	vmul.f32 v63, v38  }
0x18f: {  	v40 =	vld [tilespmem:s0+$0xFFFFFFC0];
	v59 =	vmul.f32 v52, v22;
	[tilespmem:s0+$0xFFFFFEB0] =	vst v53  }
0x190: {  	v47 =	vld [tilespmem:s0+$0x10];
	[tilespmem:s0+$0xFFFFFF60] =	vst v18;
	v18 =	vmul.f32 v34, v23  }
0x191: {  	v43 =	vld [tilespmem:s0+$0xFFFFFFE0];
	v36 =	vmul.f32 v61, v38;
	[tilespmem:s0+$0x50] =	vst v59  }
0x192: {  	v55 =	vld [tilespmem:s0+$0x70];
	[tilespmem:s0+$0xFFFFFF80] =	vst v18;
	v18 =	vmul.f32 v37, v23  }
0x193: {  	v46 =	vld [tilespmem:s0+$0x0];
	v39 =	vmul.f32 v32, v23;
	[tilespmem:s0+$0xFFFFFF50] =	vst v36  }
0x194: {  	v58 =	vld [tilespmem:s0+$0x90];
	[tilespmem:s0+$0xFFFFFFA0] =	vst v18;
	v18 =	vmul.f32 v40, v23  }
0x195: {  	v49 =	vld [tilespmem:s0+$0x20];
	v53 =	vmul.f32 v47, v22;
	[tilespmem:s0+$0xFFFFFF70] =	vst v39  }
0x196: {  	v35 =	vld [tilespmem:s0+$0xFFFFFF90];
	[tilespmem:s0+$0xFFFFFFC0] =	vst v18;
	v18 =	vmul.f32 v43, v23  }
0x197: {  	v62 =	vmul.f32 v55, v22;
	[tilespmem:s0+$0x10] =	vst v53;
	v51 =	vld [tilespmem:s0+$0x40]  }
0x198: {  	v41 =	vld [tilespmem:s0+$0xFFFFFFD0];
	[tilespmem:s0+$0xFFFFFFE0] =	vst v18;
	v18 =	vmul.f32 v46, v22  }
0x199: {  	v33 =	vmul.f32 v58, v21;
	[tilespmem:s0+$0x70] =	vst v62;
	v54 =	vld [tilespmem:s0+$0x60]  }
0x19a: {  	v61 =	vld [tilespmem:s0+$0xB0];
	[tilespmem:s0+$0x0] =	vst v18;
	v18 =	vmul.f32 v49, v22  }
0x19b: {  	v42 =	vmul.f32 v35, v23;
	[tilespmem:s0+$0x90] =	vst v33;
	v57 =	vld [tilespmem:s0+$0x80]  }
0x19c: {  	v35 =	vld [tilespmem:s0+$0xF0];
	[tilespmem:s0+$0x20] =	vst v18;
	v18 =	vmul.f32 v51, v22  }
0x19d: {  	[tilespmem:s0+$0xFFFFFF90] =	vst v42;
	v48 =	vmul.f32 v41, v23;
	v60 =	vld [tilespmem:s0+$0xA0]  }
0x19e: {  	v38 =	vld [tilespmem:s0+$0xFFFFFFB0];
	[tilespmem:s0+$0x40] =	vst v18;
	v18 =	vmul.f32 v54, v22  }
0x19f: {  	v36 =	vmul.f32 v61, v21;
	[tilespmem:s0+$0xFFFFFFD0] =	vst v48;
	v63 =	vld [tilespmem:s0+$0xC0]  }
0x1a0: {  	v48 =	vld [tilespmem:s0+$0x190];
	[tilespmem:s0+$0x60] =	vst v18;
	v18 =	vmul.f32 v57, v22  }
0x1a1: {  	[tilespmem:s0+$0xB0] =	vst v36;
	v41 =	vmul.f32 v35, v21;
	v34 =	vld [tilespmem:s0+$0xE0]  }
0x1a2: {  	v44 =	vld [tilespmem:s0+$0xFFFFFFF0];
	[tilespmem:s0+$0x80] =	vst v18;
	v18 =	vmul.f32 v60, v21  }
0x1a3: {  	[tilespmem:s0+$0xF0] =	vst v41;
	v37 =	vld [tilespmem:s0+$0x100];
	v45 =	vmul.f32 v38, v23  }
0x1a4: {  	v40 =	vld [tilespmem:s0+$0x130];
	[tilespmem:s0+$0xA0] =	vst v18;
	v18 =	vmul.f32 v63, v21  }
0x1a5: {  	v39 =	vld [tilespmem:s0+$0x120];
	v55 =	vmul.f32 v48, v20;
	[tilespmem:s0+$0xFFFFFFB0] =	vst v45  }
0x1a6: {  	v45 =	vld [tilespmem:s0+$0x170];
	[tilespmem:s0+$0xC0] =	vst v18;
	v18 =	vmul.f32 v34, v21  }
0x1a7: {  	v42 =	vld [tilespmem:s0+$0x140];
	[tilespmem:s0+$0x190] =	vst v55;
	v23 =	vmul.f32 v44, v23  }
0x1a8: {  	v43 =	vld [tilespmem:s0+$0x150];
	[tilespmem:s0+$0xE0] =	vst v18;
	v18 =	vmul.f32 v37, v21  }
0x1a9: {  	v44 =	vld [tilespmem:s0+$0x160];
	[tilespmem:s0+$0xFFFFFFF0] =	vst v23;
	v46 =	vmul.f32 v40, v20  }
0x1aa: {  	v32 =	vld [tilespmem:s0+$0xD0];
	[tilespmem:s0+$0x100] =	vst v18;
	v18 =	vmul.f32 v39, v20  }
0x1ab: {  	v47 =	vld [tilespmem:s0+$0x180];
	v52 =	vmul.f32 v45, v20;
	[tilespmem:s0+$0x130] =	vst v46  }
0x1ac: {  	v51 =	vld [tilespmem:s0+$0x1B0];
	[tilespmem:s0+$0x120] =	vst v18;
	v18 =	vmul.f32 v42, v20  }
0x1ad: {  	v50 =	vld [tilespmem:s0+$0x1A0];
	v49 =	vmul.f32 v43, v20;
	[tilespmem:s0+$0x170] =	vst v52  }
0x1ae: {  	v54 =	vld [tilespmem:s0+$0x1D0];
	[tilespmem:s0+$0x140] =	vst v18;
	v18 =	vmul.f32 v44, v20  }
0x1af: {  	v53 =	vld [tilespmem:s0+$0x1C0];
	[tilespmem:s0+$0x150] =	vst v49;
	v22 =	vmul.f32 v32, v21  }
0x1b0: {  	v60 =	vld [tilespmem:s0+$0x210];
	[tilespmem:s0+$0x160] =	vst v18;
	v18 =	vmul.f32 v47, v20  }
0x1b1: {  	v56 =	vld [tilespmem:s0+$0x1E0];
	v58 =	vmul.f32 v51, v19;
	[tilespmem:s0+$0xD0] =	vst v22  }
0x1b2: {  	v38 =	vld [tilespmem:s0+$0x110];
	[tilespmem:s0+$0x180] =	vst v18;
	v18 =	vmul.f32 v50, v20  }
0x1b3: {  	v59 =	vld [tilespmem:s0+$0x200];
	[tilespmem:s0+$0x1B0] =	vst v58;
	v61 =	vmul.f32 v54, v19  }
0x1b4: {  	v57 =	vld [tilespmem:s0+$0x1F0];
	[tilespmem:s0+$0x1A0] =	vst v18;
	v18 =	vmul.f32 v53, v19  }
0x1b5: {  	v62 =	vld [tilespmem:s0+$0x220];
	[tilespmem:s0+$0x1D0] =	vst v61;
	v63 =	vmul.f32 v60, v19  }
0x1b6: {  	[tilespmem:s0+$0x1C0] =	vst v18;
	v18 =	vmul.f32 v56, v19  }
0x1b7: {  	v21 =	vmul.f32 v38, v21;
	[tilespmem:s0+$0x210] =	vst v63  }
0x1b8: {  	[tilespmem:s0+$0x1E0] =	vst v18;
	v18 =	vmul.f32 v59, v19  }
0x1b9: {  	[tilespmem:s0+$0x110] =	vst v21;
	v20 =	vmul.f32 v57, v19  }
0x1ba: {  	[tilespmem:s0+$0x200] =	vst v18;
	v18 =	vmul.f32 v62, v19  }
0x1bb: {  	[tilespmem:s0+$0x1F0] =	vst v20  }
0x1bc: {  	s12 =	simm.s32 $0x0;
	[tilespmem:s0+$0x220] =	vst v18  }
0x1bd: {  	[spmem:s2] =	stream.indirect.scatter.add.f32 [tilespmem:s26], [sflag:$0x5], $0x90, s31, s28, $0xb8;
	[tilespmem:$0x1FC10] =	vst v63  }
.LBB2_6:
0x1be: {  	s10 =	sshll.u32 s12, $0x8  }
0x1bf: {  	s13 =	sadd.s32 $0x100, s10  }
0x1c0: {  	_ =	swait.ge [sflag:s22], $0x4800;
	s0 =	sadd.s32 s17, s13  }
0x1c1: {  	[sflag:s22] =	ssyncset.done $0x0;
	s0 =	sshrl.u32 s0, $0x3  }
0x1c2: {  	[sflag:s22] =	ssyncadd.s32 $0xFFFFB800;
	s0 =	sadd.s32 s16, s0  }
0x1c3: {  	[tilespmem:s30], [sflag:$0x7] =	stream.strided.gather [hbm4b:s0+s28], $0x100, s29, s28, $0x38;
	[tilespmem:$0x1FC10] =	vst v63  }
0x1c4: {  	_ =	swait.ge [sflag:s25], $0x100  }
0x1c5: {  	[sflag:s25] =	ssyncset.done $0x0  }
0x1c6: {  	[sflag:s25] =	ssyncadd.s32 $0xFFFFFF00  }
0x1c7: {  	[tilespmem:s26], [sflag:$0x1] =	stream.indirect.gather [hbm4b:s5+s28], $0x90, s30, s28, $0xb8;
	[tilespmem:$0x1FC10] =	vst v63  }
0x1c8: {  	s9 =	smov.u32 s16;
	s16 =	simm.s32 $0x210  }
0x1c9: {  	[tilespmem:s16], [sflag:$0x3] =	stream.indirect.gather [hbm4b:s6+s28], $0x1, s31, s28, $0xb8;
	[tilespmem:$0x1FC10] =	vst v63  }
0x1ca: {  	_ =	swait.ge [sflag:s23], $0x4800  }
0x1cb: {  	[sflag:s23] =	ssyncset.done $0x0  }
0x1cc: {  	[sflag:s23] =	ssyncadd.s32 $0xFFFFB800  }
0x1cd: {  	_ =	swait.ge [sflag:s24], $0x80  }
0x1ce: {  	[sflag:s24] =	ssyncset.done $0x0  }
0x1cf: {  	[sflag:s24] =	ssyncadd.s32 $0xFFFFFF80  }
0x1d0: {  	v18 =	vld.idx.msk [tilespmem:v8+s4+$0x0], $0xffff  }
0x1d1: {  	v19 =	vld [tilespmem:$0x290];
	_ =	sdelay $0x4  }
0x1d2: {  	v18 =	vadd.f32 v19, v18;
	_ =	sdelay $0x1  }
0x1d3: {  	v19 =	vmul.f32 $2.000000030e-01, v18  }
0x1d4: {  	vm8 =	vgt.f32 v18, $0.0e+00  }
0x1d5: {  	v18 =	vsel vm8, v18, v19  }
0x1d6: {  	v18 =	vsub.f32 v18, v17;
	_ =	sdelay $0x1  }
0x1d7: {  	v18 =	vmul.f32 $1.442695020e+00, v18;
	_ =	sdelay $0x1  }
0x1d8: {  	(erf) = vpow2.f32 v18;
	_ =	sdelay $0x5  }
0x1d9: {  	s1 =	rddreg [dreg:$0xc]  }
0x1da: {  	s0 =	sadd.s32 s10, s1  }
0x1db: {  	v18 =	vmov s0  }
0x1dc: {  	vm8 =	vlt.u32 v18, $0x50910;
	v19 =	vpop (erf)  }
0x1dd: {  	v19 =	vnsel vm8, $0x0, v19  }
0x1de: {  	v20 =	vld [tilespmem:$0x2A0];
	[tilespmem:$0x390] =	vst v19  }
0x1df: {  	v19 =	vld.idx.msk [tilespmem:v9+s4+$0x0], $0xffff;
	_ =	sdelay $0x4  }
0x1e0: {  	v19 =	vadd.f32 v20, v19;
	_ =	sdelay $0x1  }
0x1e1: {  	v20 =	vmul.f32 $2.000000030e-01, v19  }
0x1e2: {  	vm8 =	vgt.f32 v19, $0.0e+00  }
0x1e3: {  	v19 =	vsel vm8, v19, v20  }
0x1e4: {  	v19 =	vsub.f32 v19, v17;
	_ =	sdelay $0x1  }
0x1e5: {  	v19 =	vmul.f32 $1.442695020e+00, v19;
	_ =	sdelay $0x1  }
0x1e6: {  	(erf) = vpow2.f32 v19;
	_ =	sdelay $0x8  }
0x1e7: {  	vm8 =	vlt.u32 v18, v7;
	v19 =	vpop (erf)  }
0x1e8: {  	v19 =	vnsel vm8, $0x0, v19  }
0x1e9: {  	v20 =	vld [tilespmem:$0x2B0];
	[tilespmem:$0x3A0] =	vst v19  }
0x1ea: {  	v19 =	vld.idx.msk [tilespmem:v10+s4+$0x0], $0xffff;
	_ =	sdelay $0x4  }
0x1eb: {  	v19 =	vadd.f32 v20, v19;
	_ =	sdelay $0x1  }
0x1ec: {  	v20 =	vmul.f32 $2.000000030e-01, v19  }
0x1ed: {  	vm8 =	vgt.f32 v19, $0.0e+00  }
0x1ee: {  	v19 =	vsel vm8, v19, v20  }
0x1ef: {  	v19 =	vsub.f32 v19, v17;
	_ =	sdelay $0x1  }
0x1f0: {  	v19 =	vmul.f32 $1.442695020e+00, v19;
	_ =	sdelay $0x1  }
0x1f1: {  	(erf) = vpow2.f32 v19;
	_ =	sdelay $0x8  }
0x1f2: {  	vm8 =	vlt.u32 v18, v6;
	v19 =	vpop (erf)  }
0x1f3: {  	v19 =	vnsel vm8, $0x0, v19  }
0x1f4: {  	v20 =	vld [tilespmem:$0x2C0];
	[tilespmem:$0x3B0] =	vst v19  }
0x1f5: {  	v19 =	vld.idx.msk [tilespmem:v11+s4+$0x0], $0xffff;
	_ =	sdelay $0x4  }
0x1f6: {  	v19 =	vadd.f32 v20, v19;
	_ =	sdelay $0x1  }
0x1f7: {  	v20 =	vmul.f32 $2.000000030e-01, v19  }
0x1f8: {  	vm8 =	vgt.f32 v19, $0.0e+00  }
0x1f9: {  	v19 =	vsel vm8, v19, v20  }
0x1fa: {  	v19 =	vsub.f32 v19, v17;
	_ =	sdelay $0x1  }
0x1fb: {  	v19 =	vmul.f32 $1.442695020e+00, v19;
	_ =	sdelay $0x1  }
0x1fc: {  	(erf) = vpow2.f32 v19;
	_ =	sdelay $0x8  }
0x1fd: {  	vm8 =	vlt.u32 v18, v5;
	v19 =	vpop (erf)  }
0x1fe: {  	v19 =	vnsel vm8, $0x0, v19  }
0x1ff: {  	v20 =	vld [tilespmem:$0x2D0];
	[tilespmem:$0x3C0] =	vst v19  }
0x200: {  	v19 =	vld.idx.msk [tilespmem:v12+s4+$0x0], $0xffff;
	_ =	sdelay $0x4  }
0x201: {  	v19 =	vadd.f32 v20, v19;
	_ =	sdelay $0x1  }
0x202: {  	v20 =	vmul.f32 $2.000000030e-01, v19  }
0x203: {  	vm8 =	vgt.f32 v19, $0.0e+00  }
0x204: {  	v19 =	vsel vm8, v19, v20  }
0x205: {  	v19 =	vsub.f32 v19, v17;
	_ =	sdelay $0x1  }
0x206: {  	v19 =	vmul.f32 $1.442695020e+00, v19;
	_ =	sdelay $0x1  }
0x207: {  	(erf) = vpow2.f32 v19;
	_ =	sdelay $0x8  }
0x208: {  	vm8 =	vlt.u32 v18, v4;
	v19 =	vpop (erf)  }
0x209: {  	v19 =	vnsel vm8, $0x0, v19  }
0x20a: {  	v20 =	vld [tilespmem:$0x2E0];
	[tilespmem:$0x3D0] =	vst v19  }
0x20b: {  	v19 =	vld.idx.msk [tilespmem:v13+s4+$0x0], $0xffff;
	_ =	sdelay $0x4  }
0x20c: {  	v19 =	vadd.f32 v20, v19;
	_ =	sdelay $0x1  }
0x20d: {  	v20 =	vmul.f32 $2.000000030e-01, v19  }
0x20e: {  	vm8 =	vgt.f32 v19, $0.0e+00  }
0x20f: {  	v19 =	vsel vm8, v19, v20  }
0x210: {  	v19 =	vsub.f32 v19, v17;
	_ =	sdelay $0x1  }
0x211: {  	v19 =	vmul.f32 $1.442695020e+00, v19;
	_ =	sdelay $0x1  }
0x212: {  	(erf) = vpow2.f32 v19;
	_ =	sdelay $0x8  }
0x213: {  	vm8 =	vlt.u32 v18, v3;
	v19 =	vpop (erf)  }
0x214: {  	v19 =	vnsel vm8, $0x0, v19  }
0x215: {  	v20 =	vld [tilespmem:$0x2F0];
	[tilespmem:$0x3E0] =	vst v19  }
0x216: {  	v19 =	vld.idx.msk [tilespmem:v14+s4+$0x0], $0xffff;
	_ =	sdelay $0x4  }
0x217: {  	v19 =	vadd.f32 v20, v19;
	_ =	sdelay $0x1  }
0x218: {  	v20 =	vmul.f32 $2.000000030e-01, v19  }
0x219: {  	vm8 =	vgt.f32 v19, $0.0e+00  }
0x21a: {  	v19 =	vsel vm8, v19, v20  }
0x21b: {  	v19 =	vsub.f32 v19, v17;
	_ =	sdelay $0x1  }
0x21c: {  	v19 =	vmul.f32 $1.442695020e+00, v19;
	_ =	sdelay $0x1  }
0x21d: {  	(erf) = vpow2.f32 v19;
	_ =	sdelay $0x8  }
0x21e: {  	vm8 =	vlt.u32 v18, v2;
	v19 =	vpop (erf)  }
0x21f: {  	v19 =	vnsel vm8, $0x0, v19  }
0x220: {  	v20 =	vld [tilespmem:$0x300];
	[tilespmem:$0x3F0] =	vst v19  }
0x221: {  	v19 =	vld.idx.msk [tilespmem:v15+s4+$0x0], $0xffff;
	_ =	sdelay $0x4  }
0x222: {  	v19 =	vadd.f32 v20, v19;
	_ =	sdelay $0x1  }
0x223: {  	v20 =	vmul.f32 $2.000000030e-01, v19  }
0x224: {  	vm8 =	vgt.f32 v19, $0.0e+00  }
0x225: {  	v19 =	vsel vm8, v19, v20  }
0x226: {  	v19 =	vsub.f32 v19, v17;
	_ =	sdelay $0x1  }
0x227: {  	s1 =	simm.s32 $0x3;
	v19 =	vmul.f32 $1.442695020e+00, v19  }
0x228: {  	v21 =	vmov s1  }
0x229: {  	v21 =	vshrl.u32 v21, $0x3;
	(erf) = vpow2.f32 v19  }
0x22a: {  	s11 =	simm.s32 $0x0;
	v21 =	vshll.u32 v21, v16  }
0x22b: {  	s16 =	simm.s32 $0x1;
	v21 =	vadd.s32 $0x3, v21;
	vm8 =	vlt.u32 v18, v0;
	v19 =	vmov s11;
	s11 =	simm.s32 $0x2  }
0x22c: {  	v18 =	vshrl.u32 v19, $0x3;
	v19 =	vmov s16;
	v20 =	vmov s11;
	s11 =	simm.s32 $0x4  }
0x22d: {  	s16 =	simm.s32 $0x7;
	v22 =	vmov s11;
	v18 =	vshll.u32 v18, v16;
	v19 =	vshrl.u32 v19, $0x3  }
0x22e: {  	v20 =	vshrl.u32 v20, $0x3;
	v23 =	vmov s16;
	v19 =	vshll.u32 v19, v16  }
0x22f: {  	v18 =	vbroadcast v18, $0x0;
	v20 =	vshll.u32 v20, v16;
	v19 =	vadd.s32 $0x1, v19  }
0x230: {  	v22 =	vshrl.u32 v22, $0x3;
	v20 =	vadd.s32 $0x2, v20;
	v19 =	vbroadcast v19, $0x0  }
0x231: {  	v23 =	vshrl.u32 v23, $0x3;
	v22 =	vshll.u32 v22, v16;
	v20 =	vbroadcast v20, $0x0  }
0x232: {  	v21 =	vbroadcast v21, $0x0;
	v23 =	vshll.u32 v23, v16;
	v22 =	vadd.s32 $0x4, v22;
	v24 =	vpop (erf)  }
0x233: {  	v23 =	vadd.s32 $0x7, v23;
	v22 =	vbroadcast v22, $0x0;
	v24 =	vnsel vm8, $0x0, v24  }
0x234: {  	v23 =	vbroadcast v23, $0x0;
	[tilespmem:$0x400] =	vst v24  }
0x235: {  	v24 =	vld.idx.msk [tilespmem:v18+s14+$0x0], $0xffff  }
0x236: {  	v25 =	vld.idx.msk [tilespmem:v19+s14+$0x0], $0xffff  }
0x237: {  	v26 =	vld.idx.msk [tilespmem:v20+s14+$0x0], $0xffff  }
0x238: {  	v20 =	vld.idx.msk [tilespmem:v21+s14+$0x0], $0xffff  }
0x239: {  	v19 =	vld.idx.msk [tilespmem:v22+s14+$0x0], $0xffff  }
0x23a: {  	s0 =	simm.s32 $0x4E50;
	v18 =	vld.idx.msk [tilespmem:v23+s14+$0x0], $0xffff  }
0x23b: {  	v21 =	vld [tilespmem:s0+$0x230]  }
0x23c: {  	v22 =	vld [tilespmem:s0+$0xFFFFFDC0]  }
0x23d: {  	v23 =	vld [tilespmem:s0+$0xFFFFFDD0]  }
0x23e: {  	v27 =	vld [tilespmem:s0+$0xFFFFFDE0]  }
0x23f: {  	v28 =	vld [tilespmem:s0+$0xFFFFFDF0]  }
0x240: {  	v33 =	vld [tilespmem:s0+$0xFFFFFE60]  }
0x241: {  	v29 =	vld [tilespmem:s0+$0xFFFFFE00]  }
0x242: {  	v32 =	vld [tilespmem:s0+$0xFFFFFE50];
	v21 =	vmul.f32 v21, v18  }
0x243: {  	v30 =	vld [tilespmem:s0+$0xFFFFFE10];
	v22 =	vmul.f32 v22, v24  }
0x244: {  	v31 =	vld [tilespmem:s0+$0xFFFFFE20];
	v23 =	vmul.f32 v23, v24;
	[tilespmem:s0+$0x230] =	vst v21  }
0x245: {  	v50 =	vld [tilespmem:s0+$0x10];
	v33 =	vmul.f32 v33, v25;
	[tilespmem:s0+$0xFFFFFDC0] =	vst v22  }
0x246: {  	v34 =	vld [tilespmem:s0+$0xFFFFFE70];
	v27 =	vmul.f32 v27, v24;
	[tilespmem:s0+$0xFFFFFDD0] =	vst v23  }
0x247: {  	v35 =	vld [tilespmem:s0+$0xFFFFFE80];
	v21 =	vmul.f32 v32, v25;
	[tilespmem:s0+$0xFFFFFE60] =	vst v33  }
0x248: {  	v28 =	vmul.f32 v28, v24;
	v23 =	vld [tilespmem:s0+$0xFFFFFEC0];
	[tilespmem:s0+$0xFFFFFDE0] =	vst v27  }
0x249: {  	v27 =	vmul.f32 v29, v24;
	[tilespmem:s0+$0xFFFFFE50] =	vst v21;
	v21 =	vld [tilespmem:s0+$0xFFFFFE30]  }
0x24a: {  	v42 =	vld [tilespmem:s0+$0xFFFFFE40];
	v52 =	vmul.f32 v50, v19;
	[tilespmem:s0+$0xFFFFFDF0] =	vst v28  }
0x24b: {  	v28 =	vmul.f32 v30, v24;
	[tilespmem:s0+$0xFFFFFE00] =	vst v27;
	v27 =	vmul.f32 v31, v24;
	v31 =	vld [tilespmem:s0+$0xFFFFFEF0]  }
0x24c: {  	v36 =	vld [tilespmem:s0+$0xFFFFFE90];
	[tilespmem:s0+$0x10] =	vst v52  }
0x24d: {  	v41 =	vld [tilespmem:s0+$0xFFFFFEA0];
	[tilespmem:s0+$0xFFFFFE10] =	vst v28;
	v23 =	vmul.f32 v23, v25  }
0x24e: {  	[tilespmem:s0+$0xFFFFFE20] =	vst v27;
	v27 =	vld [tilespmem:s0+$0xFFFFFF10];
	v21 =	vmul.f32 v21, v24  }
0x24f: {  	v43 =	vld [tilespmem:s0+$0xFFFFFF20];
	v24 =	vmul.f32 v42, v24;
	[tilespmem:s0+$0xFFFFFEC0] =	vst v23  }
0x250: {  	v44 =	vld [tilespmem:s0+$0xFFFFFF30];
	v31 =	vmul.f32 v31, v26;
	[tilespmem:s0+$0xFFFFFE30] =	vst v21  }
0x251: {  	v22 =	vld [tilespmem:s0+$0xFFFFFEB0];
	v21 =	vmul.f32 v34, v25;
	[tilespmem:s0+$0xFFFFFE40] =	vst v24  }
0x252: {  	v45 =	vld [tilespmem:s0+$0xFFFFFF40];
	v24 =	vmul.f32 v35, v25;
	[tilespmem:s0+$0xFFFFFEF0] =	vst v31  }
0x253: {  	v29 =	vld [tilespmem:s0+$0xFFFFFED0];
	v27 =	vmul.f32 v27, v26;
	[tilespmem:s0+$0xFFFFFE70] =	vst v21  }
0x254: {  	v47 =	vld [tilespmem:s0+$0xFFFFFF50];
	v21 =	vmul.f32 v36, v25;
	[tilespmem:s0+$0xFFFFFE80] =	vst v24  }
0x255: {  	v46 =	vld [tilespmem:s0+$0xFFFFFF70];
	v24 =	vmul.f32 v41, v25;
	[tilespmem:s0+$0xFFFFFF10] =	vst v27  }
0x256: {  	[tilespmem:s0+$0xFFFFFE90] =	vst v21;
	v21 =	vmul.f32 v22, v25;
	v22 =	vld [tilespmem:s0+$0xFFFFFF80]  }
0x257: {  	v28 =	vld [tilespmem:s0+$0xFFFFFF00];
	v27 =	vmul.f32 v44, v26;
	[tilespmem:s0+$0xFFFFFEA0] =	vst v24  }
0x258: {  	v30 =	vld [tilespmem:s0+$0xFFFFFEE0];
	[tilespmem:s0+$0xFFFFFEB0] =	vst v21;
	v21 =	vmul.f32 v29, v25  }
0x259: {  	v48 =	vld [tilespmem:s0+$0xFFFFFFF0];
	[tilespmem:s0+$0xFFFFFF30] =	vst v27;
	v27 =	vmul.f32 v47, v26  }
0x25a: {  	v24 =	vld [tilespmem:s0+$0xFFFFFF90];
	[tilespmem:s0+$0xFFFFFED0] =	vst v21;
	v21 =	vmul.f32 v46, v20  }
0x25b: {  	v49 =	vld [tilespmem:s0+$0x0];
	[tilespmem:s0+$0xFFFFFF50] =	vst v27;
	v22 =	vmul.f32 v22, v20  }
0x25c: {  	v25 =	vld [tilespmem:s0+$0xFFFFFFA0];
	[tilespmem:s0+$0xFFFFFF70] =	vst v21;
	v21 =	vmul.f32 v28, v26  }
0x25d: {  	s1 =	simm.s32 $0x5;
	v23 =	vmul.f32 v30, v26;
	v31 =	vld [tilespmem:s0+$0xFFFFFF60];
	[tilespmem:s0+$0xFFFFFF80] =	vst v22  }
0x25e: {  	v27 =	vld [tilespmem:s0+$0x40];
	v22 =	vmov s1;
	[tilespmem:s0+$0xFFFFFF00] =	vst v21;
	v21 =	vmul.f32 v43, v26  }
0x25f: {  	v51 =	vld [tilespmem:s0+$0x20];
	[tilespmem:s0+$0xFFFFFEE0] =	vst v23;
	v24 =	vmul.f32 v24, v20;
	v22 =	vshrl.u32 v22, $0x3  }
0x260: {  	v28 =	vld [tilespmem:s0+$0xFFFFFFE0];
	v22 =	vshll.u32 v22, v16;
	[tilespmem:s0+$0xFFFFFF20] =	vst v21;
	v21 =	vmul.f32 v45, v26  }
0x261: {  	v29 =	vld [tilespmem:s0+$0xFFFFFFB0];
	v25 =	vmul.f32 v25, v20;
	[tilespmem:s0+$0xFFFFFF90] =	vst v24;
	v22 =	vadd.s32 $0x5, v22  }
0x262: {  	v30 =	vld [tilespmem:s0+$0xFFFFFFC0];
	v22 =	vbroadcast v22, $0x0;
	[tilespmem:s0+$0xFFFFFF40] =	vst v21;
	v21 =	vmul.f32 v31, v26  }
0x263: {  	v23 =	vld [tilespmem:s0+$0xFFFFFFD0];
	v27 =	vmul.f32 v27, v19;
	[tilespmem:s0+$0xFFFFFFA0] =	vst v25  }
0x264: {  	v53 =	vld [tilespmem:s0+$0xB0];
	[tilespmem:s0+$0xFFFFFF60] =	vst v21;
	v21 =	vmul.f32 v49, v19  }
0x265: {  	v25 =	vld [tilespmem:s0+$0x70];
	[tilespmem:s0+$0x40] =	vst v27;
	v28 =	vmul.f32 v28, v20  }
0x266: {  	v26 =	vld [tilespmem:s0+$0x30];
	[tilespmem:s0+$0x0] =	vst v21;
	v21 =	vmul.f32 v29, v20  }
0x267: {  	v31 =	vld [tilespmem:s0+$0x50];
	[tilespmem:s0+$0xFFFFFFE0] =	vst v28;
	v29 =	vmul.f32 v30, v20  }
0x268: {  	s16 =	simm.s32 $0x6;
	v22 =	vld.idx.msk [tilespmem:v22+s14+$0x0], $0xffff;
	[tilespmem:s0+$0xFFFFFFB0] =	vst v21;
	v21 =	vmul.f32 v23, v20  }
0x269: {  	v28 =	vmul.f32 v51, v19;
	v30 =	vmov s16;
	[tilespmem:s0+$0xFFFFFFC0] =	vst v29;
	v29 =	vld [tilespmem:s0+$0x90]  }
0x26a: {  	v30 =	vshrl.u32 v30, $0x3;
	v20 =	vmul.f32 v48, v20;
	[tilespmem:s0+$0xFFFFFFD0] =	vst v21;
	v21 =	vld [tilespmem:s0+$0xA0]  }
0x26b: {  	v24 =	vld [tilespmem:s0+$0x60];
	v25 =	vmul.f32 v25, v19;
	[tilespmem:s0+$0x20] =	vst v28;
	v30 =	vshll.u32 v30, v16  }
0x26c: {  	v23 =	vld [tilespmem:s0+$0x80];
	v30 =	vadd.s32 $0x6, v30;
	[tilespmem:s0+$0xFFFFFFF0] =	vst v20;
	v20 =	vmul.f32 v26, v19  }
0x26d: {  	v27 =	vld [tilespmem:s0+$0xF0];
	[tilespmem:s0+$0x70] =	vst v25;
	v31 =	vmul.f32 v31, v19;
	v30 =	vbroadcast v30, $0x0  }
0x26e: {  	v28 =	vld [tilespmem:s0+$0xD0];
	[tilespmem:s0+$0x30] =	vst v20;
	v20 =	vmul.f32 v29, v22  }
0x26f: {  	[tilespmem:s0+$0x50] =	vst v31;
	v26 =	vld [tilespmem:s0+$0xC0];
	v21 =	vmul.f32 v21, v22  }
0x270: {  	v25 =	vld [tilespmem:s0+$0x120];
	[tilespmem:s0+$0x90] =	vst v20;
	v20 =	vmul.f32 v24, v19  }
0x271: {  	v29 =	vld [tilespmem:s0+$0xE0];
	v19 =	vmul.f32 v23, v19;
	v23 =	vmul.f32 v53, v22;
	[tilespmem:s0+$0xA0] =	vst v21  }
0x272: {  	s1 =	simm.s32 $0x8;
	s16 =	simm.s32 $0x9;
	v24 =	vld [tilespmem:s0+$0x100];
	[tilespmem:s0+$0x60] =	vst v20  }
0x273: {  	v54 =	vld.idx.msk [tilespmem:v30+s14+$0x0], $0xffff;
	v30 =	vmov s16;
	s16 =	simm.s32 $0xB;
	v21 =	vmov s1;
	[tilespmem:s0+$0xB0] =	vst v23;
	v23 =	vmul.f32 v28, v22  }
0x274: {  	v20 =	vld [tilespmem:s0+$0x110];
	[tilespmem:s0+$0x80] =	vst v19;
	s1 =	simm.s32 $0xA;
	v55 =	vmov s16;
	v19 =	vshrl.u32 v21, $0x3;
	v21 =	vmul.f32 v26, v22  }
0x275: {  	s16 =	simm.s32 $0xD;
	v30 =	vshrl.u32 v30, $0x3;
	v26 =	vld [tilespmem:s0+$0x130];
	v31 =	vmov s1;
	[tilespmem:s0+$0xD0] =	vst v23;
	v23 =	vmul.f32 v27, v22  }
0x276: {  	v28 =	vld [tilespmem:s0+$0x140];
	s1 =	simm.s32 $0xC;
	v57 =	vmov s16;
	v30 =	vshll.u32 v30, v16;
	[tilespmem:s0+$0xC0] =	vst v21;
	v21 =	vmul.f32 v29, v22  }
0x277: {  	v56 =	vmov s1;
	v19 =	vshll.u32 v19, v16;
	v29 =	vld [tilespmem:s0+$0x150];
	[tilespmem:s0+$0xF0] =	vst v23;
	v23 =	vmul.f32 v24, v22  }
0x278: {  	s1 =	simm.s32 $0xE;
	v27 =	vld [tilespmem:s0+$0x160];
	v60 =	vshrl.u32 v57, $0x3;
	v30 =	vadd.s32 $0x1, v30;
	[tilespmem:s0+$0xE0] =	vst v21;
	v21 =	vmul.f32 v25, v54  }
0x279: {  	v58 =	vmov s1;
	v59 =	vshrl.u32 v56, $0x3;
	v25 =	vld [tilespmem:s0+$0x170];
	v22 =	vmul.f32 v20, v22;
	[tilespmem:s0+$0x100] =	vst v23  }
0x27a: {  	v24 =	vshrl.u32 v31, $0x3;
	v31 =	vld [tilespmem:s0+$0x180];
	v20 =	vbroadcast v19, $0x0;
	v26 =	vmul.f32 v26, v54;
	[tilespmem:s0+$0x120] =	vst v21  }
0x27b: {  	v61 =	vld [tilespmem:s0+$0x190];
	v19 =	vshrl.u32 v58, $0x3;
	v24 =	vshll.u32 v24, v16;
	v23 =	vmul.f32 v28, v54;
	[tilespmem:s0+$0x110] =	vst v22  }
0x27c: {  	v62 =	vld [tilespmem:s0+$0x1A0];
	v19 =	vshll.u32 v19, v16;
	v63 =	vadd.s32 $0x2, v24;
	[tilespmem:s0+$0x130] =	vst v26;
	v26 =	vmul.f32 v29, v54  }
0x27d: {  	v21 =	vshrl.u32 v55, $0x3;
	v22 =	vshll.u32 v59, v16;
	v27 =	vmul.f32 v27, v54;
	[tilespmem:s0+$0x140] =	vst v23;
	v23 =	vld [tilespmem:s0+$0x1B0]  }
0x27e: {  	v24 =	vld [tilespmem:s0+$0x1C0];
	v21 =	vshll.u32 v21, v16;
	v29 =	vshll.u32 v60, v16;
	[tilespmem:s0+$0x150] =	vst v26;
	v26 =	vmul.f32 v25, v54  }
0x27f: {  	v28 =	vadd.s32 $0x4, v22;
	v22 =	vbroadcast v63, $0x0;
	[tilespmem:s0+$0x160] =	vst v27;
	v27 =	vmul.f32 v31, v54;
	v25 =	vld [tilespmem:s0+$0x1D0]  }
0x280: {  	v32 =	vadd.s32 $0x3, v21;
	v21 =	vbroadcast v30, $0x0;
	v31 =	vmul.f32 v61, v54;
	[tilespmem:s0+$0x170] =	vst v26;
	v26 =	vld [tilespmem:s0+$0x1E0]  }
0x281: {  	s11 =	simm.s32 $0xF;
	s16 =	simm.s32 $0x10;
	v29 =	vadd.s32 $0x5, v29;
	v30 =	vadd.s32 $0x6, v19;
	v19 =	vmul.f32 v62, v54;
	[tilespmem:s0+$0x180] =	vst v27;
	v27 =	vld [tilespmem:s0+$0x1F0]  }
.LBB2_7:
0x282: {  	p0 =	slt.u32 s16, $0x78;
	v32 =	vbroadcast v32, $0x0;
	v33 =	vmov s11;
	[tilespmem:s0+$0x190] =	vst v31;
	v23 =	vmul.f32 v23, v18;
	v31 =	vld [tilespmem:s0+$0x200]  }
0x283: {  	v28 =	vbroadcast v28, $0x0;
	v33 =	vshrl.u32 v33, $0x3;
	[tilespmem:s0+$0x1A0] =	vst v19;
	v19 =	vmul.f32 v24, v18;
	v24 =	vld [tilespmem:s0+$0x210]  }
0x284: {  	v29 =	vbroadcast v29, $0x0;
	v33 =	vshll.u32 v33, v16;
	[tilespmem:s0+$0x1B0] =	vst v23;
	v23 =	vmul.f32 v25, v18;
	v25 =	vld [tilespmem:s0+$0x220]  }
0x285: {  	v30 =	vbroadcast v30, $0x0;
	v34 =	vld.idx.msk [tilespmem:v20+s14+$0x0], $0xffff;
	v20 =	vadd.s32 $0x7, v33;
	[tilespmem:s0+$0x1C0] =	vst v19;
	v19 =	vmul.f32 v26, v18  }
0x286: {  	v26 =	vld.idx.msk [tilespmem:v21+s14+$0x0], $0xffff;
	v33 =	vbroadcast v20, $0x0;
	[tilespmem:s0+$0x1D0] =	vst v23;
	v20 =	vmul.f32 v27, v18  }
0x287: {  	v23 =	vld.idx.msk [tilespmem:v22+s14+$0x0], $0xffff;
	[tilespmem:s0+$0x1E0] =	vst v19;
	v19 =	vmul.f32 v31, v18  }
0x288: {  	v22 =	vld.idx.msk [tilespmem:v32+s14+$0x0], $0xffff;
	[tilespmem:s0+$0x1F0] =	vst v20;
	v24 =	vmul.f32 v24, v18  }
0x289: {  	v21 =	vld.idx.msk [tilespmem:v28+s14+$0x0], $0xffff;
	[tilespmem:s0+$0x200] =	vst v19;
	v18 =	vmul.f32 v25, v18  }
0x28a: {  	v20 =	vld.idx.msk [tilespmem:v29+s14+$0x0], $0xffff;
	[tilespmem:s0+$0x210] =	vst v24  }
0x28b: {  	v19 =	vld.idx.msk [tilespmem:v30+s14+$0x0], $0xffff;
	[tilespmem:s0+$0x220] =	vst v18  }
0x28c: {  	s0 =	sadd.s32 $0x480, s0;
	v18 =	vld.idx.msk [tilespmem:v33+s14+$0x0], $0xffff  }
0x28d: {  	v24 =	vld [tilespmem:s0+$0x230]  }
0x28e: {  	v25 =	vld [tilespmem:s0+$0xFFFFFDC0]  }
0x28f: {  	v27 =	vld [tilespmem:s0+$0xFFFFFDD0]  }
0x290: {  	v28 =	vld [tilespmem:s0+$0xFFFFFDE0]  }
0x291: {  	v29 =	vld [tilespmem:s0+$0xFFFFFDF0]  }
0x292: {  	v30 =	vld [tilespmem:s0+$0xFFFFFE00];
	v24 =	vmul.f32 v24, v18  }
0x293: {  	v25 =	vmul.f32 v25, v34;
	v31 =	vld [tilespmem:s0+$0xFFFFFE10]  }
0x294: {  	v27 =	vmul.f32 v27, v34;
	v32 =	vld [tilespmem:s0+$0xFFFFFE20];
	[tilespmem:s0+$0x230] =	vst v24  }
0x295: {  	[tilespmem:s0+$0xFFFFFDC0] =	vst v25;
	v24 =	vmul.f32 v28, v34;
	v25 =	vld [tilespmem:s0+$0xFFFFFE30]  }
0x296: {  	[tilespmem:s0+$0xFFFFFDD0] =	vst v27;
	v27 =	vmul.f32 v29, v34;
	v28 =	vld [tilespmem:s0+$0xFFFFFE40]  }
0x297: {  	[tilespmem:s0+$0xFFFFFDE0] =	vst v24;
	v24 =	vmul.f32 v30, v34;
	v29 =	vld [tilespmem:s0+$0xFFFFFE50]  }
0x298: {  	[tilespmem:s0+$0xFFFFFDF0] =	vst v27;
	v27 =	vmul.f32 v31, v34;
	v30 =	vld [tilespmem:s0+$0xFFFFFE60]  }
0x299: {  	[tilespmem:s0+$0xFFFFFE00] =	vst v24;
	v24 =	vmul.f32 v32, v34;
	v31 =	vld [tilespmem:s0+$0xFFFFFE70]  }
0x29a: {  	[tilespmem:s0+$0xFFFFFE10] =	vst v27;
	v25 =	vmul.f32 v25, v34;
	v27 =	vld [tilespmem:s0+$0xFFFFFE80]  }
0x29b: {  	[tilespmem:s0+$0xFFFFFE20] =	vst v24;
	v24 =	vmul.f32 v28, v34;
	v28 =	vld [tilespmem:s0+$0xFFFFFE90]  }
0x29c: {  	[tilespmem:s0+$0xFFFFFE30] =	vst v25;
	v25 =	vmul.f32 v29, v26;
	v29 =	vld [tilespmem:s0+$0xFFFFFEA0]  }
0x29d: {  	[tilespmem:s0+$0xFFFFFE40] =	vst v24;
	v24 =	vmul.f32 v30, v26;
	v30 =	vld [tilespmem:s0+$0xFFFFFEB0]  }
0x29e: {  	[tilespmem:s0+$0xFFFFFE50] =	vst v25;
	v25 =	vmul.f32 v31, v26;
	v31 =	vld [tilespmem:s0+$0xFFFFFEC0]  }
0x29f: {  	[tilespmem:s0+$0xFFFFFE60] =	vst v24;
	v24 =	vmul.f32 v27, v26;
	v27 =	vld [tilespmem:s0+$0xFFFFFED0]  }
0x2a0: {  	[tilespmem:s0+$0xFFFFFE70] =	vst v25;
	v25 =	vmul.f32 v28, v26;
	v28 =	vld [tilespmem:s0+$0xFFFFFEE0]  }
0x2a1: {  	[tilespmem:s0+$0xFFFFFE80] =	vst v24;
	v24 =	vmul.f32 v29, v26;
	v29 =	vld [tilespmem:s0+$0xFFFFFEF0]  }
0x2a2: {  	[tilespmem:s0+$0xFFFFFE90] =	vst v25;
	v25 =	vmul.f32 v30, v26;
	v30 =	vld [tilespmem:s0+$0xFFFFFF00]  }
0x2a3: {  	[tilespmem:s0+$0xFFFFFEA0] =	vst v24;
	v24 =	vmul.f32 v31, v26;
	v31 =	vld [tilespmem:s0+$0xFFFFFF10]  }
0x2a4: {  	[tilespmem:s0+$0xFFFFFEB0] =	vst v25;
	v25 =	vmul.f32 v27, v26;
	v26 =	vld [tilespmem:s0+$0xFFFFFF20]  }
0x2a5: {  	[tilespmem:s0+$0xFFFFFEC0] =	vst v24;
	v24 =	vmul.f32 v28, v23;
	v27 =	vld [tilespmem:s0+$0xFFFFFF30]  }
0x2a6: {  	[tilespmem:s0+$0xFFFFFED0] =	vst v25;
	v25 =	vmul.f32 v29, v23;
	v28 =	vld [tilespmem:s0+$0xFFFFFF40]  }
0x2a7: {  	[tilespmem:s0+$0xFFFFFEE0] =	vst v24;
	v24 =	vmul.f32 v30, v23;
	v29 =	vld [tilespmem:s0+$0xFFFFFF50]  }
0x2a8: {  	[tilespmem:s0+$0xFFFFFEF0] =	vst v25;
	v25 =	vmul.f32 v31, v23;
	v30 =	vld [tilespmem:s0+$0xFFFFFF60]  }
0x2a9: {  	[tilespmem:s0+$0xFFFFFF00] =	vst v24;
	v24 =	vmul.f32 v26, v23;
	v26 =	vld [tilespmem:s0+$0xFFFFFF70]  }
0x2aa: {  	[tilespmem:s0+$0xFFFFFF10] =	vst v25;
	v25 =	vmul.f32 v27, v23;
	v27 =	vld [tilespmem:s0+$0xFFFFFF80]  }
0x2ab: {  	[tilespmem:s0+$0xFFFFFF20] =	vst v24;
	v24 =	vmul.f32 v28, v23;
	v28 =	vld [tilespmem:s0+$0xFFFFFF90]  }
0x2ac: {  	[tilespmem:s0+$0xFFFFFF30] =	vst v25;
	v25 =	vmul.f32 v29, v23;
	v29 =	vld [tilespmem:s0+$0xFFFFFFA0]  }
0x2ad: {  	[tilespmem:s0+$0xFFFFFF40] =	vst v24;
	v23 =	vmul.f32 v30, v23;
	v24 =	vld [tilespmem:s0+$0xFFFFFFB0]  }
0x2ae: {  	[tilespmem:s0+$0xFFFFFF50] =	vst v25;
	v25 =	vmul.f32 v26, v22;
	v26 =	vld [tilespmem:s0+$0xFFFFFFC0]  }
0x2af: {  	[tilespmem:s0+$0xFFFFFF60] =	vst v23;
	v23 =	vmul.f32 v27, v22;
	v27 =	vld [tilespmem:s0+$0xFFFFFFD0]  }
0x2b0: {  	[tilespmem:s0+$0xFFFFFF70] =	vst v25;
	v25 =	vmul.f32 v28, v22;
	v28 =	vld [tilespmem:s0+$0xFFFFFFE0]  }
0x2b1: {  	[tilespmem:s0+$0xFFFFFF80] =	vst v23;
	v23 =	vmul.f32 v29, v22;
	v29 =	vld [tilespmem:s0+$0xFFFFFFF0]  }
0x2b2: {  	[tilespmem:s0+$0xFFFFFF90] =	vst v25;
	v24 =	vmul.f32 v24, v22;
	v25 =	vld [tilespmem:s0+$0x0]  }
0x2b3: {  	[tilespmem:s0+$0xFFFFFFA0] =	vst v23;
	v23 =	vmul.f32 v26, v22;
	v26 =	vld [tilespmem:s0+$0x10]  }
0x2b4: {  	[tilespmem:s0+$0xFFFFFFB0] =	vst v24;
	v24 =	vmul.f32 v27, v22;
	v27 =	vld [tilespmem:s0+$0x20]  }
0x2b5: {  	[tilespmem:s0+$0xFFFFFFC0] =	vst v23;
	v23 =	vmul.f32 v28, v22;
	v28 =	vld [tilespmem:s0+$0x30]  }
0x2b6: {  	[tilespmem:s0+$0xFFFFFFD0] =	vst v24;
	v22 =	vmul.f32 v29, v22;
	v24 =	vld [tilespmem:s0+$0x40]  }
0x2b7: {  	[tilespmem:s0+$0xFFFFFFE0] =	vst v23;
	v23 =	vmul.f32 v25, v21;
	v25 =	vld [tilespmem:s0+$0x50]  }
0x2b8: {  	[tilespmem:s0+$0xFFFFFFF0] =	vst v22;
	v22 =	vmul.f32 v26, v21;
	v26 =	vld [tilespmem:s0+$0x60]  }
0x2b9: {  	[tilespmem:s0+$0x0] =	vst v23;
	v23 =	vmul.f32 v27, v21;
	v27 =	vld [tilespmem:s0+$0x70]  }
0x2ba: {  	[tilespmem:s0+$0x10] =	vst v22;
	v22 =	vmul.f32 v28, v21;
	v28 =	vld [tilespmem:s0+$0x80]  }
0x2bb: {  	[tilespmem:s0+$0x20] =	vst v23;
	v23 =	vmul.f32 v24, v21;
	v24 =	vld [tilespmem:s0+$0x90]  }
0x2bc: {  	[tilespmem:s0+$0x30] =	vst v22;
	v22 =	vmul.f32 v25, v21;
	v25 =	vld [tilespmem:s0+$0xA0]  }
0x2bd: {  	[tilespmem:s0+$0x40] =	vst v23;
	v23 =	vmul.f32 v26, v21;
	v26 =	vld [tilespmem:s0+$0xB0]  }
0x2be: {  	[tilespmem:s0+$0x50] =	vst v22;
	v22 =	vmul.f32 v27, v21;
	v27 =	vld [tilespmem:s0+$0xC0]  }
0x2bf: {  	[tilespmem:s0+$0x60] =	vst v23;
	v21 =	vmul.f32 v28, v21;
	v23 =	vld [tilespmem:s0+$0xD0]  }
0x2c0: {  	[tilespmem:s0+$0x70] =	vst v22;
	v22 =	vmul.f32 v24, v20;
	v24 =	vld [tilespmem:s0+$0xE0]  }
0x2c1: {  	[tilespmem:s0+$0x80] =	vst v21;
	v21 =	vmul.f32 v25, v20;
	v25 =	vld [tilespmem:s0+$0xF0]  }
0x2c2: {  	v28 =	vmov s16;
	[tilespmem:s0+$0x90] =	vst v22;
	v22 =	vmul.f32 v26, v20;
	v26 =	vld [tilespmem:s0+$0x100]  }
0x2c3: {  	s11 =	sadd.s32 $0x1, s16;
	s1 =	sadd.s32 $0x2, s16;
	v28 =	vshrl.u32 v28, $0x3;
	[tilespmem:s0+$0xA0] =	vst v21;
	v21 =	vmul.f32 v27, v20;
	v27 =	vld [tilespmem:s0+$0x110]  }
0x2c4: {  	v30 =	vmov s1;
	s1 =	sadd.s32 $0x3, s16;
	v29 =	vmov s11;
	s11 =	sadd.s32 $0x4, s16;
	[tilespmem:s0+$0xB0] =	vst v22;
	v22 =	vmul.f32 v23, v20;
	v23 =	vld [tilespmem:s0+$0x120]  }
0x2c5: {  	v31 =	vmov s1;
	s1 =	sadd.s32 $0x5, s16;
	v32 =	vmov s11;
	s11 =	sadd.s32 $0x6, s16;
	[tilespmem:s0+$0xC0] =	vst v21;
	v21 =	vmul.f32 v24, v20;
	v24 =	vld [tilespmem:s0+$0x130]  }
0x2c6: {  	v33 =	vmov s1;
	v34 =	vmov s11;
	[tilespmem:s0+$0xD0] =	vst v22;
	v22 =	vmul.f32 v25, v20;
	v25 =	vld [tilespmem:s0+$0x140]  }
0x2c7: {  	v29 =	vshrl.u32 v29, $0x3;
	v28 =	vshll.u32 v28, v16;
	[tilespmem:s0+$0xE0] =	vst v21;
	v21 =	vmul.f32 v26, v20;
	v26 =	vld [tilespmem:s0+$0x150]  }
0x2c8: {  	v30 =	vshrl.u32 v30, $0x3;
	v31 =	vshrl.u32 v31, $0x3;
	[tilespmem:s0+$0xF0] =	vst v22;
	v22 =	vmul.f32 v27, v20;
	v27 =	vld [tilespmem:s0+$0x160]  }
0x2c9: {  	v33 =	vshrl.u32 v33, $0x3;
	v32 =	vshrl.u32 v32, $0x3;
	[tilespmem:s0+$0x100] =	vst v21;
	v21 =	vmul.f32 v23, v19;
	v35 =	vld [tilespmem:s0+$0x170]  }
0x2ca: {  	v20 =	vbroadcast v28, $0x0;
	v23 =	vshrl.u32 v34, $0x3;
	[tilespmem:s0+$0x110] =	vst v22;
	v22 =	vmul.f32 v24, v19;
	v34 =	vld [tilespmem:s0+$0x180]  }
0x2cb: {  	v28 =	vshll.u32 v30, v16;
	v24 =	vshll.u32 v29, v16;
	[tilespmem:s0+$0x120] =	vst v21;
	v21 =	vmul.f32 v25, v19;
	v30 =	vld [tilespmem:s0+$0x190]  }
0x2cc: {  	v29 =	vshll.u32 v32, v16;
	v25 =	vshll.u32 v31, v16;
	[tilespmem:s0+$0x130] =	vst v22;
	v22 =	vmul.f32 v26, v19;
	v36 =	vld [tilespmem:s0+$0x1A0]  }
.Ltmp2:
0x2cd: {  	v26 =	vshll.u32 v33, v16;
	v33 =	vshll.u32 v23, v16;
	[tilespmem:s0+$0x140] =	vst v21;
	v21 =	vmul.f32 v27, v19;
	v23 =	vld [tilespmem:s0+$0x1B0];
	(pc) =	sbr.rel @p0 .LBB2_7-.Ltmp2, $4  }
0x2ce: {  	v37 =	vadd.s32 $0x2, v28;
	v27 =	vadd.s32 $0x1, v24;
	[tilespmem:s0+$0x150] =	vst v22;
	v22 =	vmul.f32 v35, v19;
	v24 =	vld [tilespmem:s0+$0x1C0]  }
0x2cf: {  	v28 =	vadd.s32 $0x4, v29;
	v32 =	vadd.s32 $0x3, v25;
	[tilespmem:s0+$0x160] =	vst v21;
	v34 =	vmul.f32 v34, v19;
	v25 =	vld [tilespmem:s0+$0x1D0]  }
0x2d0: {  	v29 =	vadd.s32 $0x5, v26;
	v21 =	vbroadcast v27, $0x0;
	[tilespmem:s0+$0x170] =	vst v22;
	v31 =	vmul.f32 v30, v19;
	v26 =	vld [tilespmem:s0+$0x1E0]  }
0x2d1: {  	s11 =	sadd.s32 $0x7, s16;
	s16 =	sadd.s32 $0x8, s16;
	v22 =	vbroadcast v37, $0x0;
	v30 =	vadd.s32 $0x6, v33;
	[tilespmem:s0+$0x180] =	vst v34;
	v19 =	vmul.f32 v36, v19;
	v27 =	vld [tilespmem:s0+$0x1F0]  }
0x2d2: {  	_ = 	snop  }
0x2d3: {  	v33 =	vld [tilespmem:s0+$0x200]  }
0x2d4: {  	v35 =	vld [tilespmem:s0+$0x210]  }
0x2d5: {  	v23 =	vmul.f32 v23, v18;
	v34 =	vmov s11;
	v59 =	vld [tilespmem:s0+$0x220]  }
0x2d6: {  	v32 =	vbroadcast v32, $0x0;
	v36 =	vld.idx.msk [tilespmem:v20+s14+$0x0], $0xffff;
	v34 =	vshrl.u32 v34, $0x3  }
0x2d7: {  	v28 =	vbroadcast v28, $0x0;
	v20 =	vbroadcast v30, $0x0;
	v30 =	vld.idx.msk [tilespmem:v21+s14+$0x0], $0xffff;
	[tilespmem:s0+$0x1B0] =	vst v23;
	v23 =	vshll.u32 v34, v16  }
0x2d8: {  	v29 =	vbroadcast v29, $0x0;
	s16 =	sadd.s32 $0x480, s0;
	v38 =	vld.idx.msk [tilespmem:v22+s14+$0x0], $0xffff;
	v24 =	vmul.f32 v24, v18;
	v23 =	vadd.s32 $0x7, v23  }
0x2d9: {  	[tilespmem:s0+$0x190] =	vst v31;
	v31 =	vld [tilespmem:s16+$0xFFFFFE20];
	v25 =	vmul.f32 v25, v18;
	v37 =	vbroadcast v23, $0x0  }
0x2da: {  	[tilespmem:s0+$0x1C0] =	vst v24;
	v24 =	vmul.f32 v26, v18;
	v26 =	vld [tilespmem:s16+$0x230]  }
0x2db: {  	[tilespmem:s0+$0x1D0] =	vst v25;
	v25 =	vmul.f32 v27, v18;
	v27 =	vld [tilespmem:s16+$0xFFFFFDC0]  }
0x2dc: {  	v23 =	vld.idx.msk [tilespmem:v32+s14+$0x0], $0xffff  }
0x2dd: {  	v22 =	vld.idx.msk [tilespmem:v28+s14+$0x0], $0xffff  }
0x2de: {  	[tilespmem:s0+$0x1A0] =	vst v19;
	v21 =	vld.idx.msk [tilespmem:v29+s14+$0x0], $0xffff  }
0x2df: {  	[tilespmem:s0+$0x1E0] =	vst v24;
	v24 =	vmul.f32 v33, v18;
	v19 =	vld.idx.msk [tilespmem:v37+s14+$0x0], $0xffff  }
0x2e0: {  	v28 =	vld [tilespmem:s16+$0xFFFFFDD0];
	[tilespmem:s0+$0x1F0] =	vst v25;
	v25 =	vmul.f32 v35, v18  }
0x2e1: {  	v29 =	vld [tilespmem:s16+$0xFFFFFDE0];
	v18 =	vmul.f32 v59, v18;
	[tilespmem:s0+$0x200] =	vst v24  }
0x2e2: {  	v24 =	vld [tilespmem:s16+$0xFFFFFDF0];
	[tilespmem:s0+$0x210] =	vst v25  }
0x2e3: {  	v25 =	vld [tilespmem:s16+$0xFFFFFE00];
	[tilespmem:s0+$0x220] =	vst v18;
	v18 =	vmul.f32 v27, v36  }
0x2e4: {  	v27 =	vld [tilespmem:s16+$0xFFFFFE10];
	v26 =	vmul.f32 v26, v19  }
0x2e5: {  	v20 =	vld.idx.msk [tilespmem:v20+s14+$0x0], $0xffff;
	v28 =	vmul.f32 v28, v36;
	[tilespmem:s16+$0xFFFFFDC0] =	vst v18  }
0x2e6: {  	v18 =	vmul.f32 v29, v36;
	[tilespmem:s16+$0x230] =	vst v26;
	v26 =	vld [tilespmem:s16+$0xFFFFFE30]  }
0x2e7: {  	v24 =	vmul.f32 v24, v36;
	[tilespmem:s16+$0xFFFFFDD0] =	vst v28;
	v28 =	vld [tilespmem:s16+$0xFFFFFE40]  }
0x2e8: {  	[tilespmem:s16+$0xFFFFFDE0] =	vst v18;
	v18 =	vmul.f32 v25, v36;
	v25 =	vld [tilespmem:s16+$0xFFFFFE50]  }
0x2e9: {  	[tilespmem:s16+$0xFFFFFDF0] =	vst v24;
	v24 =	vmul.f32 v27, v36;
	v27 =	vld [tilespmem:s16+$0xFFFFFE60]  }
0x2ea: {  	v29 =	vld [tilespmem:s16+$0xFFFFFE70];
	[tilespmem:s16+$0xFFFFFE00] =	vst v18;
	v18 =	vmul.f32 v31, v36  }
0x2eb: {  	[tilespmem:s16+$0xFFFFFE10] =	vst v24;
	v24 =	vmul.f32 v26, v36;
	v26 =	vld [tilespmem:s16+$0xFFFFFE80]  }
0x2ec: {  	[tilespmem:s16+$0xFFFFFE20] =	vst v18;
	v18 =	vmul.f32 v28, v36;
	v28 =	vld [tilespmem:s16+$0xFFFFFE90]  }
0x2ed: {  	[tilespmem:s16+$0xFFFFFE30] =	vst v24;
	v24 =	vmul.f32 v25, v30;
	v25 =	vld [tilespmem:s16+$0xFFFFFEA0]  }
0x2ee: {  	[tilespmem:s16+$0xFFFFFE40] =	vst v18;
	v18 =	vmul.f32 v27, v30;
	v27 =	vld [tilespmem:s16+$0xFFFFFEB0]  }
0x2ef: {  	[tilespmem:s16+$0xFFFFFE50] =	vst v24;
	v24 =	vmul.f32 v29, v30;
	v29 =	vld [tilespmem:s16+$0xFFFFFEC0]  }
0x2f0: {  	[tilespmem:s16+$0xFFFFFE60] =	vst v18;
	v18 =	vmul.f32 v26, v30;
	v26 =	vld [tilespmem:s16+$0xFFFFFED0]  }
0x2f1: {  	[tilespmem:s16+$0xFFFFFE70] =	vst v24;
	v24 =	vmul.f32 v28, v30;
	v28 =	vld [tilespmem:s16+$0xFFFFFEE0]  }
0x2f2: {  	[tilespmem:s16+$0xFFFFFE80] =	vst v18;
	v18 =	vmul.f32 v25, v30;
	v25 =	vld [tilespmem:s16+$0xFFFFFEF0]  }
0x2f3: {  	[tilespmem:s16+$0xFFFFFE90] =	vst v24;
	v24 =	vmul.f32 v27, v30;
	v27 =	vld [tilespmem:s16+$0xFFFFFF00]  }
0x2f4: {  	[tilespmem:s16+$0xFFFFFEA0] =	vst v18;
	v18 =	vmul.f32 v29, v30;
	v29 =	vld [tilespmem:s16+$0xFFFFFF10]  }
0x2f5: {  	[tilespmem:s16+$0xFFFFFEB0] =	vst v24;
	v24 =	vmul.f32 v26, v30;
	v26 =	vld [tilespmem:s16+$0xFFFFFF20]  }
0x2f6: {  	[tilespmem:s16+$0xFFFFFEC0] =	vst v18;
	v18 =	vmul.f32 v28, v38;
	v28 =	vld [tilespmem:s16+$0xFFFFFF30]  }
0x2f7: {  	[tilespmem:s16+$0xFFFFFED0] =	vst v24;
	v24 =	vmul.f32 v25, v38;
	v25 =	vld [tilespmem:s16+$0xFFFFFF40]  }
0x2f8: {  	[tilespmem:s16+$0xFFFFFEE0] =	vst v18;
	v18 =	vmul.f32 v27, v38;
	v27 =	vld [tilespmem:s16+$0xFFFFFF50]  }
0x2f9: {  	[tilespmem:s16+$0xFFFFFEF0] =	vst v24;
	v24 =	vmul.f32 v29, v38;
	v29 =	vld [tilespmem:s16+$0xFFFFFF60]  }
0x2fa: {  	[tilespmem:s16+$0xFFFFFF00] =	vst v18;
	v18 =	vmul.f32 v26, v38;
	v26 =	vld [tilespmem:s16+$0xFFFFFF70]  }
0x2fb: {  	[tilespmem:s16+$0xFFFFFF10] =	vst v24;
	v24 =	vmul.f32 v28, v38;
	v28 =	vld [tilespmem:s16+$0xFFFFFF80]  }
0x2fc: {  	[tilespmem:s16+$0xFFFFFF20] =	vst v18;
	v18 =	vmul.f32 v25, v38;
	v25 =	vld [tilespmem:s16+$0xFFFFFF90]  }
0x2fd: {  	[tilespmem:s16+$0xFFFFFF30] =	vst v24;
	v24 =	vmul.f32 v27, v38;
	v27 =	vld [tilespmem:s16+$0xFFFFFFA0]  }
0x2fe: {  	[tilespmem:s16+$0xFFFFFF40] =	vst v18;
	v18 =	vmul.f32 v29, v38;
	v29 =	vld [tilespmem:s16+$0xFFFFFFB0]  }
0x2ff: {  	[tilespmem:s16+$0xFFFFFF50] =	vst v24;
	v24 =	vmul.f32 v26, v23;
	v26 =	vld [tilespmem:s16+$0xFFFFFFC0]  }
0x300: {  	[tilespmem:s16+$0xFFFFFF60] =	vst v18;
	v18 =	vmul.f32 v28, v23;
	v28 =	vld [tilespmem:s16+$0xFFFFFFD0]  }
0x301: {  	[tilespmem:s16+$0xFFFFFF70] =	vst v24;
	v24 =	vmul.f32 v25, v23;
	v25 =	vld [tilespmem:s16+$0xFFFFFFE0]  }
0x302: {  	[tilespmem:s16+$0xFFFFFF80] =	vst v18;
	v18 =	vmul.f32 v27, v23;
	v27 =	vld [tilespmem:s16+$0xFFFFFFF0]  }
0x303: {  	[tilespmem:s16+$0xFFFFFF90] =	vst v24;
	v24 =	vmul.f32 v29, v23;
	v29 =	vld [tilespmem:s16+$0x0]  }
0x304: {  	[tilespmem:s16+$0xFFFFFFA0] =	vst v18;
	v18 =	vmul.f32 v26, v23;
	v26 =	vld [tilespmem:s16+$0x10]  }
0x305: {  	[tilespmem:s16+$0xFFFFFFB0] =	vst v24;
	v24 =	vmul.f32 v28, v23;
	v28 =	vld [tilespmem:s16+$0x20]  }
0x306: {  	[tilespmem:s16+$0xFFFFFFC0] =	vst v18;
	v18 =	vmul.f32 v25, v23;
	v25 =	vld [tilespmem:s16+$0x30]  }
0x307: {  	[tilespmem:s16+$0xFFFFFFD0] =	vst v24;
	v23 =	vmul.f32 v27, v23;
	v24 =	vld [tilespmem:s16+$0x40]  }
0x308: {  	v27 =	vld [tilespmem:s16+$0x50];
	[tilespmem:s16+$0xFFFFFFE0] =	vst v18;
	v18 =	vmul.f32 v29, v22  }
0x309: {  	[tilespmem:s16+$0xFFFFFFF0] =	vst v23;
	v23 =	vmul.f32 v26, v22;
	v26 =	vld [tilespmem:s16+$0x60]  }
0x30a: {  	[tilespmem:s16+$0x0] =	vst v18;
	v18 =	vmul.f32 v28, v22;
	v28 =	vld [tilespmem:s16+$0x70]  }
0x30b: {  	[tilespmem:s16+$0x10] =	vst v23;
	v23 =	vmul.f32 v25, v22;
	v25 =	vld [tilespmem:s16+$0x80]  }
0x30c: {  	[tilespmem:s16+$0x20] =	vst v18;
	v18 =	vmul.f32 v24, v22;
	v24 =	vld [tilespmem:s16+$0x90]  }
0x30d: {  	[tilespmem:s16+$0x30] =	vst v23;
	v23 =	vmul.f32 v27, v22;
	v27 =	vld [tilespmem:s16+$0xA0]  }
0x30e: {  	[tilespmem:s16+$0x40] =	vst v18;
	v18 =	vmul.f32 v26, v22;
	v26 =	vld [tilespmem:s16+$0xB0]  }
0x30f: {  	[tilespmem:s16+$0x50] =	vst v23;
	v23 =	vmul.f32 v28, v22;
	v28 =	vld [tilespmem:s16+$0xC0]  }
0x310: {  	[tilespmem:s16+$0x60] =	vst v18;
	v18 =	vmul.f32 v25, v22;
	v22 =	vld [tilespmem:s16+$0xD0]  }
0x311: {  	[tilespmem:s16+$0x70] =	vst v23;
	v23 =	vmul.f32 v24, v21;
	v24 =	vld [tilespmem:s16+$0xE0]  }
0x312: {  	v25 =	vld [tilespmem:s16+$0xF0];
	[tilespmem:s16+$0x80] =	vst v18;
	v18 =	vmul.f32 v27, v21  }
0x313: {  	[tilespmem:s16+$0x90] =	vst v23;
	v23 =	vmul.f32 v26, v21;
	v26 =	vld [tilespmem:s16+$0x100]  }
0x314: {  	v27 =	vld [tilespmem:s16+$0x110];
	[tilespmem:s16+$0xA0] =	vst v18;
	v18 =	vmul.f32 v28, v21  }
0x315: {  	[tilespmem:s16+$0xB0] =	vst v23;
	v22 =	vmul.f32 v22, v21;
	v23 =	vld [tilespmem:s16+$0x120]  }
0x316: {  	[tilespmem:s16+$0xC0] =	vst v18;
	v18 =	vmul.f32 v24, v21;
	v24 =	vld [tilespmem:s16+$0x130]  }
0x317: {  	[tilespmem:s16+$0xD0] =	vst v22;
	v22 =	vmul.f32 v25, v21;
	v25 =	vld [tilespmem:s16+$0x140]  }
0x318: {  	[tilespmem:s16+$0xE0] =	vst v18;
	v18 =	vmul.f32 v26, v21;
	v26 =	vld [tilespmem:s16+$0x150]  }
0x319: {  	v21 =	vmul.f32 v27, v21;
	[tilespmem:s16+$0xF0] =	vst v22;
	v22 =	vld [tilespmem:s16+$0x160]  }
0x31a: {  	[tilespmem:s16+$0x100] =	vst v18;
	v18 =	vmul.f32 v23, v20;
	v23 =	vld [tilespmem:s16+$0x170]  }
0x31b: {  	[tilespmem:s16+$0x110] =	vst v21;
	v21 =	vmul.f32 v24, v20;
	v24 =	vld [tilespmem:s16+$0x180]  }
0x31c: {  	[tilespmem:s16+$0x120] =	vst v18;
	v18 =	vmul.f32 v25, v20;
	v25 =	vld [tilespmem:s16+$0x190]  }
0x31d: {  	[tilespmem:s16+$0x130] =	vst v21;
	v21 =	vmul.f32 v26, v20;
	v26 =	vld [tilespmem:s16+$0x1A0]  }
0x31e: {  	[tilespmem:s16+$0x140] =	vst v18;
	v18 =	vmul.f32 v22, v20;
	v22 =	vld [tilespmem:s16+$0x1B0]  }
0x31f: {  	[tilespmem:s16+$0x150] =	vst v21;
	v21 =	vmul.f32 v23, v20;
	v23 =	vld [tilespmem:s16+$0x1C0]  }
0x320: {  	[tilespmem:s16+$0x160] =	vst v18;
	v18 =	vmul.f32 v24, v20;
	v24 =	vld [tilespmem:s16+$0x1D0]  }
0x321: {  	[tilespmem:s16+$0x170] =	vst v21;
	v21 =	vmul.f32 v25, v20;
	v25 =	vld [tilespmem:s16+$0x1E0]  }
0x322: {  	[tilespmem:s16+$0x180] =	vst v18;
	v18 =	vmul.f32 v26, v20;
	v20 =	vld [tilespmem:s16+$0x1F0]  }
0x323: {  	[tilespmem:s16+$0x190] =	vst v21;
	v21 =	vmul.f32 v22, v19;
	v22 =	vld [tilespmem:s16+$0x200]  }
0x324: {  	[tilespmem:s16+$0x1A0] =	vst v18;
	v18 =	vmul.f32 v23, v19;
	v23 =	vld [tilespmem:s16+$0x210]  }
0x325: {  	[tilespmem:s16+$0x1B0] =	vst v21;
	v21 =	vmul.f32 v24, v19;
	v24 =	vld [tilespmem:s16+$0x220]  }
0x326: {  	[tilespmem:s16+$0x1C0] =	vst v18;
	v18 =	vmul.f32 v25, v19  }
0x327: {  	[tilespmem:s16+$0x1D0] =	vst v21;
	v20 =	vmul.f32 v20, v19  }
0x328: {  	[tilespmem:s16+$0x1E0] =	vst v18;
	v18 =	vmul.f32 v22, v19  }
0x329: {  	[tilespmem:s16+$0x1F0] =	vst v20;
	v20 =	vmul.f32 v23, v19  }
0x32a: {  	[tilespmem:s16+$0x200] =	vst v18;
	v18 =	vmul.f32 v24, v19  }
0x32b: {  	[tilespmem:s16+$0x210] =	vst v20  }
0x32c: {  	[tilespmem:s16+$0x220] =	vst v18  }
0x32d: {  	[spmem:s2] =	stream.indirect.scatter.add.f32 [tilespmem:s4], [sflag:$0x6], $0x90, s7, s28, $0xb8;
	[tilespmem:$0x1FC10] =	vst v63  }
0x32e: {  	s16 =	sadd.s32 s10, s18;
	_ =	swait.ge [sflag:s8], $0x4800  }
0x32f: {  	s0 =	sshrl.u32 s16, $0x3;
	[sflag:s8] =	ssyncset.done $0x0  }
0x330: {  	s0 =	sadd.s32 s9, s0;
	[sflag:s8] =	ssyncadd.s32 $0xFFFFB800  }
0x331: {  	[tilespmem:s3], [sflag:$0x7] =	stream.strided.gather [hbm4b:s0+s28], $0x100, s29, s28, $0x38;
	[tilespmem:$0x1FC10] =	vst v63  }
0x332: {  	_ =	swait.ge [sflag:s25], $0x100  }
0x333: {  	[sflag:s25] =	ssyncset.done $0x0  }
0x334: {  	[sflag:s25] =	ssyncadd.s32 $0xFFFFFF00  }
0x335: {  	[tilespmem:s4], [sflag:$0x2] =	stream.indirect.gather [hbm4b:s5+s28], $0x90, s3, s28, $0xb8;
	[tilespmem:$0x1FC10] =	vst v63  }
0x336: {  	s1 =	simm.s32 $0x290  }
0x337: {  	[tilespmem:s1], [sflag:$0x4] =	stream.indirect.gather [hbm4b:s6+s28], $0x1, s7, s28, $0xb8;
	[tilespmem:$0x1FC10] =	vst v63  }
0x338: {  	_ =	swait.ge [sflag:s19], $0x4800  }
0x339: {  	[sflag:s19] =	ssyncset.done $0x0  }
0x33a: {  	[sflag:s19] =	ssyncadd.s32 $0xFFFFB800  }
0x33b: {  	_ =	swait.ge [sflag:s20], $0x80  }
0x33c: {  	[sflag:s20] =	ssyncset.done $0x0  }
0x33d: {  	[sflag:s20] =	ssyncadd.s32 $0xFFFFFF80  }
0x33e: {  	v18 =	vld.idx.msk [tilespmem:v8+s26+$0x0], $0xffff  }
0x33f: {  	v19 =	vld [tilespmem:$0x210];
	_ =	sdelay $0x4  }
0x340: {  	v18 =	vadd.f32 v19, v18;
	_ =	sdelay $0x1  }
0x341: {  	v19 =	vmul.f32 $2.000000030e-01, v18  }
0x342: {  	vm8 =	vgt.f32 v18, $0.0e+00  }
0x343: {  	v18 =	vsel vm8, v18, v19  }
0x344: {  	v18 =	vsub.f32 v18, v17;
	_ =	sdelay $0x1  }
0x345: {  	v18 =	vmul.f32 $1.442695020e+00, v18;
	_ =	sdelay $0x1  }
0x346: {  	(erf) = vpow2.f32 v18;
	_ =	sdelay $0x6  }
0x347: {  	s16 =	smov.u32 s9;
	s9 =	sadd.s32 s15, s13  }
0x348: {  	v18 =	vmov s9  }
0x349: {  	vm8 =	vlt.u32 v18, $0x50910;
	v19 =	vpop (erf)  }
0x34a: {  	v19 =	vnsel vm8, $0x0, v19  }
0x34b: {  	v20 =	vld [tilespmem:$0x220];
	[tilespmem:$0x310] =	vst v19  }
0x34c: {  	v19 =	vld.idx.msk [tilespmem:v9+s26+$0x0], $0xffff;
	_ =	sdelay $0x4  }
0x34d: {  	v19 =	vadd.f32 v20, v19;
	_ =	sdelay $0x1  }
0x34e: {  	v20 =	vmul.f32 $2.000000030e-01, v19  }
0x34f: {  	vm8 =	vgt.f32 v19, $0.0e+00  }
0x350: {  	v19 =	vsel vm8, v19, v20  }
0x351: {  	v19 =	vsub.f32 v19, v17;
	_ =	sdelay $0x1  }
0x352: {  	v19 =	vmul.f32 $1.442695020e+00, v19;
	_ =	sdelay $0x1  }
0x353: {  	(erf) = vpow2.f32 v19;
	_ =	sdelay $0x8  }
0x354: {  	vm8 =	vlt.u32 v18, v7;
	v19 =	vpop (erf)  }
0x355: {  	v19 =	vnsel vm8, $0x0, v19  }
0x356: {  	v20 =	vld [tilespmem:$0x230];
	[tilespmem:$0x320] =	vst v19  }
0x357: {  	v19 =	vld.idx.msk [tilespmem:v10+s26+$0x0], $0xffff;
	_ =	sdelay $0x4  }
0x358: {  	v19 =	vadd.f32 v20, v19;
	_ =	sdelay $0x1  }
0x359: {  	v20 =	vmul.f32 $2.000000030e-01, v19  }
0x35a: {  	vm8 =	vgt.f32 v19, $0.0e+00  }
0x35b: {  	v19 =	vsel vm8, v19, v20  }
0x35c: {  	v19 =	vsub.f32 v19, v17;
	_ =	sdelay $0x1  }
0x35d: {  	v19 =	vmul.f32 $1.442695020e+00, v19;
	_ =	sdelay $0x1  }
0x35e: {  	(erf) = vpow2.f32 v19;
	_ =	sdelay $0x8  }
0x35f: {  	vm8 =	vlt.u32 v18, v6;
	v19 =	vpop (erf)  }
0x360: {  	v19 =	vnsel vm8, $0x0, v19  }
0x361: {  	v20 =	vld [tilespmem:$0x240];
	[tilespmem:$0x330] =	vst v19  }
0x362: {  	v19 =	vld.idx.msk [tilespmem:v11+s26+$0x0], $0xffff;
	_ =	sdelay $0x4  }
0x363: {  	v19 =	vadd.f32 v20, v19;
	_ =	sdelay $0x1  }
0x364: {  	v20 =	vmul.f32 $2.000000030e-01, v19  }
0x365: {  	vm8 =	vgt.f32 v19, $0.0e+00  }
0x366: {  	v19 =	vsel vm8, v19, v20  }
0x367: {  	v19 =	vsub.f32 v19, v17;
	_ =	sdelay $0x1  }
0x368: {  	v19 =	vmul.f32 $1.442695020e+00, v19;
	_ =	sdelay $0x1  }
0x369: {  	(erf) = vpow2.f32 v19;
	_ =	sdelay $0x8  }
0x36a: {  	vm8 =	vlt.u32 v18, v5;
	v19 =	vpop (erf)  }
0x36b: {  	v19 =	vnsel vm8, $0x0, v19  }
0x36c: {  	v20 =	vld [tilespmem:$0x250];
	[tilespmem:$0x340] =	vst v19  }
0x36d: {  	v19 =	vld.idx.msk [tilespmem:v12+s26+$0x0], $0xffff;
	_ =	sdelay $0x4  }
0x36e: {  	v19 =	vadd.f32 v20, v19;
	_ =	sdelay $0x1  }
0x36f: {  	v20 =	vmul.f32 $2.000000030e-01, v19  }
0x370: {  	vm8 =	vgt.f32 v19, $0.0e+00  }
0x371: {  	v19 =	vsel vm8, v19, v20  }
0x372: {  	v19 =	vsub.f32 v19, v17;
	_ =	sdelay $0x1  }
0x373: {  	v19 =	vmul.f32 $1.442695020e+00, v19;
	_ =	sdelay $0x1  }
0x374: {  	(erf) = vpow2.f32 v19;
	_ =	sdelay $0x8  }
0x375: {  	vm8 =	vlt.u32 v18, v4;
	v19 =	vpop (erf)  }
0x376: {  	v19 =	vnsel vm8, $0x0, v19  }
0x377: {  	v20 =	vld [tilespmem:$0x260];
	[tilespmem:$0x350] =	vst v19  }
0x378: {  	v19 =	vld.idx.msk [tilespmem:v13+s26+$0x0], $0xffff;
	_ =	sdelay $0x4  }
0x379: {  	v19 =	vadd.f32 v20, v19;
	_ =	sdelay $0x1  }
0x37a: {  	v20 =	vmul.f32 $2.000000030e-01, v19  }
0x37b: {  	vm8 =	vgt.f32 v19, $0.0e+00  }
0x37c: {  	v19 =	vsel vm8, v19, v20  }
0x37d: {  	v19 =	vsub.f32 v19, v17;
	_ =	sdelay $0x1  }
0x37e: {  	v19 =	vmul.f32 $1.442695020e+00, v19;
	_ =	sdelay $0x1  }
0x37f: {  	(erf) = vpow2.f32 v19;
	_ =	sdelay $0x8  }
0x380: {  	vm8 =	vlt.u32 v18, v3;
	v19 =	vpop (erf)  }
0x381: {  	v19 =	vnsel vm8, $0x0, v19  }
0x382: {  	v20 =	vld [tilespmem:$0x270];
	[tilespmem:$0x360] =	vst v19  }
0x383: {  	v19 =	vld.idx.msk [tilespmem:v14+s26+$0x0], $0xffff;
	_ =	sdelay $0x4  }
0x384: {  	v19 =	vadd.f32 v20, v19;
	_ =	sdelay $0x1  }
0x385: {  	v20 =	vmul.f32 $2.000000030e-01, v19  }
0x386: {  	vm8 =	vgt.f32 v19, $0.0e+00  }
0x387: {  	v19 =	vsel vm8, v19, v20  }
0x388: {  	v19 =	vsub.f32 v19, v17;
	_ =	sdelay $0x1  }
0x389: {  	v19 =	vmul.f32 $1.442695020e+00, v19;
	_ =	sdelay $0x1  }
0x38a: {  	(erf) = vpow2.f32 v19;
	_ =	sdelay $0x8  }
0x38b: {  	vm8 =	vlt.u32 v18, v2;
	v19 =	vpop (erf)  }
0x38c: {  	v19 =	vnsel vm8, $0x0, v19  }
0x38d: {  	v20 =	vld [tilespmem:$0x280];
	[tilespmem:$0x370] =	vst v19  }
0x38e: {  	v19 =	vld.idx.msk [tilespmem:v15+s26+$0x0], $0xffff;
	_ =	sdelay $0x4  }
0x38f: {  	v19 =	vadd.f32 v20, v19;
	_ =	sdelay $0x1  }
0x390: {  	v20 =	vmul.f32 $2.000000030e-01, v19  }
0x391: {  	vm8 =	vgt.f32 v19, $0.0e+00  }
0x392: {  	v19 =	vsel vm8, v19, v20  }
0x393: {  	v19 =	vsub.f32 v19, v17;
	_ =	sdelay $0x1  }
0x394: {  	s13 =	simm.s32 $0x3;
	v19 =	vmul.f32 $1.442695020e+00, v19  }
0x395: {  	v21 =	vmov s13  }
0x396: {  	v21 =	vshrl.u32 v21, $0x3;
	(erf) = vpow2.f32 v19  }
0x397: {  	s10 =	simm.s32 $0x0;
	v21 =	vshll.u32 v21, v16;
	s9 =	simm.s32 $0x4  }
0x398: {  	s11 =	simm.s32 $0x1;
	v21 =	vadd.s32 $0x3, v21;
	v22 =	vmov s9;
	v19 =	vmov s10  }
0x399: {  	s1 =	simm.s32 $0x2;
	vm8 =	vlt.u32 v18, v0;
	v18 =	vshrl.u32 v19, $0x3;
	v19 =	vmov s11  }
0x39a: {  	v22 =	vshrl.u32 v22, $0x3;
	v20 =	vmov s1;
	v19 =	vshrl.u32 v19, $0x3  }
0x39b: {  	v20 =	vshrl.u32 v20, $0x3;
	v18 =	vshll.u32 v18, v16;
	v19 =	vshll.u32 v19, v16  }
0x39c: {  	v20 =	vshll.u32 v20, v16;
	s10 =	simm.s32 $0x7;
	v18 =	vbroadcast v18, $0x0;
	v19 =	vadd.s32 $0x1, v19  }
0x39d: {  	v20 =	vadd.s32 $0x2, v20;
	v23 =	vmov s10;
	v19 =	vbroadcast v19, $0x0  }
0x39e: {  	v22 =	vshll.u32 v22, v16;
	v20 =	vbroadcast v20, $0x0;
	v23 =	vshrl.u32 v23, $0x3  }
0x39f: {  	v21 =	vbroadcast v21, $0x0;
	v22 =	vadd.s32 $0x4, v22;
	v23 =	vshll.u32 v23, v16;
	v24 =	vpop (erf)  }
0x3a0: {  	v22 =	vbroadcast v22, $0x0;
	v23 =	vadd.s32 $0x7, v23;
	v24 =	vnsel vm8, $0x0, v24  }
0x3a1: {  	v23 =	vbroadcast v23, $0x0;
	[tilespmem:$0x380] =	vst v24  }
0x3a2: {  	v24 =	vld.idx.msk [tilespmem:v18+s21+$0x0], $0xffff  }
0x3a3: {  	v25 =	vld.idx.msk [tilespmem:v19+s21+$0x0], $0xffff  }
0x3a4: {  	v26 =	vld.idx.msk [tilespmem:v20+s21+$0x0], $0xffff  }
0x3a5: {  	v20 =	vld.idx.msk [tilespmem:v21+s21+$0x0], $0xffff  }
0x3a6: {  	v19 =	vld.idx.msk [tilespmem:v22+s21+$0x0], $0xffff  }
0x3a7: {  	s0 =	simm.s32 $0x650;
	v18 =	vld.idx.msk [tilespmem:v23+s21+$0x0], $0xffff  }
0x3a8: {  	v21 =	vld [tilespmem:s0+$0x230]  }
0x3a9: {  	v22 =	vld [tilespmem:s0+$0xFFFFFDC0]  }
0x3aa: {  	v23 =	vld [tilespmem:s0+$0xFFFFFDD0]  }
0x3ab: {  	v27 =	vld [tilespmem:s0+$0xFFFFFDE0]  }
0x3ac: {  	v28 =	vld [tilespmem:s0+$0xFFFFFDF0]  }
0x3ad: {  	v61 =	vld [tilespmem:s0+$0xFFFFFE60]  }
0x3ae: {  	v29 =	vld [tilespmem:s0+$0xFFFFFE00]  }
0x3af: {  	v60 =	vld [tilespmem:s0+$0xFFFFFE50];
	v21 =	vmul.f32 v21, v18  }
0x3b0: {  	v30 =	vld [tilespmem:s0+$0xFFFFFE10];
	v22 =	vmul.f32 v22, v24  }
0x3b1: {  	v31 =	vld [tilespmem:s0+$0xFFFFFE20];
	v23 =	vmul.f32 v23, v24;
	[tilespmem:s0+$0x230] =	vst v21  }
0x3b2: {  	v50 =	vld [tilespmem:s0+$0x10];
	v33 =	vmul.f32 v61, v25;
	[tilespmem:s0+$0xFFFFFDC0] =	vst v22  }
0x3b3: {  	v62 =	vld [tilespmem:s0+$0xFFFFFE70];
	v27 =	vmul.f32 v27, v24;
	[tilespmem:s0+$0xFFFFFDD0] =	vst v23  }
0x3b4: {  	v63 =	vld [tilespmem:s0+$0xFFFFFE80];
	v21 =	vmul.f32 v60, v25;
	[tilespmem:s0+$0xFFFFFE60] =	vst v33  }
0x3b5: {  	v28 =	vmul.f32 v28, v24;
	v23 =	vld [tilespmem:s0+$0xFFFFFEC0];
	[tilespmem:s0+$0xFFFFFDE0] =	vst v27  }
0x3b6: {  	v27 =	vmul.f32 v29, v24;
	[tilespmem:s0+$0xFFFFFE50] =	vst v21;
	v21 =	vld [tilespmem:s0+$0xFFFFFE30]  }
0x3b7: {  	v42 =	vld [tilespmem:s0+$0xFFFFFE40];
	v52 =	vmul.f32 v50, v19;
	[tilespmem:s0+$0xFFFFFDF0] =	vst v28  }
0x3b8: {  	v28 =	vmul.f32 v30, v24;
	[tilespmem:s0+$0xFFFFFE00] =	vst v27;
	v27 =	vmul.f32 v31, v24;
	v31 =	vld [tilespmem:s0+$0xFFFFFEF0]  }
0x3b9: {  	v40 =	vld [tilespmem:s0+$0xFFFFFE90];
	[tilespmem:s0+$0x10] =	vst v52  }
0x3ba: {  	v41 =	vld [tilespmem:s0+$0xFFFFFEA0];
	[tilespmem:s0+$0xFFFFFE10] =	vst v28;
	v23 =	vmul.f32 v23, v25  }
0x3bb: {  	[tilespmem:s0+$0xFFFFFE20] =	vst v27;
	v27 =	vld [tilespmem:s0+$0xFFFFFF10];
	v21 =	vmul.f32 v21, v24  }
0x3bc: {  	v43 =	vld [tilespmem:s0+$0xFFFFFF20];
	v24 =	vmul.f32 v42, v24;
	[tilespmem:s0+$0xFFFFFEC0] =	vst v23  }
0x3bd: {  	v44 =	vld [tilespmem:s0+$0xFFFFFF30];
	v31 =	vmul.f32 v31, v26;
	[tilespmem:s0+$0xFFFFFE30] =	vst v21  }
0x3be: {  	v22 =	vld [tilespmem:s0+$0xFFFFFEB0];
	v21 =	vmul.f32 v62, v25;
	[tilespmem:s0+$0xFFFFFE40] =	vst v24  }
0x3bf: {  	v45 =	vld [tilespmem:s0+$0xFFFFFF40];
	v24 =	vmul.f32 v63, v25;
	[tilespmem:s0+$0xFFFFFEF0] =	vst v31  }
0x3c0: {  	v29 =	vld [tilespmem:s0+$0xFFFFFED0];
	v27 =	vmul.f32 v27, v26;
	[tilespmem:s0+$0xFFFFFE70] =	vst v21  }
0x3c1: {  	v47 =	vld [tilespmem:s0+$0xFFFFFF50];
	v21 =	vmul.f32 v40, v25;
	[tilespmem:s0+$0xFFFFFE80] =	vst v24  }
0x3c2: {  	v46 =	vld [tilespmem:s0+$0xFFFFFF70];
	v24 =	vmul.f32 v41, v25;
	[tilespmem:s0+$0xFFFFFF10] =	vst v27  }
0x3c3: {  	[tilespmem:s0+$0xFFFFFE90] =	vst v21;
	v21 =	vmul.f32 v22, v25;
	v22 =	vld [tilespmem:s0+$0xFFFFFF80]  }
0x3c4: {  	v28 =	vld [tilespmem:s0+$0xFFFFFF00];
	v27 =	vmul.f32 v44, v26;
	[tilespmem:s0+$0xFFFFFEA0] =	vst v24  }
0x3c5: {  	v30 =	vld [tilespmem:s0+$0xFFFFFEE0];
	[tilespmem:s0+$0xFFFFFEB0] =	vst v21;
	v21 =	vmul.f32 v29, v25  }
0x3c6: {  	v48 =	vld [tilespmem:s0+$0xFFFFFFF0];
	[tilespmem:s0+$0xFFFFFF30] =	vst v27;
	v27 =	vmul.f32 v47, v26  }
0x3c7: {  	v24 =	vld [tilespmem:s0+$0xFFFFFF90];
	[tilespmem:s0+$0xFFFFFED0] =	vst v21;
	v21 =	vmul.f32 v46, v20  }
0x3c8: {  	v49 =	vld [tilespmem:s0+$0x0];
	[tilespmem:s0+$0xFFFFFF50] =	vst v27;
	v22 =	vmul.f32 v22, v20  }
0x3c9: {  	v25 =	vld [tilespmem:s0+$0xFFFFFFA0];
	[tilespmem:s0+$0xFFFFFF70] =	vst v21;
	v21 =	vmul.f32 v28, v26  }
0x3ca: {  	s11 =	simm.s32 $0x5;
	v23 =	vmul.f32 v30, v26;
	v31 =	vld [tilespmem:s0+$0xFFFFFF60];
	[tilespmem:s0+$0xFFFFFF80] =	vst v22  }
0x3cb: {  	v27 =	vld [tilespmem:s0+$0x40];
	v22 =	vmov s11;
	[tilespmem:s0+$0xFFFFFF00] =	vst v21;
	v21 =	vmul.f32 v43, v26  }
0x3cc: {  	v51 =	vld [tilespmem:s0+$0x20];
	[tilespmem:s0+$0xFFFFFEE0] =	vst v23;
	v24 =	vmul.f32 v24, v20;
	v22 =	vshrl.u32 v22, $0x3  }
0x3cd: {  	v28 =	vld [tilespmem:s0+$0xFFFFFFE0];
	v22 =	vshll.u32 v22, v16;
	[tilespmem:s0+$0xFFFFFF20] =	vst v21;
	v21 =	vmul.f32 v45, v26  }
0x3ce: {  	v29 =	vld [tilespmem:s0+$0xFFFFFFB0];
	v25 =	vmul.f32 v25, v20;
	[tilespmem:s0+$0xFFFFFF90] =	vst v24;
	v22 =	vadd.s32 $0x5, v22  }
0x3cf: {  	v30 =	vld [tilespmem:s0+$0xFFFFFFC0];
	v22 =	vbroadcast v22, $0x0;
	[tilespmem:s0+$0xFFFFFF40] =	vst v21;
	v21 =	vmul.f32 v31, v26  }
0x3d0: {  	v23 =	vld [tilespmem:s0+$0xFFFFFFD0];
	v27 =	vmul.f32 v27, v19;
	[tilespmem:s0+$0xFFFFFFA0] =	vst v25  }
0x3d1: {  	v53 =	vld [tilespmem:s0+$0xB0];
	[tilespmem:s0+$0xFFFFFF60] =	vst v21;
	v21 =	vmul.f32 v49, v19  }
0x3d2: {  	v25 =	vld [tilespmem:s0+$0x70];
	[tilespmem:s0+$0x40] =	vst v27;
	v28 =	vmul.f32 v28, v20  }
0x3d3: {  	v26 =	vld [tilespmem:s0+$0x30];
	[tilespmem:s0+$0x0] =	vst v21;
	v21 =	vmul.f32 v29, v20  }
0x3d4: {  	v31 =	vld [tilespmem:s0+$0x50];
	[tilespmem:s0+$0xFFFFFFE0] =	vst v28;
	v29 =	vmul.f32 v30, v20  }
0x3d5: {  	s13 =	simm.s32 $0x6;
	v22 =	vld.idx.msk [tilespmem:v22+s21+$0x0], $0xffff;
	[tilespmem:s0+$0xFFFFFFB0] =	vst v21;
	v21 =	vmul.f32 v23, v20  }
0x3d6: {  	v28 =	vmul.f32 v51, v19;
	v30 =	vmov s13;
	[tilespmem:s0+$0xFFFFFFC0] =	vst v29;
	v29 =	vld [tilespmem:s0+$0x90]  }
0x3d7: {  	v30 =	vshrl.u32 v30, $0x3;
	v20 =	vmul.f32 v48, v20;
	[tilespmem:s0+$0xFFFFFFD0] =	vst v21;
	v21 =	vld [tilespmem:s0+$0xA0]  }
0x3d8: {  	v24 =	vld [tilespmem:s0+$0x60];
	v25 =	vmul.f32 v25, v19;
	[tilespmem:s0+$0x20] =	vst v28;
	v30 =	vshll.u32 v30, v16  }
0x3d9: {  	v23 =	vld [tilespmem:s0+$0x80];
	v30 =	vadd.s32 $0x6, v30;
	[tilespmem:s0+$0xFFFFFFF0] =	vst v20;
	v20 =	vmul.f32 v26, v19  }
0x3da: {  	v27 =	vld [tilespmem:s0+$0xF0];
	[tilespmem:s0+$0x70] =	vst v25;
	v31 =	vmul.f32 v31, v19;
	v30 =	vbroadcast v30, $0x0  }
0x3db: {  	v28 =	vld [tilespmem:s0+$0xD0];
	[tilespmem:s0+$0x30] =	vst v20;
	v20 =	vmul.f32 v29, v22  }
0x3dc: {  	[tilespmem:s0+$0x50] =	vst v31;
	v26 =	vld [tilespmem:s0+$0xC0];
	v21 =	vmul.f32 v21, v22  }
0x3dd: {  	v25 =	vld [tilespmem:s0+$0x120];
	[tilespmem:s0+$0x90] =	vst v20;
	v20 =	vmul.f32 v24, v19  }
0x3de: {  	v29 =	vld [tilespmem:s0+$0xE0];
	v19 =	vmul.f32 v23, v19;
	v23 =	vmul.f32 v53, v22;
	[tilespmem:s0+$0xA0] =	vst v21  }
0x3df: {  	s9 =	simm.s32 $0x8;
	s13 =	simm.s32 $0xB;
	v24 =	vld [tilespmem:s0+$0x100];
	[tilespmem:s0+$0x60] =	vst v20  }
0x3e0: {  	s11 =	simm.s32 $0xA;
	v55 =	vmov s13;
	v54 =	vld.idx.msk [tilespmem:v30+s21+$0x0], $0xffff;
	v21 =	vmov s9;
	[tilespmem:s0+$0xB0] =	vst v23;
	v23 =	vmul.f32 v28, v22  }
0x3e1: {  	s13 =	simm.s32 $0xE;
	v31 =	vmov s11;
	s11 =	simm.s32 $0xD;
	v20 =	vld [tilespmem:s0+$0x110];
	[tilespmem:s0+$0x80] =	vst v19;
	v19 =	vshrl.u32 v21, $0x3;
	v21 =	vmul.f32 v26, v22  }
0x3e2: {  	s10 =	simm.s32 $0x9;
	v58 =	vmov s13;
	v57 =	vmov s11;
	v26 =	vld [tilespmem:s0+$0x130];
	[tilespmem:s0+$0xD0] =	vst v23;
	v23 =	vmul.f32 v27, v22  }
0x3e3: {  	v60 =	vshrl.u32 v57, $0x3;
	v30 =	vmov s10;
	s9 =	simm.s32 $0xC;
	v28 =	vld [tilespmem:s0+$0x140];
	[tilespmem:s0+$0xC0] =	vst v21;
	v21 =	vmul.f32 v29, v22  }
0x3e4: {  	v30 =	vshrl.u32 v30, $0x3;
	v56 =	vmov s9;
	v29 =	vld [tilespmem:s0+$0x150];
	[tilespmem:s0+$0xF0] =	vst v23;
	v23 =	vmul.f32 v24, v22  }
0x3e5: {  	v30 =	vshll.u32 v30, v16;
	v27 =	vld [tilespmem:s0+$0x160];
	v19 =	vshll.u32 v19, v16;
	[tilespmem:s0+$0xE0] =	vst v21;
	v21 =	vmul.f32 v25, v54  }
0x3e6: {  	v59 =	vshrl.u32 v56, $0x3;
	v30 =	vadd.s32 $0x1, v30;
	v25 =	vld [tilespmem:s0+$0x170];
	v22 =	vmul.f32 v20, v22;
	[tilespmem:s0+$0x100] =	vst v23  }
0x3e7: {  	v24 =	vshrl.u32 v31, $0x3;
	v31 =	vld [tilespmem:s0+$0x180];
	v20 =	vbroadcast v19, $0x0;
	v26 =	vmul.f32 v26, v54;
	[tilespmem:s0+$0x120] =	vst v21  }
0x3e8: {  	v61 =	vld [tilespmem:s0+$0x190];
	v19 =	vshrl.u32 v58, $0x3;
	v24 =	vshll.u32 v24, v16;
	v23 =	vmul.f32 v28, v54;
	[tilespmem:s0+$0x110] =	vst v22  }
0x3e9: {  	v62 =	vld [tilespmem:s0+$0x1A0];
	v19 =	vshll.u32 v19, v16;
	v63 =	vadd.s32 $0x2, v24;
	[tilespmem:s0+$0x130] =	vst v26;
	v26 =	vmul.f32 v29, v54  }
0x3ea: {  	v21 =	vshrl.u32 v55, $0x3;
	v22 =	vshll.u32 v59, v16;
	v27 =	vmul.f32 v27, v54;
	[tilespmem:s0+$0x140] =	vst v23;
	v23 =	vld [tilespmem:s0+$0x1B0]  }
0x3eb: {  	v24 =	vld [tilespmem:s0+$0x1C0];
	v21 =	vshll.u32 v21, v16;
	v29 =	vshll.u32 v60, v16;
	[tilespmem:s0+$0x150] =	vst v26;
	v26 =	vmul.f32 v25, v54  }
0x3ec: {  	v28 =	vadd.s32 $0x4, v22;
	v22 =	vbroadcast v63, $0x0;
	[tilespmem:s0+$0x160] =	vst v27;
	v27 =	vmul.f32 v31, v54;
	v25 =	vld [tilespmem:s0+$0x1D0]  }
0x3ed: {  	v32 =	vadd.s32 $0x3, v21;
	v21 =	vbroadcast v30, $0x0;
	v31 =	vmul.f32 v61, v54;
	[tilespmem:s0+$0x170] =	vst v26;
	v26 =	vld [tilespmem:s0+$0x1E0]  }
0x3ee: {  	s11 =	simm.s32 $0xF;
	s10 =	simm.s32 $0x10;
	v29 =	vadd.s32 $0x5, v29;
	v30 =	vadd.s32 $0x6, v19;
	v19 =	vmul.f32 v62, v54;
	[tilespmem:s0+$0x180] =	vst v27;
	v27 =	vld [tilespmem:s0+$0x1F0]  }
.LBB2_9:
0x3ef: {  	p0 =	slt.u32 s10, $0x78;
	v32 =	vbroadcast v32, $0x0;
	v33 =	vmov s11;
	[tilespmem:s0+$0x190] =	vst v31;
	v23 =	vmul.f32 v23, v18;
	v31 =	vld [tilespmem:s0+$0x200]  }
0x3f0: {  	v28 =	vbroadcast v28, $0x0;
	v33 =	vshrl.u32 v33, $0x3;
	[tilespmem:s0+$0x1A0] =	vst v19;
	v19 =	vmul.f32 v24, v18;
	v24 =	vld [tilespmem:s0+$0x210]  }
0x3f1: {  	v29 =	vbroadcast v29, $0x0;
	v33 =	vshll.u32 v33, v16;
	[tilespmem:s0+$0x1B0] =	vst v23;
	v23 =	vmul.f32 v25, v18;
	v25 =	vld [tilespmem:s0+$0x220]  }
0x3f2: {  	v30 =	vbroadcast v30, $0x0;
	v34 =	vld.idx.msk [tilespmem:v20+s21+$0x0], $0xffff;
	v20 =	vadd.s32 $0x7, v33;
	[tilespmem:s0+$0x1C0] =	vst v19;
	v19 =	vmul.f32 v26, v18  }
0x3f3: {  	v26 =	vld.idx.msk [tilespmem:v21+s21+$0x0], $0xffff;
	v33 =	vbroadcast v20, $0x0;
	[tilespmem:s0+$0x1D0] =	vst v23;
	v20 =	vmul.f32 v27, v18  }
0x3f4: {  	v23 =	vld.idx.msk [tilespmem:v22+s21+$0x0], $0xffff;
	[tilespmem:s0+$0x1E0] =	vst v19;
	v19 =	vmul.f32 v31, v18  }
0x3f5: {  	v22 =	vld.idx.msk [tilespmem:v32+s21+$0x0], $0xffff;
	[tilespmem:s0+$0x1F0] =	vst v20;
	v24 =	vmul.f32 v24, v18  }
0x3f6: {  	v21 =	vld.idx.msk [tilespmem:v28+s21+$0x0], $0xffff;
	[tilespmem:s0+$0x200] =	vst v19;
	v18 =	vmul.f32 v25, v18  }
0x3f7: {  	v20 =	vld.idx.msk [tilespmem:v29+s21+$0x0], $0xffff;
	[tilespmem:s0+$0x210] =	vst v24  }
0x3f8: {  	v19 =	vld.idx.msk [tilespmem:v30+s21+$0x0], $0xffff;
	[tilespmem:s0+$0x220] =	vst v18  }
0x3f9: {  	s0 =	sadd.s32 $0x480, s0;
	v18 =	vld.idx.msk [tilespmem:v33+s21+$0x0], $0xffff  }
0x3fa: {  	v24 =	vld [tilespmem:s0+$0x230]  }
0x3fb: {  	v25 =	vld [tilespmem:s0+$0xFFFFFDC0]  }
0x3fc: {  	v27 =	vld [tilespmem:s0+$0xFFFFFDD0]  }
0x3fd: {  	v28 =	vld [tilespmem:s0+$0xFFFFFDE0]  }
0x3fe: {  	v29 =	vld [tilespmem:s0+$0xFFFFFDF0]  }
0x3ff: {  	v30 =	vld [tilespmem:s0+$0xFFFFFE00];
	v24 =	vmul.f32 v24, v18  }
0x400: {  	v25 =	vmul.f32 v25, v34;
	v31 =	vld [tilespmem:s0+$0xFFFFFE10]  }
0x401: {  	v27 =	vmul.f32 v27, v34;
	v32 =	vld [tilespmem:s0+$0xFFFFFE20];
	[tilespmem:s0+$0x230] =	vst v24  }
0x402: {  	[tilespmem:s0+$0xFFFFFDC0] =	vst v25;
	v24 =	vmul.f32 v28, v34;
	v25 =	vld [tilespmem:s0+$0xFFFFFE30]  }
0x403: {  	[tilespmem:s0+$0xFFFFFDD0] =	vst v27;
	v27 =	vmul.f32 v29, v34;
	v28 =	vld [tilespmem:s0+$0xFFFFFE40]  }
0x404: {  	[tilespmem:s0+$0xFFFFFDE0] =	vst v24;
	v24 =	vmul.f32 v30, v34;
	v29 =	vld [tilespmem:s0+$0xFFFFFE50]  }
0x405: {  	[tilespmem:s0+$0xFFFFFDF0] =	vst v27;
	v27 =	vmul.f32 v31, v34;
	v30 =	vld [tilespmem:s0+$0xFFFFFE60]  }
0x406: {  	[tilespmem:s0+$0xFFFFFE00] =	vst v24;
	v24 =	vmul.f32 v32, v34;
	v31 =	vld [tilespmem:s0+$0xFFFFFE70]  }
0x407: {  	[tilespmem:s0+$0xFFFFFE10] =	vst v27;
	v25 =	vmul.f32 v25, v34;
	v27 =	vld [tilespmem:s0+$0xFFFFFE80]  }
0x408: {  	[tilespmem:s0+$0xFFFFFE20] =	vst v24;
	v24 =	vmul.f32 v28, v34;
	v28 =	vld [tilespmem:s0+$0xFFFFFE90]  }
0x409: {  	[tilespmem:s0+$0xFFFFFE30] =	vst v25;
	v25 =	vmul.f32 v29, v26;
	v29 =	vld [tilespmem:s0+$0xFFFFFEA0]  }
0x40a: {  	[tilespmem:s0+$0xFFFFFE40] =	vst v24;
	v24 =	vmul.f32 v30, v26;
	v30 =	vld [tilespmem:s0+$0xFFFFFEB0]  }
0x40b: {  	[tilespmem:s0+$0xFFFFFE50] =	vst v25;
	v25 =	vmul.f32 v31, v26;
	v31 =	vld [tilespmem:s0+$0xFFFFFEC0]  }
0x40c: {  	[tilespmem:s0+$0xFFFFFE60] =	vst v24;
	v24 =	vmul.f32 v27, v26;
	v27 =	vld [tilespmem:s0+$0xFFFFFED0]  }
0x40d: {  	[tilespmem:s0+$0xFFFFFE70] =	vst v25;
	v25 =	vmul.f32 v28, v26;
	v28 =	vld [tilespmem:s0+$0xFFFFFEE0]  }
0x40e: {  	[tilespmem:s0+$0xFFFFFE80] =	vst v24;
	v24 =	vmul.f32 v29, v26;
	v29 =	vld [tilespmem:s0+$0xFFFFFEF0]  }
0x40f: {  	[tilespmem:s0+$0xFFFFFE90] =	vst v25;
	v25 =	vmul.f32 v30, v26;
	v30 =	vld [tilespmem:s0+$0xFFFFFF00]  }
0x410: {  	[tilespmem:s0+$0xFFFFFEA0] =	vst v24;
	v24 =	vmul.f32 v31, v26;
	v31 =	vld [tilespmem:s0+$0xFFFFFF10]  }
0x411: {  	[tilespmem:s0+$0xFFFFFEB0] =	vst v25;
	v25 =	vmul.f32 v27, v26;
	v26 =	vld [tilespmem:s0+$0xFFFFFF20]  }
0x412: {  	[tilespmem:s0+$0xFFFFFEC0] =	vst v24;
	v24 =	vmul.f32 v28, v23;
	v27 =	vld [tilespmem:s0+$0xFFFFFF30]  }
0x413: {  	[tilespmem:s0+$0xFFFFFED0] =	vst v25;
	v25 =	vmul.f32 v29, v23;
	v28 =	vld [tilespmem:s0+$0xFFFFFF40]  }
0x414: {  	[tilespmem:s0+$0xFFFFFEE0] =	vst v24;
	v24 =	vmul.f32 v30, v23;
	v29 =	vld [tilespmem:s0+$0xFFFFFF50]  }
0x415: {  	[tilespmem:s0+$0xFFFFFEF0] =	vst v25;
	v25 =	vmul.f32 v31, v23;
	v30 =	vld [tilespmem:s0+$0xFFFFFF60]  }
0x416: {  	[tilespmem:s0+$0xFFFFFF00] =	vst v24;
	v24 =	vmul.f32 v26, v23;
	v26 =	vld [tilespmem:s0+$0xFFFFFF70]  }
0x417: {  	[tilespmem:s0+$0xFFFFFF10] =	vst v25;
	v25 =	vmul.f32 v27, v23;
	v27 =	vld [tilespmem:s0+$0xFFFFFF80]  }
0x418: {  	[tilespmem:s0+$0xFFFFFF20] =	vst v24;
	v24 =	vmul.f32 v28, v23;
	v28 =	vld [tilespmem:s0+$0xFFFFFF90]  }
0x419: {  	[tilespmem:s0+$0xFFFFFF30] =	vst v25;
	v25 =	vmul.f32 v29, v23;
	v29 =	vld [tilespmem:s0+$0xFFFFFFA0]  }
0x41a: {  	[tilespmem:s0+$0xFFFFFF40] =	vst v24;
	v23 =	vmul.f32 v30, v23;
	v24 =	vld [tilespmem:s0+$0xFFFFFFB0]  }
0x41b: {  	[tilespmem:s0+$0xFFFFFF50] =	vst v25;
	v25 =	vmul.f32 v26, v22;
	v26 =	vld [tilespmem:s0+$0xFFFFFFC0]  }
0x41c: {  	[tilespmem:s0+$0xFFFFFF60] =	vst v23;
	v23 =	vmul.f32 v27, v22;
	v27 =	vld [tilespmem:s0+$0xFFFFFFD0]  }
0x41d: {  	[tilespmem:s0+$0xFFFFFF70] =	vst v25;
	v25 =	vmul.f32 v28, v22;
	v28 =	vld [tilespmem:s0+$0xFFFFFFE0]  }
0x41e: {  	[tilespmem:s0+$0xFFFFFF80] =	vst v23;
	v23 =	vmul.f32 v29, v22;
	v29 =	vld [tilespmem:s0+$0xFFFFFFF0]  }
0x41f: {  	[tilespmem:s0+$0xFFFFFF90] =	vst v25;
	v24 =	vmul.f32 v24, v22;
	v25 =	vld [tilespmem:s0+$0x0]  }
0x420: {  	[tilespmem:s0+$0xFFFFFFA0] =	vst v23;
	v23 =	vmul.f32 v26, v22;
	v26 =	vld [tilespmem:s0+$0x10]  }
0x421: {  	[tilespmem:s0+$0xFFFFFFB0] =	vst v24;
	v24 =	vmul.f32 v27, v22;
	v27 =	vld [tilespmem:s0+$0x20]  }
0x422: {  	[tilespmem:s0+$0xFFFFFFC0] =	vst v23;
	v23 =	vmul.f32 v28, v22;
	v28 =	vld [tilespmem:s0+$0x30]  }
0x423: {  	[tilespmem:s0+$0xFFFFFFD0] =	vst v24;
	v22 =	vmul.f32 v29, v22;
	v24 =	vld [tilespmem:s0+$0x40]  }
0x424: {  	[tilespmem:s0+$0xFFFFFFE0] =	vst v23;
	v23 =	vmul.f32 v25, v21;
	v25 =	vld [tilespmem:s0+$0x50]  }
0x425: {  	[tilespmem:s0+$0xFFFFFFF0] =	vst v22;
	v22 =	vmul.f32 v26, v21;
	v26 =	vld [tilespmem:s0+$0x60]  }
0x426: {  	[tilespmem:s0+$0x0] =	vst v23;
	v23 =	vmul.f32 v27, v21;
	v27 =	vld [tilespmem:s0+$0x70]  }
0x427: {  	[tilespmem:s0+$0x10] =	vst v22;
	v22 =	vmul.f32 v28, v21;
	v28 =	vld [tilespmem:s0+$0x80]  }
0x428: {  	[tilespmem:s0+$0x20] =	vst v23;
	v23 =	vmul.f32 v24, v21;
	v24 =	vld [tilespmem:s0+$0x90]  }
0x429: {  	[tilespmem:s0+$0x30] =	vst v22;
	v22 =	vmul.f32 v25, v21;
	v25 =	vld [tilespmem:s0+$0xA0]  }
0x42a: {  	[tilespmem:s0+$0x40] =	vst v23;
	v23 =	vmul.f32 v26, v21;
	v26 =	vld [tilespmem:s0+$0xB0]  }
0x42b: {  	[tilespmem:s0+$0x50] =	vst v22;
	v22 =	vmul.f32 v27, v21;
	v27 =	vld [tilespmem:s0+$0xC0]  }
0x42c: {  	[tilespmem:s0+$0x60] =	vst v23;
	v21 =	vmul.f32 v28, v21;
	v23 =	vld [tilespmem:s0+$0xD0]  }
0x42d: {  	[tilespmem:s0+$0x70] =	vst v22;
	v22 =	vmul.f32 v24, v20;
	v24 =	vld [tilespmem:s0+$0xE0]  }
0x42e: {  	[tilespmem:s0+$0x80] =	vst v21;
	v21 =	vmul.f32 v25, v20;
	v25 =	vld [tilespmem:s0+$0xF0]  }
0x42f: {  	v28 =	vmov s10;
	[tilespmem:s0+$0x90] =	vst v22;
	v22 =	vmul.f32 v26, v20;
	v26 =	vld [tilespmem:s0+$0x100]  }
0x430: {  	s1 =	sadd.s32 $0x1, s10;
	s11 =	sadd.s32 $0x2, s10;
	v28 =	vshrl.u32 v28, $0x3;
	[tilespmem:s0+$0xA0] =	vst v21;
	v21 =	vmul.f32 v27, v20;
	v27 =	vld [tilespmem:s0+$0x110]  }
0x431: {  	v30 =	vmov s11;
	s11 =	sadd.s32 $0x4, s10;
	v29 =	vmov s1;
	s1 =	sadd.s32 $0x3, s10;
	[tilespmem:s0+$0xB0] =	vst v22;
	v22 =	vmul.f32 v23, v20;
	v23 =	vld [tilespmem:s0+$0x120]  }
0x432: {  	v32 =	vmov s11;
	s11 =	sadd.s32 $0x6, s10;
	v31 =	vmov s1;
	s1 =	sadd.s32 $0x5, s10;
	[tilespmem:s0+$0xC0] =	vst v21;
	v21 =	vmul.f32 v24, v20;
	v24 =	vld [tilespmem:s0+$0x130]  }
0x433: {  	v34 =	vmov s11;
	v33 =	vmov s1;
	[tilespmem:s0+$0xD0] =	vst v22;
	v22 =	vmul.f32 v25, v20;
	v25 =	vld [tilespmem:s0+$0x140]  }
0x434: {  	v29 =	vshrl.u32 v29, $0x3;
	v28 =	vshll.u32 v28, v16;
	[tilespmem:s0+$0xE0] =	vst v21;
	v21 =	vmul.f32 v26, v20;
	v26 =	vld [tilespmem:s0+$0x150]  }
0x435: {  	v30 =	vshrl.u32 v30, $0x3;
	v31 =	vshrl.u32 v31, $0x3;
	[tilespmem:s0+$0xF0] =	vst v22;
	v22 =	vmul.f32 v27, v20;
	v27 =	vld [tilespmem:s0+$0x160]  }
0x436: {  	v32 =	vshrl.u32 v32, $0x3;
	v33 =	vshrl.u32 v33, $0x3;
	[tilespmem:s0+$0x100] =	vst v21;
	v21 =	vmul.f32 v23, v19;
	v35 =	vld [tilespmem:s0+$0x170]  }
0x437: {  	v20 =	vbroadcast v28, $0x0;
	v23 =	vshrl.u32 v34, $0x3;
	[tilespmem:s0+$0x110] =	vst v22;
	v22 =	vmul.f32 v24, v19;
	v34 =	vld [tilespmem:s0+$0x180]  }
0x438: {  	v28 =	vshll.u32 v30, v16;
	v24 =	vshll.u32 v29, v16;
	[tilespmem:s0+$0x120] =	vst v21;
	v21 =	vmul.f32 v25, v19;
	v30 =	vld [tilespmem:s0+$0x190]  }
0x439: {  	v29 =	vshll.u32 v32, v16;
	v25 =	vshll.u32 v31, v16;
	[tilespmem:s0+$0x130] =	vst v22;
	v22 =	vmul.f32 v26, v19;
	v36 =	vld [tilespmem:s0+$0x1A0]  }
.Ltmp3:
0x43a: {  	v26 =	vshll.u32 v33, v16;
	v33 =	vshll.u32 v23, v16;
	[tilespmem:s0+$0x140] =	vst v21;
	v21 =	vmul.f32 v27, v19;
	v23 =	vld [tilespmem:s0+$0x1B0];
	(pc) =	sbr.rel @p0 .LBB2_9-.Ltmp3, $4  }
0x43b: {  	v37 =	vadd.s32 $0x2, v28;
	v27 =	vadd.s32 $0x1, v24;
	[tilespmem:s0+$0x150] =	vst v22;
	v22 =	vmul.f32 v35, v19;
	v24 =	vld [tilespmem:s0+$0x1C0]  }
0x43c: {  	v28 =	vadd.s32 $0x4, v29;
	v32 =	vadd.s32 $0x3, v25;
	[tilespmem:s0+$0x160] =	vst v21;
	v34 =	vmul.f32 v34, v19;
	v25 =	vld [tilespmem:s0+$0x1D0]  }
0x43d: {  	v29 =	vadd.s32 $0x5, v26;
	v21 =	vbroadcast v27, $0x0;
	[tilespmem:s0+$0x170] =	vst v22;
	v31 =	vmul.f32 v30, v19;
	v26 =	vld [tilespmem:s0+$0x1E0]  }
0x43e: {  	s11 =	sadd.s32 $0x7, s10;
	s10 =	sadd.s32 $0x8, s10;
	v22 =	vbroadcast v37, $0x0;
	v30 =	vadd.s32 $0x6, v33;
	[tilespmem:s0+$0x180] =	vst v34;
	v19 =	vmul.f32 v36, v19;
	v27 =	vld [tilespmem:s0+$0x1F0]  }
0x43f: {  	_ = 	snop  }
0x440: {  	v33 =	vld [tilespmem:s0+$0x200]  }
0x441: {  	v35 =	vld [tilespmem:s0+$0x210]  }
0x442: {  	v50 =	vld [tilespmem:s0+$0x220]  }
0x443: {  	v36 =	vld.idx.msk [tilespmem:v20+s21+$0x0], $0xffff  }
0x444: {  	v51 =	vbroadcast v30, $0x0;
	v30 =	vld.idx.msk [tilespmem:v21+s21+$0x0], $0xffff  }
0x445: {  	s10 =	sadd.s32 $0x480, s0;
	v38 =	vld.idx.msk [tilespmem:v22+s21+$0x0], $0xffff  }
0x446: {  	v53 =	vld [tilespmem:s10+$0x230]  }
0x447: {  	v55 =	vld [tilespmem:s10+$0xFFFFFDC0]  }
0x448: {  	v23 =	vmul.f32 v23, v18;
	[tilespmem:s0+$0x190] =	vst v31;
	v57 =	vld [tilespmem:s10+$0xFFFFFDD0]  }
0x449: {  	v24 =	vmul.f32 v24, v18;
	[tilespmem:s0+$0x1A0] =	vst v19;
	v59 =	vld [tilespmem:s10+$0xFFFFFDE0]  }
0x44a: {  	v28 =	vbroadcast v28, $0x0;
	v60 =	vld [tilespmem:s10+$0xFFFFFDF0];
	[tilespmem:s0+$0x1B0] =	vst v23;
	v25 =	vmul.f32 v25, v18  }
0x44b: {  	v61 =	vld [tilespmem:s10+$0xFFFFFE00];
	[tilespmem:s0+$0x1C0] =	vst v24;
	v52 =	vmul.f32 v26, v18  }
0x44c: {  	v62 =	vld [tilespmem:s10+$0xFFFFFE10];
	[tilespmem:s0+$0x1D0] =	vst v25;
	v54 =	vmul.f32 v27, v18  }
0x44d: {  	v63 =	vld [tilespmem:s10+$0xFFFFFE20];
	[tilespmem:s0+$0x1E0] =	vst v52;
	v56 =	vmul.f32 v33, v18  }
0x44e: {  	v39 =	vld [tilespmem:s10+$0xFFFFFE60];
	v58 =	vmul.f32 v35, v18;
	[tilespmem:s0+$0x1F0] =	vst v54  }
0x44f: {  	v40 =	vld [tilespmem:s10+$0xFFFFFE70];
	v18 =	vmul.f32 v50, v18;
	[tilespmem:s0+$0x200] =	vst v56  }
0x450: {  	v34 =	vmov s11;
	v22 =	vld.idx.msk [tilespmem:v28+s21+$0x0], $0xffff;
	v28 =	vmul.f32 v57, v36;
	[tilespmem:s0+$0x210] =	vst v58  }
0x451: {  	v34 =	vshrl.u32 v34, $0x3;
	v43 =	vld [tilespmem:s10+$0xFFFFFE90];
	[tilespmem:s0+$0x220] =	vst v18;
	v18 =	vmul.f32 v55, v36  }
0x452: {  	v42 =	vld [tilespmem:s10+$0xFFFFFE80];
	v49 =	vshll.u32 v34, v16;
	v24 =	vmul.f32 v60, v36;
	[tilespmem:s10+$0xFFFFFDD0] =	vst v28  }
0x453: {  	v23 =	vadd.s32 $0x7, v49;
	v49 =	vld [tilespmem:s10+$0xFFFFFED0];
	[tilespmem:s10+$0xFFFFFDC0] =	vst v18;
	v18 =	vmul.f32 v59, v36  }
0x454: {  	v34 =	vld [tilespmem:s10+$0xFFFFFE40];
	v37 =	vbroadcast v23, $0x0;
	v47 =	vmul.f32 v40, v30;
	[tilespmem:s10+$0xFFFFFDF0] =	vst v24  }
0x455: {  	v45 =	vld [tilespmem:s10+$0xFFFFFEA0];
	[tilespmem:s10+$0xFFFFFDE0] =	vst v18;
	v18 =	vmul.f32 v61, v36  }
0x456: {  	v46 =	vld [tilespmem:s10+$0xFFFFFEB0];
	v50 =	vmul.f32 v43, v30;
	[tilespmem:s10+$0xFFFFFE70] =	vst v47  }
0x457: {  	v33 =	vld [tilespmem:s10+$0xFFFFFE30];
	[tilespmem:s10+$0xFFFFFE00] =	vst v18;
	v18 =	vmul.f32 v63, v36  }
0x458: {  	v48 =	vld [tilespmem:s10+$0xFFFFFEC0];
	[tilespmem:s10+$0xFFFFFE90] =	vst v50;
	v56 =	vmul.f32 v49, v30  }
0x459: {  	v35 =	vld [tilespmem:s10+$0xFFFFFE50];
	[tilespmem:s10+$0xFFFFFE20] =	vst v18;
	v18 =	vmul.f32 v34, v36  }
0x45a: {  	v19 =	vld.idx.msk [tilespmem:v37+s21+$0x0], $0xffff;
	v37 =	vmul.f32 v62, v36;
	[tilespmem:s10+$0xFFFFFED0] =	vst v56  }
0x45b: {  	v52 =	vld [tilespmem:s10+$0xFFFFFEF0];
	[tilespmem:s10+$0xFFFFFE40] =	vst v18;
	v18 =	vmul.f32 v39, v30  }
0x45c: {  	v20 =	vld.idx.msk [tilespmem:v51+s21+$0x0], $0xffff;
	v41 =	vmul.f32 v33, v36;
	[tilespmem:s10+$0xFFFFFE10] =	vst v37  }
0x45d: {  	v32 =	vbroadcast v32, $0x0;
	v55 =	vld [tilespmem:s10+$0xFFFFFF10];
	[tilespmem:s10+$0xFFFFFE60] =	vst v18;
	v18 =	vmul.f32 v42, v30  }
0x45e: {  	v51 =	vld [tilespmem:s10+$0xFFFFFEE0];
	v44 =	vmul.f32 v35, v30;
	[tilespmem:s10+$0xFFFFFE30] =	vst v41  }
0x45f: {  	v29 =	vbroadcast v29, $0x0;
	v58 =	vld [tilespmem:s10+$0xFFFFFF30];
	[tilespmem:s10+$0xFFFFFE80] =	vst v18;
	v18 =	vmul.f32 v45, v30  }
0x460: {  	v54 =	vld [tilespmem:s10+$0xFFFFFF00];
	v59 =	vmul.f32 v52, v38;
	[tilespmem:s10+$0xFFFFFE50] =	vst v44  }
0x461: {  	v50 =	vld [tilespmem:s10+$0x30];
	[tilespmem:s10+$0xFFFFFEA0] =	vst v18;
	v18 =	vmul.f32 v48, v30  }
0x462: {  	v57 =	vld [tilespmem:s10+$0xFFFFFF20];
	[tilespmem:s10+$0xFFFFFEF0] =	vst v59;
	v62 =	vmul.f32 v55, v38  }
0x463: {  	v23 =	vld.idx.msk [tilespmem:v32+s21+$0x0], $0xffff;
	[tilespmem:s10+$0xFFFFFEC0] =	vst v18;
	v18 =	vmul.f32 v51, v38  }
0x464: {  	v60 =	vld [tilespmem:s10+$0xFFFFFF40];
	v33 =	vmul.f32 v58, v38;
	[tilespmem:s10+$0xFFFFFF10] =	vst v62  }
0x465: {  	v21 =	vld.idx.msk [tilespmem:v29+s21+$0x0], $0xffff;
	[tilespmem:s10+$0xFFFFFEE0] =	vst v18;
	v18 =	vmul.f32 v54, v38  }
0x466: {  	v63 =	vld [tilespmem:s10+$0xFFFFFF60];
	v56 =	vmul.f32 v50, v22;
	[tilespmem:s10+$0xFFFFFF30] =	vst v33  }
0x467: {  	v52 =	vld [tilespmem:s10+$0x50];
	[tilespmem:s10+$0xFFFFFF00] =	vst v18;
	v18 =	vmul.f32 v57, v38  }
0x468: {  	v26 =	vmul.f32 v53, v19;
	v34 =	vld [tilespmem:s10+$0xFFFFFF80];
	[tilespmem:s10+$0x30] =	vst v56  }
0x469: {  	v61 =	vld [tilespmem:s10+$0xFFFFFF50];
	[tilespmem:s10+$0xFFFFFF20] =	vst v18;
	v18 =	vmul.f32 v60, v38  }
0x46a: {  	v37 =	vld [tilespmem:s10+$0xFFFFFFA0];
	v53 =	vmul.f32 v46, v30;
	[tilespmem:s10+$0x230] =	vst v26  }
0x46b: {  	v32 =	vld [tilespmem:s10+$0xFFFFFF70];
	[tilespmem:s10+$0xFFFFFF40] =	vst v18;
	v18 =	vmul.f32 v63, v38  }
0x46c: {  	v40 =	vld [tilespmem:s10+$0xFFFFFFC0];
	v59 =	vmul.f32 v52, v22;
	[tilespmem:s10+$0xFFFFFEB0] =	vst v53  }
0x46d: {  	v47 =	vld [tilespmem:s10+$0x10];
	[tilespmem:s10+$0xFFFFFF60] =	vst v18;
	v18 =	vmul.f32 v34, v23  }
0x46e: {  	v43 =	vld [tilespmem:s10+$0xFFFFFFE0];
	v36 =	vmul.f32 v61, v38;
	[tilespmem:s10+$0x50] =	vst v59  }
0x46f: {  	v55 =	vld [tilespmem:s10+$0x70];
	[tilespmem:s10+$0xFFFFFF80] =	vst v18;
	v18 =	vmul.f32 v37, v23  }
0x470: {  	v46 =	vld [tilespmem:s10+$0x0];
	v39 =	vmul.f32 v32, v23;
	[tilespmem:s10+$0xFFFFFF50] =	vst v36  }
0x471: {  	v58 =	vld [tilespmem:s10+$0x90];
	[tilespmem:s10+$0xFFFFFFA0] =	vst v18;
	v18 =	vmul.f32 v40, v23  }
0x472: {  	v49 =	vld [tilespmem:s10+$0x20];
	v53 =	vmul.f32 v47, v22;
	[tilespmem:s10+$0xFFFFFF70] =	vst v39  }
0x473: {  	v35 =	vld [tilespmem:s10+$0xFFFFFF90];
	[tilespmem:s10+$0xFFFFFFC0] =	vst v18;
	v18 =	vmul.f32 v43, v23  }
0x474: {  	v62 =	vmul.f32 v55, v22;
	[tilespmem:s10+$0x10] =	vst v53;
	v51 =	vld [tilespmem:s10+$0x40]  }
0x475: {  	v41 =	vld [tilespmem:s10+$0xFFFFFFD0];
	[tilespmem:s10+$0xFFFFFFE0] =	vst v18;
	v18 =	vmul.f32 v46, v22  }
0x476: {  	v33 =	vmul.f32 v58, v21;
	[tilespmem:s10+$0x70] =	vst v62;
	v54 =	vld [tilespmem:s10+$0x60]  }
0x477: {  	v61 =	vld [tilespmem:s10+$0xB0];
	[tilespmem:s10+$0x0] =	vst v18;
	v18 =	vmul.f32 v49, v22  }
0x478: {  	v42 =	vmul.f32 v35, v23;
	[tilespmem:s10+$0x90] =	vst v33;
	v57 =	vld [tilespmem:s10+$0x80]  }
0x479: {  	v35 =	vld [tilespmem:s10+$0xF0];
	[tilespmem:s10+$0x20] =	vst v18;
	v18 =	vmul.f32 v51, v22  }
0x47a: {  	[tilespmem:s10+$0xFFFFFF90] =	vst v42;
	v48 =	vmul.f32 v41, v23;
	v60 =	vld [tilespmem:s10+$0xA0]  }
0x47b: {  	v38 =	vld [tilespmem:s10+$0xFFFFFFB0];
	[tilespmem:s10+$0x40] =	vst v18;
	v18 =	vmul.f32 v54, v22  }
0x47c: {  	v36 =	vmul.f32 v61, v21;
	[tilespmem:s10+$0xFFFFFFD0] =	vst v48;
	v63 =	vld [tilespmem:s10+$0xC0]  }
0x47d: {  	v48 =	vld [tilespmem:s10+$0x190];
	[tilespmem:s10+$0x60] =	vst v18;
	v18 =	vmul.f32 v57, v22  }
0x47e: {  	[tilespmem:s10+$0xB0] =	vst v36;
	v41 =	vmul.f32 v35, v21;
	v34 =	vld [tilespmem:s10+$0xE0]  }
0x47f: {  	v44 =	vld [tilespmem:s10+$0xFFFFFFF0];
	[tilespmem:s10+$0x80] =	vst v18;
	v18 =	vmul.f32 v60, v21  }
0x480: {  	[tilespmem:s10+$0xF0] =	vst v41;
	v37 =	vld [tilespmem:s10+$0x100];
	v45 =	vmul.f32 v38, v23  }
0x481: {  	v40 =	vld [tilespmem:s10+$0x130];
	[tilespmem:s10+$0xA0] =	vst v18;
	v18 =	vmul.f32 v63, v21  }
0x482: {  	v39 =	vld [tilespmem:s10+$0x120];
	v55 =	vmul.f32 v48, v20;
	[tilespmem:s10+$0xFFFFFFB0] =	vst v45  }
0x483: {  	v45 =	vld [tilespmem:s10+$0x170];
	[tilespmem:s10+$0xC0] =	vst v18;
	v18 =	vmul.f32 v34, v21  }
0x484: {  	v42 =	vld [tilespmem:s10+$0x140];
	[tilespmem:s10+$0x190] =	vst v55;
	v23 =	vmul.f32 v44, v23  }
0x485: {  	v43 =	vld [tilespmem:s10+$0x150];
	[tilespmem:s10+$0xE0] =	vst v18;
	v18 =	vmul.f32 v37, v21  }
0x486: {  	v44 =	vld [tilespmem:s10+$0x160];
	[tilespmem:s10+$0xFFFFFFF0] =	vst v23;
	v46 =	vmul.f32 v40, v20  }
0x487: {  	v32 =	vld [tilespmem:s10+$0xD0];
	[tilespmem:s10+$0x100] =	vst v18;
	v18 =	vmul.f32 v39, v20  }
0x488: {  	v47 =	vld [tilespmem:s10+$0x180];
	v52 =	vmul.f32 v45, v20;
	[tilespmem:s10+$0x130] =	vst v46  }
0x489: {  	v51 =	vld [tilespmem:s10+$0x1B0];
	[tilespmem:s10+$0x120] =	vst v18;
	v18 =	vmul.f32 v42, v20  }
0x48a: {  	v50 =	vld [tilespmem:s10+$0x1A0];
	v49 =	vmul.f32 v43, v20;
	[tilespmem:s10+$0x170] =	vst v52  }
0x48b: {  	v54 =	vld [tilespmem:s10+$0x1D0];
	[tilespmem:s10+$0x140] =	vst v18;
	v18 =	vmul.f32 v44, v20  }
0x48c: {  	v53 =	vld [tilespmem:s10+$0x1C0];
	[tilespmem:s10+$0x150] =	vst v49;
	v22 =	vmul.f32 v32, v21  }
0x48d: {  	v60 =	vld [tilespmem:s10+$0x210];
	[tilespmem:s10+$0x160] =	vst v18;
	v18 =	vmul.f32 v47, v20  }
0x48e: {  	v56 =	vld [tilespmem:s10+$0x1E0];
	v58 =	vmul.f32 v51, v19;
	[tilespmem:s10+$0xD0] =	vst v22  }
0x48f: {  	v38 =	vld [tilespmem:s10+$0x110];
	[tilespmem:s10+$0x180] =	vst v18;
	v18 =	vmul.f32 v50, v20  }
0x490: {  	v59 =	vld [tilespmem:s10+$0x200];
	[tilespmem:s10+$0x1B0] =	vst v58;
	v61 =	vmul.f32 v54, v19  }
0x491: {  	v57 =	vld [tilespmem:s10+$0x1F0];
	[tilespmem:s10+$0x1A0] =	vst v18;
	v18 =	vmul.f32 v53, v19  }
0x492: {  	v62 =	vld [tilespmem:s10+$0x220];
	[tilespmem:s10+$0x1D0] =	vst v61;
	v63 =	vmul.f32 v60, v19  }
0x493: {  	[tilespmem:s10+$0x1C0] =	vst v18;
	v18 =	vmul.f32 v56, v19  }
0x494: {  	s12 =	sadd.s32 $0x1, s12;
	v21 =	vmul.f32 v38, v21;
	[tilespmem:s10+$0x210] =	vst v63  }
0x495: {  	p0 =	sne.s32 s12, $0x28;
	[tilespmem:s10+$0x1E0] =	vst v18;
	v18 =	vmul.f32 v59, v19  }
.Ltmp4:
0x496: {  	[tilespmem:s10+$0x110] =	vst v21;
	v20 =	vmul.f32 v57, v19;
	(pc) =	sbr.rel @p0 .LBB2_6-.Ltmp4, $4  }
0x497: {  	[tilespmem:s10+$0x200] =	vst v18;
	v18 =	vmul.f32 v62, v19  }
0x498: {  	[tilespmem:s10+$0x1F0] =	vst v20  }
0x499: {  	[tilespmem:s10+$0x220] =	vst v18  }
0x49a: {  	[spmem:s2] =	stream.indirect.scatter.add.f32 [tilespmem:s26], [sflag:$0x5], $0x90, s31, s28, $0xb8;
	[tilespmem:$0x1FC10] =	vst v63  }
0x49b: {  	_ =	swait.ge [sflag:s22], $0x4800  }
0x49c: {  	[sflag:s22] =	ssyncset.done $0x0  }
0x49d: {  	[sflag:s22] =	ssyncadd.s32 $0xFFFFB800  }
0x49e: {  	_ =	swait.ge [sflag:s23], $0x4800  }
0x49f: {  	[sflag:s23] =	ssyncset.done $0x0  }
0x4a0: {  	[sflag:s23] =	ssyncadd.s32 $0xFFFFB800  }
0x4a1: {  	_ =	swait.ge [sflag:s24], $0x80  }
0x4a2: {  	[sflag:s24] =	ssyncset.done $0x0  }
0x4a3: {  	[sflag:s24] =	ssyncadd.s32 $0xFFFFFF80  }
0x4a4: {  	s0 =	stileid.u32;
	[bflag:$0x0] =	sbarrier.arrive $0xFFFF  }
0x4a5: {  	s0 =	sshll.u32 s0, $0x6;
	s9 =	rddreg [dreg:$0x5]  }
0x4a6: {  	s0 =	sor.u32 $0x1C07, s0;
	s10 =	rddreg [dreg:$0xd];
	s1 =	sshrl.u32 s9, $0x3  }
0x4a7: {  	[hbm:s10], [sflag:s0] =	dma.local [spmem:s1], $0x900  }
0x4a8: {  	_ =	swait.ge [sflag:s25], $0x900  }
0x4a9: {  	[sflag:s25] =	ssyncset.done $0x0;
	s12 =	rddreg [dreg:$0x6]  }
0x4aa: {  	s13 =	rddreg [dreg:$0xe];
	[sflag:s25] =	ssyncadd.s32 $0xFFFFF700;
	s1 =	sshrl.u32 s12, $0x3  }
0x4ab: {  	[hbm:s13], [sflag:s0] =	dma.local [spmem:s1], $0x900  }
0x4ac: {  	_ =	swait.ge [sflag:s25], $0x900  }
0x4ad: {  	[sflag:s25] =	ssyncset.done $0x0;
	s10 =	rddreg [dreg:$0x7]  }
0x4ae: {  	s11 =	rddreg [dreg:$0xf];
	[sflag:s25] =	ssyncadd.s32 $0xFFFFF700;
	s1 =	sshrl.u32 s10, $0x3  }
0x4af: {  	[hbm:s11], [sflag:s0] =	dma.local [spmem:s1], $0x900  }
0x4b0: {  	_ =	swait.ge [sflag:s25], $0x900  }
0x4b1: {  	[sflag:s25] =	ssyncset.done $0x0;
	s12 =	rddreg [dreg:$0x8]  }
0x4b2: {  	s13 =	rddreg [dreg:$0x10];
	[sflag:s25] =	ssyncadd.s32 $0xFFFFF700;
	s1 =	sshrl.u32 s12, $0x3  }
0x4b3: {  	[hbm:s13], [sflag:s0] =	dma.local [spmem:s1], $0x900  }
0x4b4: {  	_ =	swait.ge [sflag:s25], $0x900  }
0x4b5: {  	[sflag:s25] =	ssyncset.done $0x0;
	s10 =	rddreg [dreg:$0x9]  }
0x4b6: {  	s11 =	rddreg [dreg:$0x11];
	[sflag:s25] =	ssyncadd.s32 $0xFFFFF700;
	s1 =	sshrl.u32 s10, $0x3  }
0x4b7: {  	[hbm:s11], [sflag:s0] =	dma.local [spmem:s1], $0x900  }
0x4b8: {  	_ =	swait.ge [sflag:s25], $0x900  }
0x4b9: {  	s12 =	rddreg [dreg:$0x13]  }
0x4ba: {  	s13 =	rddreg [dreg:$0x12];
	s1 =	sadd.s32 $0x1, s12  }
0x4bb: {  	p0 =	sne.s32 s1, s13  }
.Ltmp5:
0x4bc: {  	_ = 	snop;
	(pc) =	sbr.rel @p0 .LBB2_1-.Ltmp5, $3  }
0x4bd: {  	_ =	sdelay $0x1  }
0x4be: {  	[sflag:s25] =	ssyncset.done $0x0  }
0x4bf: {  	[sflag:s25] =	ssyncadd.s32 $0xFFFFF700  }
0x4c0: {  	_ =	sfence.sel $0x180000  }
0x4c1: {  	[bflag:$0x0] =	sbarrier.arrive $0xFFFF  }
0x4c2: {  	_ =	strace $0x90000047  }
0x4c3: {  	s0 =	stileid.u32;
	[bflag:$0x2] =	sbarrier.arrive $0xFFFF  }
0x4c4: {  	p0 =	sne.s32 s0, $0x0;
	s0 =	rddreg [dreg:$0x3]  }
0x4c5: {  	s0 =	sadd.s32 @!p0 $0x100000, s0  }
0x4c6: {  	[sflag:s0] =	ssyncadd.tile.s32 @!p0 $0x1;
	_ =	shalt  }
.Lfunc_end2:
_tile_overlayer_lowered:
.L_overlay_start_2:
0x4c7: {  	(tag) =	ssettag $0x2  }
0x4c8: {  	s0 =	rddreg [dreg:$0x0];
	s2 =	stileid.u32  }
0x4c9: {  	s1 =	rddreg [dreg:$0x1];
	p0 =	sne.s32 s2, $0x0  }
0x4ca: {  	s3 =	rddreg [dreg:$0x2];
	[bflag:$0x3] =	sbarrier.arrive $0xFFFF;
	s2 =	simm.s32 @!p0 $0x1C07  }
0x4cb: {  	[timem:s3], [sflag:s2] =	dma.local @!p0 [hbm:s0], s1  }
0x4cc: {  	s0 =	simm.s32 @!p0 $0x7  }
0x4cd: {  	_ =	swait.ge @!p0 [sflag:s0], s1  }
0x4ce: {  	s1 =	ssub.s32 @!p0 $0x0, s1;
	[sflag:s0] =	ssyncset.done @!p0 $0x0  }
0x4cf: {  	[sflag:s0] =	ssyncadd.s32 @!p0 s1  }
0x4d0: {  	[bflag:$0x3] =	sbarrier.arrive $0xFFFF  }
0x4d1: {  	_ =	shalt  }

</sc_bundles>
